<compile_context>
chip_gen: v7x
topology: tpu7x:2x2x1
jax: 0.10.2.dev20260603
libtpu: 0.0.44.dev20260713+nightly
codegen_flags: <defaults>
</compile_context>

<pallas_src>
import functools

import jax
import jax.numpy as jnp
from jax import lax
from jax.experimental import pallas as pl
from jax.experimental.pallas import tpu as pltpu
from jax.experimental.pallas import tpu_sc as plsc

BATCH = 16384
FEATURE_DIM = 64
NUM_CLASSES = 100000
PAIR = 50176
PROWS = PAIR // 8
HIST = 100352
NC = 2
NS = 16
NW = NC * NS
PER_TILE = BATCH // NW
NCHUNK = PER_TILE // 128
HROWS = 8

_mesh = plsc.VectorSubcoreMesh(core_axis_name="c", subcore_axis_name="s")


def _tc_repack(t0_ref, t1_ref, o_ref):
    o_ref[:, :FEATURE_DIM] = t0_ref[...].T
    o_ref[:, FEATURE_DIM:] = t1_ref[...].T


def _make_table(centers_t):
    return pl.pallas_call(
        _tc_repack,
        grid=(4,),
        in_specs=[
            pl.BlockSpec((FEATURE_DIM, PAIR // 4), lambda i: (0, i)),
            pl.BlockSpec((FEATURE_DIM, PAIR // 4), lambda i: (0, i + 4)),
        ],
        out_specs=pl.BlockSpec((PAIR // 4, 128), lambda i: (i, 0)),
        out_shape=jax.ShapeDtypeStruct((PAIR, 128), jnp.float32),
    )(centers_t, centers_t)


@functools.partial(
    pl.kernel,
    mesh=_mesh,
    out_type=jax.ShapeDtypeStruct((NW, NCHUNK, 128), jnp.float32),
    scratch_types=(
        pltpu.VMEM((NCHUNK, 128), jnp.int32),
        pltpu.VMEM((HROWS, 128), jnp.int32),
        pltpu.VMEM((NCHUNK, 128), jnp.float32),
        pltpu.VMEM((128,), jnp.float32),
        pltpu.VMEM((128,), jnp.float32),
        pltpu.VMEM_SHARED((HIST,), jnp.float32),
    ),
    compiler_params=pltpu.CompilerParams(use_tc_tiling_on_sc=True),
)
def _sc_count(label2d_hbm, cnt_hbm,
              lab_v, labh_v, cnt_v, zeros_v, ones_v, hist_sh):
    cid = lax.axis_index("c")
    sid = lax.axis_index("s")
    wid = sid * NC + cid

    pltpu.sync_copy(label2d_hbm.at[pl.ds(wid * NCHUNK, NCHUNK)], lab_v)
    pltpu.sync_copy(label2d_hbm.at[pl.ds(sid * HROWS, HROWS)], labh_v)
    for k in range(128 // 16):
        zeros_v[pl.ds(k * 16, 16)] = jnp.zeros((16,), jnp.float32)
        ones_v[pl.ds(k * 16, 16)] = jnp.ones((16,), jnp.float32)

    for j in range(HROWS):
        pltpu.sync_copy(zeros_v, hist_sh.at[labh_v.at[j]])
    plsc.subcore_barrier()
    for j in range(HROWS):
        pltpu.sync_copy(ones_v, hist_sh.at[labh_v.at[j]], add=True)
    plsc.subcore_barrier()

    for j in range(NCHUNK):
        pltpu.sync_copy(hist_sh.at[lab_v.at[j]], cnt_v.at[j])
    for j in range(NCHUNK):
        for g in range(128 // 16):
            lab = lab_v[j, pl.ds(g * 16, 16)]
            hi = (((lab - PAIR) >> 31) & 1).astype(jnp.float32)
            cnt_v[j, pl.ds(g * 16, 16)] *= 2.0 * hi - 1.0
    pltpu.sync_copy(cnt_v, cnt_hbm.at[wid])


@functools.partial(
    pl.kernel,
    mesh=_mesh,
    out_type=jax.ShapeDtypeStruct((BATCH, 128), jnp.float32),
    scratch_types=(
        pltpu.VMEM((NCHUNK, 128), jnp.int32),
        pltpu.VMEM((NCHUNK, 128), jnp.int32),
        pltpu.VMEM((PER_TILE, 128), jnp.float32),
        pltpu.SemaphoreType.DMA,
    ),
    compiler_params=pltpu.CompilerParams(use_tc_tiling_on_sc=True),
)
def _sc_gather(label2d_hbm, table_hbm, gath_hbm, lab_v, idxp_v, pair_buf, sem):
    cid = lax.axis_index("c")
    sid = lax.axis_index("s")
    wid = sid * NC + cid
    base = wid * PER_TILE

    pltpu.sync_copy(label2d_hbm.at[pl.ds(wid * NCHUNK, NCHUNK)], lab_v)
    for j in range(NCHUNK):
        for g in range(128 // 16):
            lab = lab_v[j, pl.ds(g * 16, 16)]
            notm = ((lab - PAIR) >> 31) ^ (-1)
            idxp_v[j, pl.ds(g * 16, 16)] = lab - (notm & PAIR)

    copies = [
        pltpu.async_copy(table_hbm.at[idxp_v.at[c]],
                         pair_buf.at[pl.ds(c * 128, 128)], sem)
        for c in range(NCHUNK)
    ]
    for c, cp in enumerate(copies):
        cp.wait()
        pltpu.sync_copy(pair_buf.at[pl.ds(c * 128, 128)],
                        gath_hbm.at[pl.ds(base + c * 128, 128)])


def _tc_loss(f_ref, g_ref, c_ref, o_ref):
    i = pl.program_id(0)

    @pl.when(i == 0)
    def _():
        o_ref[...] = jnp.zeros((1, 1), jnp.float32)

    f = f_ref[...]
    gp = g_ref[...]
    cols = c_ref[...]
    lane = jax.lax.broadcasted_iota(jnp.int32, (_BLK, _GRID), 1)
    c = jnp.sum(jnp.where(lane == i, cols, 0.0), axis=1, keepdims=True)
    d0 = f - gp[:, :FEATURE_DIM]
    d1 = f - gp[:, FEATURE_DIM:]
    s0 = jnp.sum(d0 * d0, axis=1, keepdims=True)
    s1 = jnp.sum(d1 * d1, axis=1, keepdims=True)
    s = jnp.where(c < 0.0, s1, s0)
    o_ref[...] += (jnp.sum(jnp.sqrt(s / jnp.abs(c))) * (1.0 / BATCH)).reshape(1, 1)


_GRID = 8
_BLK = BATCH // _GRID


def kernel(feature, label, centers):
    label2d = label.reshape(BATCH // 128, 128)
    cnt3 = _sc_count(label2d)
    table = _make_table(centers.T)
    gath = _sc_gather(label2d, table)
    cntc = cnt3.reshape(_GRID, _BLK).T
    loss = pl.pallas_call(
        _tc_loss,
        grid=(_GRID,),
        in_specs=[
            pl.BlockSpec((_BLK, FEATURE_DIM), lambda i: (i, 0)),
            pl.BlockSpec((_BLK, 128), lambda i: (i, 0)),
            pl.BlockSpec((_BLK, _GRID), lambda i: (0, 0)),
        ],
        out_specs=pl.BlockSpec((1, 1), lambda i: (0, 0)),
        out_shape=jax.ShapeDtypeStruct((1, 1), jnp.float32),
    )(feature, gath, cntc)
    return loss[0, 0]

# --- scband reference (transcript-rebuilt; emitter-appended) ---
"""Pipeline reference for scband-center-loss-81123342287607 (READ-ONLY COPY).

The authoritative reference and input builder live on the scoring server;
editing this copy changes nothing except your own understanding.
"""

import jax, jax.numpy as jnp
import numpy as np

NUM_CLASSES = 100000
FEATURE_DIM = 64
BATCH = 16384


def setup_inputs(seed: int = 0) -> dict:
    key = jax.random.key(seed)
    k1, k2, k3 = jax.random.split(key, 3)
    feature = jax.random.normal(k1, (BATCH, FEATURE_DIM), dtype=jnp.float32)
    label = jax.random.randint(k2, (BATCH,), 0, NUM_CLASSES, dtype=jnp.int32)
    centers = jax.random.normal(k3, (NUM_CLASSES, FEATURE_DIM), dtype=jnp.float32)
    return {"feature": feature, "label": label, "centers": centers}


def reference(feature, label, centers):
    num_classes = centers.shape[0]
    # centers.index_select(0, label) -> gather rows of the centers table
    softmaxcenter = jnp.take(centers, label, axis=0)
    # torch.histc(label.float(), bins=num_classes, min=0, max=num_classes)
    # with integer labels in [0, num_classes) this is exactly a bincount
    hist = jnp.bincount(label, length=num_classes).astype(jnp.float32)
    # hist.index_select(0, label)
    count = jnp.take(hist, label, axis=0)
    sq = jnp.sum((feature - softmaxcenter) ** 2, axis=1)
    loss = jnp.sum(jnp.sqrt(sq / count)) / label.shape[0]
    return loss

if __name__ == "__main__":
    import jax
    _d = setup_inputs()
    print(jax.jit(kernel)(*tuple(_d.values())))

</pallas_src>

<mosaic_0001>
#map = affine_map<(d0, d1) -> (0, 0)>
#map1 = affine_map<(d0, d1) -> (0, 0, 0)>
module attributes {stable_mosaic.version = 14 : i64} {
  func.func @_sc_count(%arg0: i32, %arg1: i32, %arg2: memref<128x128xi32, #tpu.memory_space<hbm>>, %arg3: memref<32x4x128xf32, #tpu.memory_space<hbm>>, %arg4: memref<4x128xi32, #tpu.memory_space<vmem>>, %arg5: memref<8x128xi32, #tpu.memory_space<vmem>>, %arg6: memref<4x128xf32, #tpu.memory_space<vmem>>, %arg7: memref<128xf32, #tpu.memory_space<vmem>>, %arg8: memref<128xf32, #tpu.memory_space<vmem>>, %arg9: memref<100352xf32, #tpu.memory_space<vmem_shared>>) attributes {dimension_semantics = [#tpu.dimension_semantics<core_parallel>, #tpu.dimension_semantics<subcore_parallel>], iteration_bounds = array<i64: 2, 16>, scalar_prefetch = 0 : i64, scratch_operands = 6 : i64, tpu.core_type = #tpu.core_type<sc_vector_subcore>, window_params = [{transform_indices = #map}, {transform_indices = #map1}]} {
    %mul3A = arith.constant 2 : i32
    %mul3A_0 = arith.muli %arg1, %mul3A : i32
    %add3A = arith.addi %mul3A_0, %arg0 : i32
    %mul3A_1 = arith.constant 4 : i32
    %mul3A_2 = arith.muli %add3A, %mul3A_1 : i32
    "tpu.region"() ({
      %run_scoped3A_1174 = tpu.sem_alloc : memref<!tpu.dma_semaphore, #tpu.memory_space<semaphore_mem>>
      %dma_start3A = arith.constant 0 : i32
      %dma_start3A_1175 = tpu.memref_slice %arg2[%mul3A_2, %dma_start3A] : memref<128x128xi32, #tpu.memory_space<hbm>> -> memref<4x128xi32, #tpu.memory_space<hbm>>
      %dma_start3A_1176 = arith.constant 0 : i32
      %dma_start3A_1177 = tpu.memref_slice %arg2[%mul3A_2, %dma_start3A_1176] : memref<128x128xi32, #tpu.memory_space<hbm>> -> memref<4x128xi32, #tpu.memory_space<hbm>>
      tpu.enqueue_dma source(%dma_start3A_1177 : memref<4x128xi32, #tpu.memory_space<hbm>>) target(%arg4 : memref<4x128xi32, #tpu.memory_space<vmem>>) target_semaphore(%run_scoped3A_1174 : memref<!tpu.dma_semaphore, #tpu.memory_space<semaphore_mem>>)
      %dma_wait3A = arith.constant 0 : i32
      %dma_wait3A_1178 = tpu.memref_slice %arg2[%mul3A_2, %dma_wait3A] : memref<128x128xi32, #tpu.memory_space<hbm>> -> memref<4x128xi32, #tpu.memory_space<hbm>>
      %dma_wait3A_1179 = arith.constant 0 : i32
      %dma_wait3A_1180 = tpu.memref_slice %arg2[%mul3A_2, %dma_wait3A_1179] : memref<128x128xi32, #tpu.memory_space<hbm>> -> memref<4x128xi32, #tpu.memory_space<hbm>>
      tpu.wait_dma2 semaphore(%run_scoped3A_1174 : memref<!tpu.dma_semaphore, #tpu.memory_space<semaphore_mem>>) src(%dma_wait3A_1180 : memref<4x128xi32, #tpu.memory_space<hbm>>) dst(%arg4 : memref<4x128xi32, #tpu.memory_space<vmem>>)
      tpu.yield
    }) : () -> ()
    %mul3A_3 = arith.constant 8 : i32
    %mul3A_4 = arith.muli %arg1, %mul3A_3 : i32
    "tpu.region"() ({
      %run_scoped3A_1174 = tpu.sem_alloc : memref<!tpu.dma_semaphore, #tpu.memory_space<semaphore_mem>>
      %dma_start3A = arith.constant 0 : i32
      %dma_start3A_1175 = tpu.memref_slice %arg2[%mul3A_4, %dma_start3A] : memref<128x128xi32, #tpu.memory_space<hbm>> -> memref<8x128xi32, #tpu.memory_space<hbm>>
      %dma_start3A_1176 = arith.constant 0 : i32
      %dma_start3A_1177 = tpu.memref_slice %arg2[%mul3A_4, %dma_start3A_1176] : memref<128x128xi32, #tpu.memory_space<hbm>> -> memref<8x128xi32, #tpu.memory_space<hbm>>
      tpu.enqueue_dma source(%dma_start3A_1177 : memref<8x128xi32, #tpu.memory_space<hbm>>) target(%arg5 : memref<8x128xi32, #tpu.memory_space<vmem>>) target_semaphore(%run_scoped3A_1174 : memref<!tpu.dma_semaphore, #tpu.memory_space<semaphore_mem>>)
      %dma_wait3A = arith.constant 0 : i32
      %dma_wait3A_1178 = tpu.memref_slice %arg2[%mul3A_4, %dma_wait3A] : memref<128x128xi32, #tpu.memory_space<hbm>> -> memref<8x128xi32, #tpu.memory_space<hbm>>
      %dma_wait3A_1179 = arith.constant 0 : i32
      %dma_wait3A_1180 = tpu.memref_slice %arg2[%mul3A_4, %dma_wait3A_1179] : memref<128x128xi32, #tpu.memory_space<hbm>> -> memref<8x128xi32, #tpu.memory_space<hbm>>
      tpu.wait_dma2 semaphore(%run_scoped3A_1174 : memref<!tpu.dma_semaphore, #tpu.memory_space<semaphore_mem>>) src(%dma_wait3A_1180 : memref<8x128xi32, #tpu.memory_space<hbm>>) dst(%arg5 : memref<8x128xi32, #tpu.memory_space<vmem>>)
      tpu.yield
    }) : () -> ()
    %broadcast_in_dim3A = arith.constant 0.000000e+00 : f32
    %broadcast_in_dim3A_5 = vector.broadcast %broadcast_in_dim3A : f32 to vector<16xf32>
    %swap3A = arith.constant 0 : index
    %swap3A_6 = tpu.vector_load %arg7[%swap3A] {strides = array<i32>} : memref<128xf32, #tpu.memory_space<vmem>>, vector<16xf32>,
    %swap3A_7 = vector.shape_cast %swap3A_6 : vector<16xf32> to vector<16xf32>
    %swap3A_8 = vector.shape_cast %broadcast_in_dim3A_5 : vector<16xf32> to vector<16xf32>
    tpu.vector_store %arg7[%swap3A], %swap3A_8 {strides = array<i32>} : memref<128xf32, #tpu.memory_space<vmem>>, vector<16xf32>,
    %broadcast_in_dim3A_9 = arith.constant 1.000000e+00 : f32
    %broadcast_in_dim3A_10 = vector.broadcast %broadcast_in_dim3A_9 : f32 to vector<16xf32>
    %swap3A_11 = arith.constant 0 : index
    %swap3A_12 = tpu.vector_load %arg8[%swap3A_11] {strides = array<i32>} : memref<128xf32, #tpu.memory_space<vmem>>, vector<16xf32>,
    %swap3A_13 = vector.shape_cast %swap3A_12 : vector<16xf32> to vector<16xf32>
    %swap3A_14 = vector.shape_cast %broadcast_in_dim3A_10 : vector<16xf32> to vector<16xf32>
    tpu.vector_store %arg8[%swap3A_11], %swap3A_14 {strides = array<i32>} : memref<128xf32, #tpu.memory_space<vmem>>, vector<16xf32>,
    %broadcast_in_dim3A_15 = arith.constant 0.000000e+00 : f32
    %broadcast_in_dim3A_16 = vector.broadcast %broadcast_in_dim3A_15 : f32 to vector<16xf32>
    %swap3A_17 = arith.constant 16 : index
    %swap3A_18 = tpu.vector_load %arg7[%swap3A_17] {strides = array<i32>} : memref<128xf32, #tpu.memory_space<vmem>>, vector<16xf32>,
    %swap3A_19 = vector.shape_cast %swap3A_18 : vector<16xf32> to vector<16xf32>
    %swap3A_20 = vector.shape_cast %broadcast_in_dim3A_16 : vector<16xf32> to vector<16xf32>
    tpu.vector_store %arg7[%swap3A_17], %swap3A_20 {strides = array<i32>} : memref<128xf32, #tpu.memory_space<vmem>>, vector<16xf32>,
    %broadcast_in_dim3A_21 = arith.constant 1.000000e+00 : f32
    %broadcast_in_dim3A_22 = vector.broadcast %broadcast_in_dim3A_21 : f32 to vector<16xf32>
    %swap3A_23 = arith.constant 16 : index
    %swap3A_24 = tpu.vector_load %arg8[%swap3A_23] {strides = array<i32>} : memref<128xf32, #tpu.memory_space<vmem>>, vector<16xf32>,
    %swap3A_25 = vector.shape_cast %swap3A_24 : vector<16xf32> to vector<16xf32>
    %swap3A_26 = vector.shape_cast %broadcast_in_dim3A_22 : vector<16xf32> to vector<16xf32>
    tpu.vector_store %arg8[%swap3A_23], %swap3A_26 {strides = array<i32>} : memref<128xf32, #tpu.memory_space<vmem>>, vector<16xf32>,
    %broadcast_in_dim3A_27 = arith.constant 0.000000e+00 : f32
    %broadcast_in_dim3A_28 = vector.broadcast %broadcast_in_dim3A_27 : f32 to vector<16xf32>
    %swap3A_29 = arith.constant 32 : index
    %swap3A_30 = tpu.vector_load %arg7[%swap3A_29] {strides = array<i32>} : memref<128xf32, #tpu.memory_space<vmem>>, vector<16xf32>,
    %swap3A_31 = vector.shape_cast %swap3A_30 : vector<16xf32> to vector<16xf32>
    %swap3A_32 = vector.shape_cast %broadcast_in_dim3A_28 : vector<16xf32> to vector<16xf32>
    tpu.vector_store %arg7[%swap3A_29], %swap3A_32 {strides = array<i32>} : memref<128xf32, #tpu.memory_space<vmem>>, vector<16xf32>,
    %broadcast_in_dim3A_33 = arith.constant 1.000000e+00 : f32
    %broadcast_in_dim3A_34 = vector.broadcast %broadcast_in_dim3A_33 : f32 to vector<16xf32>
    %swap3A_35 = arith.constant 32 : index
    %swap3A_36 = tpu.vector_load %arg8[%swap3A_35] {strides = array<i32>} : memref<128xf32, #tpu.memory_space<vmem>>, vector<16xf32>,
    %swap3A_37 = vector.shape_cast %swap3A_36 : vector<16xf32> to vector<16xf32>
    %swap3A_38 = vector.shape_cast %broadcast_in_dim3A_34 : vector<16xf32> to vector<16xf32>
    tpu.vector_store %arg8[%swap3A_35], %swap3A_38 {strides = array<i32>} : memref<128xf32, #tpu.memory_space<vmem>>, vector<16xf32>,
    %broadcast_in_dim3A_39 = arith.constant 0.000000e+00 : f32
    %broadcast_in_dim3A_40 = vector.broadcast %broadcast_in_dim3A_39 : f32 to vector<16xf32>
    %swap3A_41 = arith.constant 48 : index
    %swap3A_42 = tpu.vector_load %arg7[%swap3A_41] {strides = array<i32>} : memref<128xf32, #tpu.memory_space<vmem>>, vector<16xf32>,
    %swap3A_43 = vector.shape_cast %swap3A_42 : vector<16xf32> to vector<16xf32>
    %swap3A_44 = vector.shape_cast %broadcast_in_dim3A_40 : vector<16xf32> to vector<16xf32>
    tpu.vector_store %arg7[%swap3A_41], %swap3A_44 {strides = array<i32>} : memref<128xf32, #tpu.memory_space<vmem>>, vector<16xf32>,
    %broadcast_in_dim3A_45 = arith.constant 1.000000e+00 : f32
    %broadcast_in_dim3A_46 = vector.broadcast %broadcast_in_dim3A_45 : f32 to vector<16xf32>
    %swap3A_47 = arith.constant 48 : index
    %swap3A_48 = tpu.vector_load %arg8[%swap3A_47] {strides = array<i32>} : memref<128xf32, #tpu.memory_space<vmem>>, vector<16xf32>,
    %swap3A_49 = vector.shape_cast %swap3A_48 : vector<16xf32> to vector<16xf32>
    %swap3A_50 = vector.shape_cast %broadcast_in_dim3A_46 : vector<16xf32> to vector<16xf32>
    tpu.vector_store %arg8[%swap3A_47], %swap3A_50 {strides = array<i32>} : memref<128xf32, #tpu.memory_space<vmem>>, vector<16xf32>,
    %broadcast_in_dim3A_51 = arith.constant 0.000000e+00 : f32
    %broadcast_in_dim3A_52 = vector.broadcast %broadcast_in_dim3A_51 : f32 to vector<16xf32>
    %swap3A_53 = arith.constant 64 : index
    %swap3A_54 = tpu.vector_load %arg7[%swap3A_53] {strides = array<i32>} : memref<128xf32, #tpu.memory_space<vmem>>, vector<16xf32>,
    %swap3A_55 = vector.shape_cast %swap3A_54 : vector<16xf32> to vector<16xf32>
    %swap3A_56 = vector.shape_cast %broadcast_in_dim3A_52 : vector<16xf32> to vector<16xf32>
    tpu.vector_store %arg7[%swap3A_53], %swap3A_56 {strides = array<i32>} : memref<128xf32, #tpu.memory_space<vmem>>, vector<16xf32>,
    %broadcast_in_dim3A_57 = arith.constant 1.000000e+00 : f32
    %broadcast_in_dim3A_58 = vector.broadcast %broadcast_in_dim3A_57 : f32 to vector<16xf32>
    %swap3A_59 = arith.constant 64 : index
    %swap3A_60 = tpu.vector_load %arg8[%swap3A_59] {strides = array<i32>} : memref<128xf32, #tpu.memory_space<vmem>>, vector<16xf32>,
    %swap3A_61 = vector.shape_cast %swap3A_60 : vector<16xf32> to vector<16xf32>
    %swap3A_62 = vector.shape_cast %broadcast_in_dim3A_58 : vector<16xf32> to vector<16xf32>
    tpu.vector_store %arg8[%swap3A_59], %swap3A_62 {strides = array<i32>} : memref<128xf32, #tpu.memory_space<vmem>>, vector<16xf32>,
    %broadcast_in_dim3A_63 = arith.constant 0.000000e+00 : f32
    %broadcast_in_dim3A_64 = vector.broadcast %broadcast_in_dim3A_63 : f32 to vector<16xf32>
    %swap3A_65 = arith.constant 80 : index
    %swap3A_66 = tpu.vector_load %arg7[%swap3A_65] {strides = array<i32>} : memref<128xf32, #tpu.memory_space<vmem>>, vector<16xf32>,
    %swap3A_67 = vector.shape_cast %swap3A_66 : vector<16xf32> to vector<16xf32>
    %swap3A_68 = vector.shape_cast %broadcast_in_dim3A_64 : vector<16xf32> to vector<16xf32>
    tpu.vector_store %arg7[%swap3A_65], %swap3A_68 {strides = array<i32>} : memref<128xf32, #tpu.memory_space<vmem>>, vector<16xf32>,
    %broadcast_in_dim3A_69 = arith.constant 1.000000e+00 : f32
    %broadcast_in_dim3A_70 = vector.broadcast %broadcast_in_dim3A_69 : f32 to vector<16xf32>
    %swap3A_71 = arith.constant 80 : index
    %swap3A_72 = tpu.vector_load %arg8[%swap3A_71] {strides = array<i32>} : memref<128xf32, #tpu.memory_space<vmem>>, vector<16xf32>,
    %swap3A_73 = vector.shape_cast %swap3A_72 : vector<16xf32> to vector<16xf32>
    %swap3A_74 = vector.shape_cast %broadcast_in_dim3A_70 : vector<16xf32> to vector<16xf32>
    tpu.vector_store %arg8[%swap3A_71], %swap3A_74 {strides = array<i32>} : memref<128xf32, #tpu.memory_space<vmem>>, vector<16xf32>,
    %broadcast_in_dim3A_75 = arith.constant 0.000000e+00 : f32
    %broadcast_in_dim3A_76 = vector.broadcast %broadcast_in_dim3A_75 : f32 to vector<16xf32>
    %swap3A_77 = arith.constant 96 : index
    %swap3A_78 = tpu.vector_load %arg7[%swap3A_77] {strides = array<i32>} : memref<128xf32, #tpu.memory_space<vmem>>, vector<16xf32>,
    %swap3A_79 = vector.shape_cast %swap3A_78 : vector<16xf32> to vector<16xf32>
    %swap3A_80 = vector.shape_cast %broadcast_in_dim3A_76 : vector<16xf32> to vector<16xf32>
    tpu.vector_store %arg7[%swap3A_77], %swap3A_80 {strides = array<i32>} : memref<128xf32, #tpu.memory_space<vmem>>, vector<16xf32>,
    %broadcast_in_dim3A_81 = arith.constant 1.000000e+00 : f32
    %broadcast_in_dim3A_82 = vector.broadcast %broadcast_in_dim3A_81 : f32 to vector<16xf32>
    %swap3A_83 = arith.constant 96 : index
    %swap3A_84 = tpu.vector_load %arg8[%swap3A_83] {strides = array<i32>} : memref<128xf32, #tpu.memory_space<vmem>>, vector<16xf32>,
    %swap3A_85 = vector.shape_cast %swap3A_84 : vector<16xf32> to vector<16xf32>
    %swap3A_86 = vector.shape_cast %broadcast_in_dim3A_82 : vector<16xf32> to vector<16xf32>
    tpu.vector_store %arg8[%swap3A_83], %swap3A_86 {strides = array<i32>} : memref<128xf32, #tpu.memory_space<vmem>>, vector<16xf32>,
    %broadcast_in_dim3A_87 = arith.constant 0.000000e+00 : f32
    %broadcast_in_dim3A_88 = vector.broadcast %broadcast_in_dim3A_87 : f32 to vector<16xf32>
    %swap3A_89 = arith.constant 112 : index
    %swap3A_90 = tpu.vector_load %arg7[%swap3A_89] {strides = array<i32>} : memref<128xf32, #tpu.memory_space<vmem>>, vector<16xf32>,
    %swap3A_91 = vector.shape_cast %swap3A_90 : vector<16xf32> to vector<16xf32>
    %swap3A_92 = vector.shape_cast %broadcast_in_dim3A_88 : vector<16xf32> to vector<16xf32>
    tpu.vector_store %arg7[%swap3A_89], %swap3A_92 {strides = array<i32>} : memref<128xf32, #tpu.memory_space<vmem>>, vector<16xf32>,
    %broadcast_in_dim3A_93 = arith.constant 1.000000e+00 : f32
    %broadcast_in_dim3A_94 = vector.broadcast %broadcast_in_dim3A_93 : f32 to vector<16xf32>
    %swap3A_95 = arith.constant 112 : index
    %swap3A_96 = tpu.vector_load %arg8[%swap3A_95] {strides = array<i32>} : memref<128xf32, #tpu.memory_space<vmem>>, vector<16xf32>,
    %swap3A_97 = vector.shape_cast %swap3A_96 : vector<16xf32> to vector<16xf32>
    %swap3A_98 = vector.shape_cast %broadcast_in_dim3A_94 : vector<16xf32> to vector<16xf32>
    tpu.vector_store %arg8[%swap3A_95], %swap3A_98 {strides = array<i32>} : memref<128xf32, #tpu.memory_space<vmem>>, vector<16xf32>,
    %run_scoped3A = arith.constant 0 : i32
    "tpu.region"() ({
      %run_scoped3A_1174 = tpu.sem_alloc : memref<!tpu.dma_semaphore, #tpu.memory_space<semaphore_mem>>
      %dma_start3A = arith.constant 0 : i32
      %dma_start3A_1175 = tpu.memref_slice %arg5[%run_scoped3A, %dma_start3A] : memref<8x128xi32, #tpu.memory_space<vmem>> -> memref<1x128xi32, #tpu.memory_space<vmem>>
      %dma_start3A_1176 = tpu.memref_squeeze %dma_start3A_1175 : memref<1x128xi32, #tpu.memory_space<vmem>> -> memref<128xi32, #tpu.memory_space<vmem>>
      %dma_start3A_1177 = arith.constant 0 : i32
      %dma_start3A_1178 = tpu.memref_slice %arg9[%dma_start3A_1177] : memref<100352xf32, #tpu.memory_space<vmem_shared>> -> memref<100352xf32, #tpu.memory_space<vmem_shared>>
      tpu.enqueue_indirect_dma source(%arg7 : memref<128xf32, #tpu.memory_space<vmem>>) target(%dma_start3A_1178 : memref<100352xf32, #tpu.memory_space<vmem_shared>>) offsets(%dma_start3A_1176 : memref<128xi32, #tpu.memory_space<vmem>>) semaphore(%run_scoped3A_1174 : memref<!tpu.dma_semaphore, #tpu.memory_space<semaphore_mem>>)
      %dma_wait3A = arith.constant 0 : i32
      %dma_wait3A_1179 = tpu.memref_slice %arg5[%run_scoped3A, %dma_wait3A] : memref<8x128xi32, #tpu.memory_space<vmem>> -> memref<1x128xi32, #tpu.memory_space<vmem>>
      %dma_wait3A_1180 = tpu.memref_squeeze %dma_wait3A_1179 : memref<1x128xi32, #tpu.memory_space<vmem>> -> memref<128xi32, #tpu.memory_space<vmem>>
      %dma_wait3A_1181 = arith.constant 0 : i32
      %dma_wait3A_1182 = tpu.memref_slice %arg9[%dma_wait3A_1181] : memref<100352xf32, #tpu.memory_space<vmem_shared>> -> memref<100352xf32, #tpu.memory_space<vmem_shared>>
      tpu.wait_indirect_dma semaphore(%run_scoped3A_1174 : memref<!tpu.dma_semaphore, #tpu.memory_space<semaphore_mem>>) src(%arg7 : memref<128xf32, #tpu.memory_space<vmem>>) dst(%dma_wait3A_1182 : memref<100352xf32, #tpu.memory_space<vmem_shared>>)
      tpu.yield
    }) : () -> ()
    %run_scoped3A_99 = arith.constant 1 : i32
    "tpu.region"() ({
      %run_scoped3A_1174 = tpu.sem_alloc : memref<!tpu.dma_semaphore, #tpu.memory_space<semaphore_mem>>
      %dma_start3A = arith.constant 0 : i32
      %dma_start3A_1175 = tpu.memref_slice %arg5[%run_scoped3A_99, %dma_start3A] : memref<8x128xi32, #tpu.memory_space<vmem>> -> memref<1x128xi32, #tpu.memory_space<vmem>>
      %dma_start3A_1176 = tpu.memref_squeeze %dma_start3A_1175 : memref<1x128xi32, #tpu.memory_space<vmem>> -> memref<128xi32, #tpu.memory_space<vmem>>
      %dma_start3A_1177 = arith.constant 0 : i32
      %dma_start3A_1178 = tpu.memref_slice %arg9[%dma_start3A_1177] : memref<100352xf32, #tpu.memory_space<vmem_shared>> -> memref<100352xf32, #tpu.memory_space<vmem_shared>>
      tpu.enqueue_indirect_dma source(%arg7 : memref<128xf32, #tpu.memory_space<vmem>>) target(%dma_start3A_1178 : memref<100352xf32, #tpu.memory_space<vmem_shared>>) offsets(%dma_start3A_1176 : memref<128xi32, #tpu.memory_space<vmem>>) semaphore(%run_scoped3A_1174 : memref<!tpu.dma_semaphore, #tpu.memory_space<semaphore_mem>>)
      %dma_wait3A = arith.constant 0 : i32
      %dma_wait3A_1179 = tpu.memref_slice %arg5[%run_scoped3A_99, %dma_wait3A] : memref<8x128xi32, #tpu.memory_space<vmem>> -> memref<1x128xi32, #tpu.memory_space<vmem>>
      %dma_wait3A_1180 = tpu.memref_squeeze %dma_wait3A_1179 : memref<1x128xi32, #tpu.memory_space<vmem>> -> memref<128xi32, #tpu.memory_space<vmem>>
      %dma_wait3A_1181 = arith.constant 0 : i32
      %dma_wait3A_1182 = tpu.memref_slice %arg9[%dma_wait3A_1181] : memref<100352xf32, #tpu.memory_space<vmem_shared>> -> memref<100352xf32, #tpu.memory_space<vmem_shared>>
      tpu.wait_indirect_dma semaphore(%run_scoped3A_1174 : memref<!tpu.dma_semaphore, #tpu.memory_space<semaphore_mem>>) src(%arg7 : memref<128xf32, #tpu.memory_space<vmem>>) dst(%dma_wait3A_1182 : memref<100352xf32, #tpu.memory_space<vmem_shared>>)
      tpu.yield
    }) : () -> ()
    %run_scoped3A_100 = arith.constant 2 : i32
    "tpu.region"() ({
      %run_scoped3A_1174 = tpu.sem_alloc : memref<!tpu.dma_semaphore, #tpu.memory_space<semaphore_mem>>
      %dma_start3A = arith.constant 0 : i32
      %dma_start3A_1175 = tpu.memref_slice %arg5[%run_scoped3A_100, %dma_start3A] : memref<8x128xi32, #tpu.memory_space<vmem>> -> memref<1x128xi32, #tpu.memory_space<vmem>>
      %dma_start3A_1176 = tpu.memref_squeeze %dma_start3A_1175 : memref<1x128xi32, #tpu.memory_space<vmem>> -> memref<128xi32, #tpu.memory_space<vmem>>
      %dma_start3A_1177 = arith.constant 0 : i32
      %dma_start3A_1178 = tpu.memref_slice %arg9[%dma_start3A_1177] : memref<100352xf32, #tpu.memory_space<vmem_shared>> -> memref<100352xf32, #tpu.memory_space<vmem_shared>>
      tpu.enqueue_indirect_dma source(%arg7 : memref<128xf32, #tpu.memory_space<vmem>>) target(%dma_start3A_1178 : memref<100352xf32, #tpu.memory_space<vmem_shared>>) offsets(%dma_start3A_1176 : memref<128xi32, #tpu.memory_space<vmem>>) semaphore(%run_scoped3A_1174 : memref<!tpu.dma_semaphore, #tpu.memory_space<semaphore_mem>>)
      %dma_wait3A = arith.constant 0 : i32
      %dma_wait3A_1179 = tpu.memref_slice %arg5[%run_scoped3A_100, %dma_wait3A] : memref<8x128xi32, #tpu.memory_space<vmem>> -> memref<1x128xi32, #tpu.memory_space<vmem>>
      %dma_wait3A_1180 = tpu.memref_squeeze %dma_wait3A_1179 : memref<1x128xi32, #tpu.memory_space<vmem>> -> memref<128xi32, #tpu.memory_space<vmem>>
      %dma_wait3A_1181 = arith.constant 0 : i32
      %dma_wait3A_1182 = tpu.memref_slice %arg9[%dma_wait3A_1181] : memref<100352xf32, #tpu.memory_space<vmem_shared>> -> memref<100352xf32, #tpu.memory_space<vmem_shared>>
      tpu.wait_indirect_dma semaphore(%run_scoped3A_1174 : memref<!tpu.dma_semaphore, #tpu.memory_space<semaphore_mem>>) src(%arg7 : memref<128xf32, #tpu.memory_space<vmem>>) dst(%dma_wait3A_1182 : memref<100352xf32, #tpu.memory_space<vmem_shared>>)
      tpu.yield
    }) : () -> ()
    %run_scoped3A_101 = arith.constant 3 : i32
    "tpu.region"() ({
      %run_scoped3A_1174 = tpu.sem_alloc : memref<!tpu.dma_semaphore, #tpu.memory_space<semaphore_mem>>
      %dma_start3A = arith.constant 0 : i32
      %dma_start3A_1175 = tpu.memref_slice %arg5[%run_scoped3A_101, %dma_start3A] : memref<8x128xi32, #tpu.memory_space<vmem>> -> memref<1x128xi32, #tpu.memory_space<vmem>>
      %dma_start3A_1176 = tpu.memref_squeeze %dma_start3A_1175 : memref<1x128xi32, #tpu.memory_space<vmem>> -> memref<128xi32, #tpu.memory_space<vmem>>
      %dma_start3A_1177 = arith.constant 0 : i32
      %dma_start3A_1178 = tpu.memref_slice %arg9[%dma_start3A_1177] : memref<100352xf32, #tpu.memory_space<vmem_shared>> -> memref<100352xf32, #tpu.memory_space<vmem_shared>>
      tpu.enqueue_indirect_dma source(%arg7 : memref<128xf32, #tpu.memory_space<vmem>>) target(%dma_start3A_1178 : memref<100352xf32, #tpu.memory_space<vmem_shared>>) offsets(%dma_start3A_1176 : memref<128xi32, #tpu.memory_space<vmem>>) semaphore(%run_scoped3A_1174 : memref<!tpu.dma_semaphore, #tpu.memory_space<semaphore_mem>>)
      %dma_wait3A = arith.constant 0 : i32
      %dma_wait3A_1179 = tpu.memref_slice %arg5[%run_scoped3A_101, %dma_wait3A] : memref<8x128xi32, #tpu.memory_space<vmem>> -> memref<1x128xi32, #tpu.memory_space<vmem>>
      %dma_wait3A_1180 = tpu.memref_squeeze %dma_wait3A_1179 : memref<1x128xi32, #tpu.memory_space<vmem>> -> memref<128xi32, #tpu.memory_space<vmem>>
      %dma_wait3A_1181 = arith.constant 0 : i32
      %dma_wait3A_1182 = tpu.memref_slice %arg9[%dma_wait3A_1181] : memref<100352xf32, #tpu.memory_space<vmem_shared>> -> memref<100352xf32, #tpu.memory_space<vmem_shared>>
      tpu.wait_indirect_dma semaphore(%run_scoped3A_1174 : memref<!tpu.dma_semaphore, #tpu.memory_space<semaphore_mem>>) src(%arg7 : memref<128xf32, #tpu.memory_space<vmem>>) dst(%dma_wait3A_1182 : memref<100352xf32, #tpu.memory_space<vmem_shared>>)
      tpu.yield
    }) : () -> ()
    %run_scoped3A_102 = arith.constant 4 : i32
    "tpu.region"() ({
      %run_scoped3A_1174 = tpu.sem_alloc : memref<!tpu.dma_semaphore, #tpu.memory_space<semaphore_mem>>
      %dma_start3A = arith.constant 0 : i32
      %dma_start3A_1175 = tpu.memref_slice %arg5[%run_scoped3A_102, %dma_start3A] : memref<8x128xi32, #tpu.memory_space<vmem>> -> memref<1x128xi32, #tpu.memory_space<vmem>>
      %dma_start3A_1176 = tpu.memref_squeeze %dma_start3A_1175 : memref<1x128xi32, #tpu.memory_space<vmem>> -> memref<128xi32, #tpu.memory_space<vmem>>
      %dma_start3A_1177 = arith.constant 0 : i32
      %dma_start3A_1178 = tpu.memref_slice %arg9[%dma_start3A_1177] : memref<100352xf32, #tpu.memory_space<vmem_shared>> -> memref<100352xf32, #tpu.memory_space<vmem_shared>>
      tpu.enqueue_indirect_dma source(%arg7 : memref<128xf32, #tpu.memory_space<vmem>>) target(%dma_start3A_1178 : memref<100352xf32, #tpu.memory_space<vmem_shared>>) offsets(%dma_start3A_1176 : memref<128xi32, #tpu.memory_space<vmem>>) semaphore(%run_scoped3A_1174 : memref<!tpu.dma_semaphore, #tpu.memory_space<semaphore_mem>>)
      %dma_wait3A = arith.constant 0 : i32
      %dma_wait3A_1179 = tpu.memref_slice %arg5[%run_scoped3A_102, %dma_wait3A] : memref<8x128xi32, #tpu.memory_space<vmem>> -> memref<1x128xi32, #tpu.memory_space<vmem>>
      %dma_wait3A_1180 = tpu.memref_squeeze %dma_wait3A_1179 : memref<1x128xi32, #tpu.memory_space<vmem>> -> memref<128xi32, #tpu.memory_space<vmem>>
      %dma_wait3A_1181 = arith.constant 0 : i32
      %dma_wait3A_1182 = tpu.memref_slice %arg9[%dma_wait3A_1181] : memref<100352xf32, #tpu.memory_space<vmem_shared>> -> memref<100352xf32, #tpu.memory_space<vmem_shared>>
      tpu.wait_indirect_dma semaphore(%run_scoped3A_1174 : memref<!tpu.dma_semaphore, #tpu.memory_space<semaphore_mem>>) src(%arg7 : memref<128xf32, #tpu.memory_space<vmem>>) dst(%dma_wait3A_1182 : memref<100352xf32, #tpu.memory_space<vmem_shared>>)
      tpu.yield
    }) : () -> ()
    %run_scoped3A_103 = arith.constant 5 : i32
    "tpu.region"() ({
      %run_scoped3A_1174 = tpu.sem_alloc : memref<!tpu.dma_semaphore, #tpu.memory_space<semaphore_mem>>
      %dma_start3A = arith.constant 0 : i32
      %dma_start3A_1175 = tpu.memref_slice %arg5[%run_scoped3A_103, %dma_start3A] : memref<8x128xi32, #tpu.memory_space<vmem>> -> memref<1x128xi32, #tpu.memory_space<vmem>>
      %dma_start3A_1176 = tpu.memref_squeeze %dma_start3A_1175 : memref<1x128xi32, #tpu.memory_space<vmem>> -> memref<128xi32, #tpu.memory_space<vmem>>
      %dma_start3A_1177 = arith.constant 0 : i32
      %dma_start3A_1178 = tpu.memref_slice %arg9[%dma_start3A_1177] : memref<100352xf32, #tpu.memory_space<vmem_shared>> -> memref<100352xf32, #tpu.memory_space<vmem_shared>>
      tpu.enqueue_indirect_dma source(%arg7 : memref<128xf32, #tpu.memory_space<vmem>>) target(%dma_start3A_1178 : memref<100352xf32, #tpu.memory_space<vmem_shared>>) offsets(%dma_start3A_1176 : memref<128xi32, #tpu.memory_space<vmem>>) semaphore(%run_scoped3A_1174 : memref<!tpu.dma_semaphore, #tpu.memory_space<semaphore_mem>>)
      %dma_wait3A = arith.constant 0 : i32
      %dma_wait3A_1179 = tpu.memref_slice %arg5[%run_scoped3A_103, %dma_wait3A] : memref<8x128xi32, #tpu.memory_space<vmem>> -> memref<1x128xi32, #tpu.memory_space<vmem>>
      %dma_wait3A_1180 = tpu.memref_squeeze %dma_wait3A_1179 : memref<1x128xi32, #tpu.memory_space<vmem>> -> memref<128xi32, #tpu.memory_space<vmem>>
      %dma_wait3A_1181 = arith.constant 0 : i32
      %dma_wait3A_1182 = tpu.memref_slice %arg9[%dma_wait3A_1181] : memref<100352xf32, #tpu.memory_space<vmem_shared>> -> memref<100352xf32, #tpu.memory_space<vmem_shared>>
      tpu.wait_indirect_dma semaphore(%run_scoped3A_1174 : memref<!tpu.dma_semaphore, #tpu.memory_space<semaphore_mem>>) src(%arg7 : memref<128xf32, #tpu.memory_space<vmem>>) dst(%dma_wait3A_1182 : memref<100352xf32, #tpu.memory_space<vmem_shared>>)
      tpu.yield
    }) : () -> ()
    %run_scoped3A_104 = arith.constant 6 : i32
    "tpu.region"() ({
      %run_scoped3A_1174 = tpu.sem_alloc : memref<!tpu.dma_semaphore, #tpu.memory_space<semaphore_mem>>
      %dma_start3A = arith.constant 0 : i32
      %dma_start3A_1175 = tpu.memref_slice %arg5[%run_scoped3A_104, %dma_start3A] : memref<8x128xi32, #tpu.memory_space<vmem>> -> memref<1x128xi32, #tpu.memory_space<vmem>>
      %dma_start3A_1176 = tpu.memref_squeeze %dma_start3A_1175 : memref<1x128xi32, #tpu.memory_space<vmem>> -> memref<128xi32, #tpu.memory_space<vmem>>
      %dma_start3A_1177 = arith.constant 0 : i32
      %dma_start3A_1178 = tpu.memref_slice %arg9[%dma_start3A_1177] : memref<100352xf32, #tpu.memory_space<vmem_shared>> -> memref<100352xf32, #tpu.memory_space<vmem_shared>>
      tpu.enqueue_indirect_dma source(%arg7 : memref<128xf32, #tpu.memory_space<vmem>>) target(%dma_start3A_1178 : memref<100352xf32, #tpu.memory_space<vmem_shared>>) offsets(%dma_start3A_1176 : memref<128xi32, #tpu.memory_space<vmem>>) semaphore(%run_scoped3A_1174 : memref<!tpu.dma_semaphore, #tpu.memory_space<semaphore_mem>>)
      %dma_wait3A = arith.constant 0 : i32
      %dma_wait3A_1179 = tpu.memref_slice %arg5[%run_scoped3A_104, %dma_wait3A] : memref<8x128xi32, #tpu.memory_space<vmem>> -> memref<1x128xi32, #tpu.memory_space<vmem>>
      %dma_wait3A_1180 = tpu.memref_squeeze %dma_wait3A_1179 : memref<1x128xi32, #tpu.memory_space<vmem>> -> memref<128xi32, #tpu.memory_space<vmem>>
      %dma_wait3A_1181 = arith.constant 0 : i32
      %dma_wait3A_1182 = tpu.memref_slice %arg9[%dma_wait3A_1181] : memref<100352xf32, #tpu.memory_space<vmem_shared>> -> memref<100352xf32, #tpu.memory_space<vmem_shared>>
      tpu.wait_indirect_dma semaphore(%run_scoped3A_1174 : memref<!tpu.dma_semaphore, #tpu.memory_space<semaphore_mem>>) src(%arg7 : memref<128xf32, #tpu.memory_space<vmem>>) dst(%dma_wait3A_1182 : memref<100352xf32, #tpu.memory_space<vmem_shared>>)
      tpu.yield
    }) : () -> ()
    %run_scoped3A_105 = arith.constant 7 : i32
    "tpu.region"() ({
      %run_scoped3A_1174 = tpu.sem_alloc : memref<!tpu.dma_semaphore, #tpu.memory_space<semaphore_mem>>
      %dma_start3A = arith.constant 0 : i32
      %dma_start3A_1175 = tpu.memref_slice %arg5[%run_scoped3A_105, %dma_start3A] : memref<8x128xi32, #tpu.memory_space<vmem>> -> memref<1x128xi32, #tpu.memory_space<vmem>>
      %dma_start3A_1176 = tpu.memref_squeeze %dma_start3A_1175 : memref<1x128xi32, #tpu.memory_space<vmem>> -> memref<128xi32, #tpu.memory_space<vmem>>
      %dma_start3A_1177 = arith.constant 0 : i32
      %dma_start3A_1178 = tpu.memref_slice %arg9[%dma_start3A_1177] : memref<100352xf32, #tpu.memory_space<vmem_shared>> -> memref<100352xf32, #tpu.memory_space<vmem_shared>>
      tpu.enqueue_indirect_dma source(%arg7 : memref<128xf32, #tpu.memory_space<vmem>>) target(%dma_start3A_1178 : memref<100352xf32, #tpu.memory_space<vmem_shared>>) offsets(%dma_start3A_1176 : memref<128xi32, #tpu.memory_space<vmem>>) semaphore(%run_scoped3A_1174 : memref<!tpu.dma_semaphore, #tpu.memory_space<semaphore_mem>>)
      %dma_wait3A = arith.constant 0 : i32
      %dma_wait3A_1179 = tpu.memref_slice %arg5[%run_scoped3A_105, %dma_wait3A] : memref<8x128xi32, #tpu.memory_space<vmem>> -> memref<1x128xi32, #tpu.memory_space<vmem>>
      %dma_wait3A_1180 = tpu.memref_squeeze %dma_wait3A_1179 : memref<1x128xi32, #tpu.memory_space<vmem>> -> memref<128xi32, #tpu.memory_space<vmem>>
      %dma_wait3A_1181 = arith.constant 0 : i32
      %dma_wait3A_1182 = tpu.memref_slice %arg9[%dma_wait3A_1181] : memref<100352xf32, #tpu.memory_space<vmem_shared>> -> memref<100352xf32, #tpu.memory_space<vmem_shared>>
      tpu.wait_indirect_dma semaphore(%run_scoped3A_1174 : memref<!tpu.dma_semaphore, #tpu.memory_space<semaphore_mem>>) src(%arg7 : memref<128xf32, #tpu.memory_space<vmem>>) dst(%dma_wait3A_1182 : memref<100352xf32, #tpu.memory_space<vmem_shared>>)
      tpu.yield
    }) : () -> ()
    %barrier3A = arith.constant 0 : index
    tpu.barrier barrier_id(%barrier3A)
    %run_scoped3A_106 = arith.constant 0 : i32
    "tpu.region"() ({
      %run_scoped3A_1174 = tpu.sem_alloc : memref<!tpu.dma_semaphore, #tpu.memory_space<semaphore_mem>>
      %dma_start3A = arith.constant 0 : i32
      %dma_start3A_1175 = tpu.memref_slice %arg5[%run_scoped3A_106, %dma_start3A] : memref<8x128xi32, #tpu.memory_space<vmem>> -> memref<1x128xi32, #tpu.memory_space<vmem>>
      %dma_start3A_1176 = tpu.memref_squeeze %dma_start3A_1175 : memref<1x128xi32, #tpu.memory_space<vmem>> -> memref<128xi32, #tpu.memory_space<vmem>>
      %dma_start3A_1177 = arith.constant 0 : i32
      %dma_start3A_1178 = tpu.memref_slice %arg9[%dma_start3A_1177] : memref<100352xf32, #tpu.memory_space<vmem_shared>> -> memref<100352xf32, #tpu.memory_space<vmem_shared>>
      tpu.enqueue_indirect_dma source(%arg8 : memref<128xf32, #tpu.memory_space<vmem>>) target(%dma_start3A_1178 : memref<100352xf32, #tpu.memory_space<vmem_shared>>) offsets(%dma_start3A_1176 : memref<128xi32, #tpu.memory_space<vmem>>) semaphore(%run_scoped3A_1174 : memref<!tpu.dma_semaphore, #tpu.memory_space<semaphore_mem>>) {add = true}
      %dma_wait3A = arith.constant 0 : i32
      %dma_wait3A_1179 = tpu.memref_slice %arg5[%run_scoped3A_106, %dma_wait3A] : memref<8x128xi32, #tpu.memory_space<vmem>> -> memref<1x128xi32, #tpu.memory_space<vmem>>
      %dma_wait3A_1180 = tpu.memref_squeeze %dma_wait3A_1179 : memref<1x128xi32, #tpu.memory_space<vmem>> -> memref<128xi32, #tpu.memory_space<vmem>>
      %dma_wait3A_1181 = arith.constant 0 : i32
      %dma_wait3A_1182 = tpu.memref_slice %arg9[%dma_wait3A_1181] : memref<100352xf32, #tpu.memory_space<vmem_shared>> -> memref<100352xf32, #tpu.memory_space<vmem_shared>>
      tpu.wait_indirect_dma semaphore(%run_scoped3A_1174 : memref<!tpu.dma_semaphore, #tpu.memory_space<semaphore_mem>>) src(%arg8 : memref<128xf32, #tpu.memory_space<vmem>>) dst(%dma_wait3A_1182 : memref<100352xf32, #tpu.memory_space<vmem_shared>>)
      tpu.yield
    }) : () -> ()
    %run_scoped3A_107 = arith.constant 1 : i32
    "tpu.region"() ({
      %run_scoped3A_1174 = tpu.sem_alloc : memref<!tpu.dma_semaphore, #tpu.memory_space<semaphore_mem>>
      %dma_start3A = arith.constant 0 : i32
      %dma_start3A_1175 = tpu.memref_slice %arg5[%run_scoped3A_107, %dma_start3A] : memref<8x128xi32, #tpu.memory_space<vmem>> -> memref<1x128xi32, #tpu.memory_space<vmem>>
      %dma_start3A_1176 = tpu.memref_squeeze %dma_start3A_1175 : memref<1x128xi32, #tpu.memory_space<vmem>> -> memref<128xi32, #tpu.memory_space<vmem>>
      %dma_start3A_1177 = arith.constant 0 : i32
      %dma_start3A_1178 = tpu.memref_slice %arg9[%dma_start3A_1177] : memref<100352xf32, #tpu.memory_space<vmem_shared>> -> memref<100352xf32, #tpu.memory_space<vmem_shared>>
      tpu.enqueue_indirect_dma source(%arg8 : memref<128xf32, #tpu.memory_space<vmem>>) target(%dma_start3A_1178 : memref<100352xf32, #tpu.memory_space<vmem_shared>>) offsets(%dma_start3A_1176 : memref<128xi32, #tpu.memory_space<vmem>>) semaphore(%run_scoped3A_1174 : memref<!tpu.dma_semaphore, #tpu.memory_space<semaphore_mem>>) {add = true}
      %dma_wait3A = arith.constant 0 : i32
      %dma_wait3A_1179 = tpu.memref_slice %arg5[%run_scoped3A_107, %dma_wait3A] : memref<8x128xi32, #tpu.memory_space<vmem>> -> memref<1x128xi32, #tpu.memory_space<vmem>>
      %dma_wait3A_1180 = tpu.memref_squeeze %dma_wait3A_1179 : memref<1x128xi32, #tpu.memory_space<vmem>> -> memref<128xi32, #tpu.memory_space<vmem>>
      %dma_wait3A_1181 = arith.constant 0 : i32
      %dma_wait3A_1182 = tpu.memref_slice %arg9[%dma_wait3A_1181] : memref<100352xf32, #tpu.memory_space<vmem_shared>> -> memref<100352xf32, #tpu.memory_space<vmem_shared>>
      tpu.wait_indirect_dma semaphore(%run_scoped3A_1174 : memref<!tpu.dma_semaphore, #tpu.memory_space<semaphore_mem>>) src(%arg8 : memref<128xf32, #tpu.memory_space<vmem>>) dst(%dma_wait3A_1182 : memref<100352xf32, #tpu.memory_space<vmem_shared>>)
      tpu.yield
    }) : () -> ()
    %run_scoped3A_108 = arith.constant 2 : i32
    "tpu.region"() ({
      %run_scoped3A_1174 = tpu.sem_alloc : memref<!tpu.dma_semaphore, #tpu.memory_space<semaphore_mem>>
      %dma_start3A = arith.constant 0 : i32
      %dma_start3A_1175 = tpu.memref_slice %arg5[%run_scoped3A_108, %dma_start3A] : memref<8x128xi32, #tpu.memory_space<vmem>> -> memref<1x128xi32, #tpu.memory_space<vmem>>
      %dma_start3A_1176 = tpu.memref_squeeze %dma_start3A_1175 : memref<1x128xi32, #tpu.memory_space<vmem>> -> memref<128xi32, #tpu.memory_space<vmem>>
      %dma_start3A_1177 = arith.constant 0 : i32
      %dma_start3A_1178 = tpu.memref_slice %arg9[%dma_start3A_1177] : memref<100352xf32, #tpu.memory_space<vmem_shared>> -> memref<100352xf32, #tpu.memory_space<vmem_shared>>
      tpu.enqueue_indirect_dma source(%arg8 : memref<128xf32, #tpu.memory_space<vmem>>) target(%dma_start3A_1178 : memref<100352xf32, #tpu.memory_space<vmem_shared>>) offsets(%dma_start3A_1176 : memref<128xi32, #tpu.memory_space<vmem>>) semaphore(%run_scoped3A_1174 : memref<!tpu.dma_semaphore, #tpu.memory_space<semaphore_mem>>) {add = true}
      %dma_wait3A = arith.constant 0 : i32
      %dma_wait3A_1179 = tpu.memref_slice %arg5[%run_scoped3A_108, %dma_wait3A] : memref<8x128xi32, #tpu.memory_space<vmem>> -> memref<1x128xi32, #tpu.memory_space<vmem>>
      %dma_wait3A_1180 = tpu.memref_squeeze %dma_wait3A_1179 : memref<1x128xi32, #tpu.memory_space<vmem>> -> memref<128xi32, #tpu.memory_space<vmem>>
      %dma_wait3A_1181 = arith.constant 0 : i32
      %dma_wait3A_1182 = tpu.memref_slice %arg9[%dma_wait3A_1181] : memref<100352xf32, #tpu.memory_space<vmem_shared>> -> memref<100352xf32, #tpu.memory_space<vmem_shared>>
      tpu.wait_indirect_dma semaphore(%run_scoped3A_1174 : memref<!tpu.dma_semaphore, #tpu.memory_space<semaphore_mem>>) src(%arg8 : memref<128xf32, #tpu.memory_space<vmem>>) dst(%dma_wait3A_1182 : memref<100352xf32, #tpu.memory_space<vmem_shared>>)
      tpu.yield
    }) : () -> ()
    %run_scoped3A_109 = arith.constant 3 : i32
    "tpu.region"() ({
      %run_scoped3A_1174 = tpu.sem_alloc : memref<!tpu.dma_semaphore, #tpu.memory_space<semaphore_mem>>
      %dma_start3A = arith.constant 0 : i32
      %dma_start3A_1175 = tpu.memref_slice %arg5[%run_scoped3A_109, %dma_start3A] : memref<8x128xi32, #tpu.memory_space<vmem>> -> memref<1x128xi32, #tpu.memory_space<vmem>>
      %dma_start3A_1176 = tpu.memref_squeeze %dma_start3A_1175 : memref<1x128xi32, #tpu.memory_space<vmem>> -> memref<128xi32, #tpu.memory_space<vmem>>
      %dma_start3A_1177 = arith.constant 0 : i32
      %dma_start3A_1178 = tpu.memref_slice %arg9[%dma_start3A_1177] : memref<100352xf32, #tpu.memory_space<vmem_shared>> -> memref<100352xf32, #tpu.memory_space<vmem_shared>>
      tpu.enqueue_indirect_dma source(%arg8 : memref<128xf32, #tpu.memory_space<vmem>>) target(%dma_start3A_1178 : memref<100352xf32, #tpu.memory_space<vmem_shared>>) offsets(%dma_start3A_1176 : memref<128xi32, #tpu.memory_space<vmem>>) semaphore(%run_scoped3A_1174 : memref<!tpu.dma_semaphore, #tpu.memory_space<semaphore_mem>>) {add = true}
      %dma_wait3A = arith.constant 0 : i32
      %dma_wait3A_1179 = tpu.memref_slice %arg5[%run_scoped3A_109, %dma_wait3A] : memref<8x128xi32, #tpu.memory_space<vmem>> -> memref<1x128xi32, #tpu.memory_space<vmem>>
      %dma_wait3A_1180 = tpu.memref_squeeze %dma_wait3A_1179 : memref<1x128xi32, #tpu.memory_space<vmem>> -> memref<128xi32, #tpu.memory_space<vmem>>
      %dma_wait3A_1181 = arith.constant 0 : i32
      %dma_wait3A_1182 = tpu.memref_slice %arg9[%dma_wait3A_1181] : memref<100352xf32, #tpu.memory_space<vmem_shared>> -> memref<100352xf32, #tpu.memory_space<vmem_shared>>
      tpu.wait_indirect_dma semaphore(%run_scoped3A_1174 : memref<!tpu.dma_semaphore, #tpu.memory_space<semaphore_mem>>) src(%arg8 : memref<128xf32, #tpu.memory_space<vmem>>) dst(%dma_wait3A_1182 : memref<100352xf32, #tpu.memory_space<vmem_shared>>)
      tpu.yield
    }) : () -> ()
    %run_scoped3A_110 = arith.constant 4 : i32
    "tpu.region"() ({
      %run_scoped3A_1174 = tpu.sem_alloc : memref<!tpu.dma_semaphore, #tpu.memory_space<semaphore_mem>>
      %dma_start3A = arith.constant 0 : i32
      %dma_start3A_1175 = tpu.memref_slice %arg5[%run_scoped3A_110, %dma_start3A] : memref<8x128xi32, #tpu.memory_space<vmem>> -> memref<1x128xi32, #tpu.memory_space<vmem>>
      %dma_start3A_1176 = tpu.memref_squeeze %dma_start3A_1175 : memref<1x128xi32, #tpu.memory_space<vmem>> -> memref<128xi32, #tpu.memory_space<vmem>>
      %dma_start3A_1177 = arith.constant 0 : i32
      %dma_start3A_1178 = tpu.memref_slice %arg9[%dma_start3A_1177] : memref<100352xf32, #tpu.memory_space<vmem_shared>> -> memref<100352xf32, #tpu.memory_space<vmem_shared>>
      tpu.enqueue_indirect_dma source(%arg8 : memref<128xf32, #tpu.memory_space<vmem>>) target(%dma_start3A_1178 : memref<100352xf32, #tpu.memory_space<vmem_shared>>) offsets(%dma_start3A_1176 : memref<128xi32, #tpu.memory_space<vmem>>) semaphore(%run_scoped3A_1174 : memref<!tpu.dma_semaphore, #tpu.memory_space<semaphore_mem>>) {add = true}
      %dma_wait3A = arith.constant 0 : i32
      %dma_wait3A_1179 = tpu.memref_slice %arg5[%run_scoped3A_110, %dma_wait3A] : memref<8x128xi32, #tpu.memory_space<vmem>> -> memref<1x128xi32, #tpu.memory_space<vmem>>
      %dma_wait3A_1180 = tpu.memref_squeeze %dma_wait3A_1179 : memref<1x128xi32, #tpu.memory_space<vmem>> -> memref<128xi32, #tpu.memory_space<vmem>>
      %dma_wait3A_1181 = arith.constant 0 : i32
      %dma_wait3A_1182 = tpu.memref_slice %arg9[%dma_wait3A_1181] : memref<100352xf32, #tpu.memory_space<vmem_shared>> -> memref<100352xf32, #tpu.memory_space<vmem_shared>>
      tpu.wait_indirect_dma semaphore(%run_scoped3A_1174 : memref<!tpu.dma_semaphore, #tpu.memory_space<semaphore_mem>>) src(%arg8 : memref<128xf32, #tpu.memory_space<vmem>>) dst(%dma_wait3A_1182 : memref<100352xf32, #tpu.memory_space<vmem_shared>>)
      tpu.yield
    }) : () -> ()
    %run_scoped3A_111 = arith.constant 5 : i32
    "tpu.region"() ({
      %run_scoped3A_1174 = tpu.sem_alloc : memref<!tpu.dma_semaphore, #tpu.memory_space<semaphore_mem>>
      %dma_start3A = arith.constant 0 : i32
      %dma_start3A_1175 = tpu.memref_slice %arg5[%run_scoped3A_111, %dma_start3A] : memref<8x128xi32, #tpu.memory_space<vmem>> -> memref<1x128xi32, #tpu.memory_space<vmem>>
      %dma_start3A_1176 = tpu.memref_squeeze %dma_start3A_1175 : memref<1x128xi32, #tpu.memory_space<vmem>> -> memref<128xi32, #tpu.memory_space<vmem>>
      %dma_start3A_1177 = arith.constant 0 : i32
      %dma_start3A_1178 = tpu.memref_slice %arg9[%dma_start3A_1177] : memref<100352xf32, #tpu.memory_space<vmem_shared>> -> memref<100352xf32, #tpu.memory_space<vmem_shared>>
      tpu.enqueue_indirect_dma source(%arg8 : memref<128xf32, #tpu.memory_space<vmem>>) target(%dma_start3A_1178 : memref<100352xf32, #tpu.memory_space<vmem_shared>>) offsets(%dma_start3A_1176 : memref<128xi32, #tpu.memory_space<vmem>>) semaphore(%run_scoped3A_1174 : memref<!tpu.dma_semaphore, #tpu.memory_space<semaphore_mem>>) {add = true}
      %dma_wait3A = arith.constant 0 : i32
      %dma_wait3A_1179 = tpu.memref_slice %arg5[%run_scoped3A_111, %dma_wait3A] : memref<8x128xi32, #tpu.memory_space<vmem>> -> memref<1x128xi32, #tpu.memory_space<vmem>>
      %dma_wait3A_1180 = tpu.memref_squeeze %dma_wait3A_1179 : memref<1x128xi32, #tpu.memory_space<vmem>> -> memref<128xi32, #tpu.memory_space<vmem>>
      %dma_wait3A_1181 = arith.constant 0 : i32
      %dma_wait3A_1182 = tpu.memref_slice %arg9[%dma_wait3A_1181] : memref<100352xf32, #tpu.memory_space<vmem_shared>> -> memref<100352xf32, #tpu.memory_space<vmem_shared>>
      tpu.wait_indirect_dma semaphore(%run_scoped3A_1174 : memref<!tpu.dma_semaphore, #tpu.memory_space<semaphore_mem>>) src(%arg8 : memref<128xf32, #tpu.memory_space<vmem>>) dst(%dma_wait3A_1182 : memref<100352xf32, #tpu.memory_space<vmem_shared>>)
      tpu.yield
    }) : () -> ()
    %run_scoped3A_112 = arith.constant 6 : i32
    "tpu.region"() ({
      %run_scoped3A_1174 = tpu.sem_alloc : memref<!tpu.dma_semaphore, #tpu.memory_space<semaphore_mem>>
      %dma_start3A = arith.constant 0 : i32
      %dma_start3A_1175 = tpu.memref_slice %arg5[%run_scoped3A_112, %dma_start3A] : memref<8x128xi32, #tpu.memory_space<vmem>> -> memref<1x128xi32, #tpu.memory_space<vmem>>
      %dma_start3A_1176 = tpu.memref_squeeze %dma_start3A_1175 : memref<1x128xi32, #tpu.memory_space<vmem>> -> memref<128xi32, #tpu.memory_space<vmem>>
      %dma_start3A_1177 = arith.constant 0 : i32
      %dma_start3A_1178 = tpu.memref_slice %arg9[%dma_start3A_1177] : memref<100352xf32, #tpu.memory_space<vmem_shared>> -> memref<100352xf32, #tpu.memory_space<vmem_shared>>
      tpu.enqueue_indirect_dma source(%arg8 : memref<128xf32, #tpu.memory_space<vmem>>) target(%dma_start3A_1178 : memref<100352xf32, #tpu.memory_space<vmem_shared>>) offsets(%dma_start3A_1176 : memref<128xi32, #tpu.memory_space<vmem>>) semaphore(%run_scoped3A_1174 : memref<!tpu.dma_semaphore, #tpu.memory_space<semaphore_mem>>) {add = true}
      %dma_wait3A = arith.constant 0 : i32
      %dma_wait3A_1179 = tpu.memref_slice %arg5[%run_scoped3A_112, %dma_wait3A] : memref<8x128xi32, #tpu.memory_space<vmem>> -> memref<1x128xi32, #tpu.memory_space<vmem>>
      %dma_wait3A_1180 = tpu.memref_squeeze %dma_wait3A_1179 : memref<1x128xi32, #tpu.memory_space<vmem>> -> memref<128xi32, #tpu.memory_space<vmem>>
      %dma_wait3A_1181 = arith.constant 0 : i32
      %dma_wait3A_1182 = tpu.memref_slice %arg9[%dma_wait3A_1181] : memref<100352xf32, #tpu.memory_space<vmem_shared>> -> memref<100352xf32, #tpu.memory_space<vmem_shared>>
      tpu.wait_indirect_dma semaphore(%run_scoped3A_1174 : memref<!tpu.dma_semaphore, #tpu.memory_space<semaphore_mem>>) src(%arg8 : memref<128xf32, #tpu.memory_space<vmem>>) dst(%dma_wait3A_1182 : memref<100352xf32, #tpu.memory_space<vmem_shared>>)
      tpu.yield
    }) : () -> ()
    %run_scoped3A_113 = arith.constant 7 : i32
    "tpu.region"() ({
      %run_scoped3A_1174 = tpu.sem_alloc : memref<!tpu.dma_semaphore, #tpu.memory_space<semaphore_mem>>
      %dma_start3A = arith.constant 0 : i32
      %dma_start3A_1175 = tpu.memref_slice %arg5[%run_scoped3A_113, %dma_start3A] : memref<8x128xi32, #tpu.memory_space<vmem>> -> memref<1x128xi32, #tpu.memory_space<vmem>>
      %dma_start3A_1176 = tpu.memref_squeeze %dma_start3A_1175 : memref<1x128xi32, #tpu.memory_space<vmem>> -> memref<128xi32, #tpu.memory_space<vmem>>
      %dma_start3A_1177 = arith.constant 0 : i32
      %dma_start3A_1178 = tpu.memref_slice %arg9[%dma_start3A_1177] : memref<100352xf32, #tpu.memory_space<vmem_shared>> -> memref<100352xf32, #tpu.memory_space<vmem_shared>>
      tpu.enqueue_indirect_dma source(%arg8 : memref<128xf32, #tpu.memory_space<vmem>>) target(%dma_start3A_1178 : memref<100352xf32, #tpu.memory_space<vmem_shared>>) offsets(%dma_start3A_1176 : memref<128xi32, #tpu.memory_space<vmem>>) semaphore(%run_scoped3A_1174 : memref<!tpu.dma_semaphore, #tpu.memory_space<semaphore_mem>>) {add = true}
      %dma_wait3A = arith.constant 0 : i32
      %dma_wait3A_1179 = tpu.memref_slice %arg5[%run_scoped3A_113, %dma_wait3A] : memref<8x128xi32, #tpu.memory_space<vmem>> -> memref<1x128xi32, #tpu.memory_space<vmem>>
      %dma_wait3A_1180 = tpu.memref_squeeze %dma_wait3A_1179 : memref<1x128xi32, #tpu.memory_space<vmem>> -> memref<128xi32, #tpu.memory_space<vmem>>
      %dma_wait3A_1181 = arith.constant 0 : i32
      %dma_wait3A_1182 = tpu.memref_slice %arg9[%dma_wait3A_1181] : memref<100352xf32, #tpu.memory_space<vmem_shared>> -> memref<100352xf32, #tpu.memory_space<vmem_shared>>
      tpu.wait_indirect_dma semaphore(%run_scoped3A_1174 : memref<!tpu.dma_semaphore, #tpu.memory_space<semaphore_mem>>) src(%arg8 : memref<128xf32, #tpu.memory_space<vmem>>) dst(%dma_wait3A_1182 : memref<100352xf32, #tpu.memory_space<vmem_shared>>)
      tpu.yield
    }) : () -> ()
    %barrier3A_114 = arith.constant 0 : index
    tpu.barrier barrier_id(%barrier3A_114)
    %run_scoped3A_115 = arith.constant 0 : i32
    %run_scoped3A_116 = arith.constant 0 : i32
    "tpu.region"() ({
      %run_scoped3A_1174 = tpu.sem_alloc : memref<!tpu.dma_semaphore, #tpu.memory_space<semaphore_mem>>
      %dma_start3A = arith.constant 0 : i32
      %dma_start3A_1175 = tpu.memref_slice %arg6[%run_scoped3A_116, %dma_start3A] : memref<4x128xf32, #tpu.memory_space<vmem>> -> memref<1x128xf32, #tpu.memory_space<vmem>>
      %dma_start3A_1176 = tpu.memref_squeeze %dma_start3A_1175 : memref<1x128xf32, #tpu.memory_space<vmem>> -> memref<128xf32, #tpu.memory_space<vmem>>
      %dma_start3A_1177 = arith.constant 0 : i32
      %dma_start3A_1178 = tpu.memref_slice %arg4[%run_scoped3A_115, %dma_start3A_1177] : memref<4x128xi32, #tpu.memory_space<vmem>> -> memref<1x128xi32, #tpu.memory_space<vmem>>
      %dma_start3A_1179 = tpu.memref_squeeze %dma_start3A_1178 : memref<1x128xi32, #tpu.memory_space<vmem>> -> memref<128xi32, #tpu.memory_space<vmem>>
      %dma_start3A_1180 = arith.constant 0 : i32
      %dma_start3A_1181 = tpu.memref_slice %arg9[%dma_start3A_1180] : memref<100352xf32, #tpu.memory_space<vmem_shared>> -> memref<100352xf32, #tpu.memory_space<vmem_shared>>
      tpu.enqueue_indirect_dma source(%dma_start3A_1181 : memref<100352xf32, #tpu.memory_space<vmem_shared>>) target(%dma_start3A_1176 : memref<128xf32, #tpu.memory_space<vmem>>) offsets(%dma_start3A_1179 : memref<128xi32, #tpu.memory_space<vmem>>) semaphore(%run_scoped3A_1174 : memref<!tpu.dma_semaphore, #tpu.memory_space<semaphore_mem>>)
      %dma_wait3A = arith.constant 0 : i32
      %dma_wait3A_1182 = tpu.memref_slice %arg6[%run_scoped3A_116, %dma_wait3A] : memref<4x128xf32, #tpu.memory_space<vmem>> -> memref<1x128xf32, #tpu.memory_space<vmem>>
      %dma_wait3A_1183 = tpu.memref_squeeze %dma_wait3A_1182 : memref<1x128xf32, #tpu.memory_space<vmem>> -> memref<128xf32, #tpu.memory_space<vmem>>
      %dma_wait3A_1184 = arith.constant 0 : i32
      %dma_wait3A_1185 = tpu.memref_slice %arg4[%run_scoped3A_115, %dma_wait3A_1184] : memref<4x128xi32, #tpu.memory_space<vmem>> -> memref<1x128xi32, #tpu.memory_space<vmem>>
      %dma_wait3A_1186 = tpu.memref_squeeze %dma_wait3A_1185 : memref<1x128xi32, #tpu.memory_space<vmem>> -> memref<128xi32, #tpu.memory_space<vmem>>
      %dma_wait3A_1187 = arith.constant 0 : i32
      %dma_wait3A_1188 = tpu.memref_slice %arg9[%dma_wait3A_1187] : memref<100352xf32, #tpu.memory_space<vmem_shared>> -> memref<100352xf32, #tpu.memory_space<vmem_shared>>
      tpu.wait_indirect_dma semaphore(%run_scoped3A_1174 : memref<!tpu.dma_semaphore, #tpu.memory_space<semaphore_mem>>) src(%dma_wait3A_1188 : memref<100352xf32, #tpu.memory_space<vmem_shared>>) dst(%dma_wait3A_1183 : memref<128xf32, #tpu.memory_space<vmem>>)
      tpu.yield
    }) : () -> ()
    %run_scoped3A_117 = arith.constant 1 : i32
    %run_scoped3A_118 = arith.constant 1 : i32
    "tpu.region"() ({
      %run_scoped3A_1174 = tpu.sem_alloc : memref<!tpu.dma_semaphore, #tpu.memory_space<semaphore_mem>>
      %dma_start3A = arith.constant 0 : i32
      %dma_start3A_1175 = tpu.memref_slice %arg6[%run_scoped3A_118, %dma_start3A] : memref<4x128xf32, #tpu.memory_space<vmem>> -> memref<1x128xf32, #tpu.memory_space<vmem>>
      %dma_start3A_1176 = tpu.memref_squeeze %dma_start3A_1175 : memref<1x128xf32, #tpu.memory_space<vmem>> -> memref<128xf32, #tpu.memory_space<vmem>>
      %dma_start3A_1177 = arith.constant 0 : i32
      %dma_start3A_1178 = tpu.memref_slice %arg4[%run_scoped3A_117, %dma_start3A_1177] : memref<4x128xi32, #tpu.memory_space<vmem>> -> memref<1x128xi32, #tpu.memory_space<vmem>>
      %dma_start3A_1179 = tpu.memref_squeeze %dma_start3A_1178 : memref<1x128xi32, #tpu.memory_space<vmem>> -> memref<128xi32, #tpu.memory_space<vmem>>
      %dma_start3A_1180 = arith.constant 0 : i32
      %dma_start3A_1181 = tpu.memref_slice %arg9[%dma_start3A_1180] : memref<100352xf32, #tpu.memory_space<vmem_shared>> -> memref<100352xf32, #tpu.memory_space<vmem_shared>>
      tpu.enqueue_indirect_dma source(%dma_start3A_1181 : memref<100352xf32, #tpu.memory_space<vmem_shared>>) target(%dma_start3A_1176 : memref<128xf32, #tpu.memory_space<vmem>>) offsets(%dma_start3A_1179 : memref<128xi32, #tpu.memory_space<vmem>>) semaphore(%run_scoped3A_1174 : memref<!tpu.dma_semaphore, #tpu.memory_space<semaphore_mem>>)
      %dma_wait3A = arith.constant 0 : i32
      %dma_wait3A_1182 = tpu.memref_slice %arg6[%run_scoped3A_118, %dma_wait3A] : memref<4x128xf32, #tpu.memory_space<vmem>> -> memref<1x128xf32, #tpu.memory_space<vmem>>
      %dma_wait3A_1183 = tpu.memref_squeeze %dma_wait3A_1182 : memref<1x128xf32, #tpu.memory_space<vmem>> -> memref<128xf32, #tpu.memory_space<vmem>>
      %dma_wait3A_1184 = arith.constant 0 : i32
      %dma_wait3A_1185 = tpu.memref_slice %arg4[%run_scoped3A_117, %dma_wait3A_1184] : memref<4x128xi32, #tpu.memory_space<vmem>> -> memref<1x128xi32, #tpu.memory_space<vmem>>
      %dma_wait3A_1186 = tpu.memref_squeeze %dma_wait3A_1185 : memref<1x128xi32, #tpu.memory_space<vmem>> -> memref<128xi32, #tpu.memory_space<vmem>>
      %dma_wait3A_1187 = arith.constant 0 : i32
      %dma_wait3A_1188 = tpu.memref_slice %arg9[%dma_wait3A_1187] : memref<100352xf32, #tpu.memory_space<vmem_shared>> -> memref<100352xf32, #tpu.memory_space<vmem_shared>>
      tpu.wait_indirect_dma semaphore(%run_scoped3A_1174 : memref<!tpu.dma_semaphore, #tpu.memory_space<semaphore_mem>>) src(%dma_wait3A_1188 : memref<100352xf32, #tpu.memory_space<vmem_shared>>) dst(%dma_wait3A_1183 : memref<128xf32, #tpu.memory_space<vmem>>)
      tpu.yield
    }) : () -> ()
    %run_scoped3A_119 = arith.constant 2 : i32
    %run_scoped3A_120 = arith.constant 2 : i32
    "tpu.region"() ({
      %run_scoped3A_1174 = tpu.sem_alloc : memref<!tpu.dma_semaphore, #tpu.memory_space<semaphore_mem>>
      %dma_start3A = arith.constant 0 : i32
      %dma_start3A_1175 = tpu.memref_slice %arg6[%run_scoped3A_120, %dma_start3A] : memref<4x128xf32, #tpu.memory_space<vmem>> -> memref<1x128xf32, #tpu.memory_space<vmem>>
      %dma_start3A_1176 = tpu.memref_squeeze %dma_start3A_1175 : memref<1x128xf32, #tpu.memory_space<vmem>> -> memref<128xf32, #tpu.memory_space<vmem>>
      %dma_start3A_1177 = arith.constant 0 : i32
      %dma_start3A_1178 = tpu.memref_slice %arg4[%run_scoped3A_119, %dma_start3A_1177] : memref<4x128xi32, #tpu.memory_space<vmem>> -> memref<1x128xi32, #tpu.memory_space<vmem>>
      %dma_start3A_1179 = tpu.memref_squeeze %dma_start3A_1178 : memref<1x128xi32, #tpu.memory_space<vmem>> -> memref<128xi32, #tpu.memory_space<vmem>>
      %dma_start3A_1180 = arith.constant 0 : i32
      %dma_start3A_1181 = tpu.memref_slice %arg9[%dma_start3A_1180] : memref<100352xf32, #tpu.memory_space<vmem_shared>> -> memref<100352xf32, #tpu.memory_space<vmem_shared>>
      tpu.enqueue_indirect_dma source(%dma_start3A_1181 : memref<100352xf32, #tpu.memory_space<vmem_shared>>) target(%dma_start3A_1176 : memref<128xf32, #tpu.memory_space<vmem>>) offsets(%dma_start3A_1179 : memref<128xi32, #tpu.memory_space<vmem>>) semaphore(%run_scoped3A_1174 : memref<!tpu.dma_semaphore, #tpu.memory_space<semaphore_mem>>)
      %dma_wait3A = arith.constant 0 : i32
      %dma_wait3A_1182 = tpu.memref_slice %arg6[%run_scoped3A_120, %dma_wait3A] : memref<4x128xf32, #tpu.memory_space<vmem>> -> memref<1x128xf32, #tpu.memory_space<vmem>>
      %dma_wait3A_1183 = tpu.memref_squeeze %dma_wait3A_1182 : memref<1x128xf32, #tpu.memory_space<vmem>> -> memref<128xf32, #tpu.memory_space<vmem>>
      %dma_wait3A_1184 = arith.constant 0 : i32
      %dma_wait3A_1185 = tpu.memref_slice %arg4[%run_scoped3A_119, %dma_wait3A_1184] : memref<4x128xi32, #tpu.memory_space<vmem>> -> memref<1x128xi32, #tpu.memory_space<vmem>>
      %dma_wait3A_1186 = tpu.memref_squeeze %dma_wait3A_1185 : memref<1x128xi32, #tpu.memory_space<vmem>> -> memref<128xi32, #tpu.memory_space<vmem>>
      %dma_wait3A_1187 = arith.constant 0 : i32
      %dma_wait3A_1188 = tpu.memref_slice %arg9[%dma_wait3A_1187] : memref<100352xf32, #tpu.memory_space<vmem_shared>> -> memref<100352xf32, #tpu.memory_space<vmem_shared>>
      tpu.wait_indirect_dma semaphore(%run_scoped3A_1174 : memref<!tpu.dma_semaphore, #tpu.memory_space<semaphore_mem>>) src(%dma_wait3A_1188 : memref<100352xf32, #tpu.memory_space<vmem_shared>>) dst(%dma_wait3A_1183 : memref<128xf32, #tpu.memory_space<vmem>>)
      tpu.yield
    }) : () -> ()
    %run_scoped3A_121 = arith.constant 3 : i32
    %run_scoped3A_122 = arith.constant 3 : i32
    "tpu.region"() ({
      %run_scoped3A_1174 = tpu.sem_alloc : memref<!tpu.dma_semaphore, #tpu.memory_space<semaphore_mem>>
      %dma_start3A = arith.constant 0 : i32
      %dma_start3A_1175 = tpu.memref_slice %arg6[%run_scoped3A_122, %dma_start3A] : memref<4x128xf32, #tpu.memory_space<vmem>> -> memref<1x128xf32, #tpu.memory_space<vmem>>
      %dma_start3A_1176 = tpu.memref_squeeze %dma_start3A_1175 : memref<1x128xf32, #tpu.memory_space<vmem>> -> memref<128xf32, #tpu.memory_space<vmem>>
      %dma_start3A_1177 = arith.constant 0 : i32
      %dma_start3A_1178 = tpu.memref_slice %arg4[%run_scoped3A_121, %dma_start3A_1177] : memref<4x128xi32, #tpu.memory_space<vmem>> -> memref<1x128xi32, #tpu.memory_space<vmem>>
      %dma_start3A_1179 = tpu.memref_squeeze %dma_start3A_1178 : memref<1x128xi32, #tpu.memory_space<vmem>> -> memref<128xi32, #tpu.memory_space<vmem>>
      %dma_start3A_1180 = arith.constant 0 : i32
      %dma_start3A_1181 = tpu.memref_slice %arg9[%dma_start3A_1180] : memref<100352xf32, #tpu.memory_space<vmem_shared>> -> memref<100352xf32, #tpu.memory_space<vmem_shared>>
      tpu.enqueue_indirect_dma source(%dma_start3A_1181 : memref<100352xf32, #tpu.memory_space<vmem_shared>>) target(%dma_start3A_1176 : memref<128xf32, #tpu.memory_space<vmem>>) offsets(%dma_start3A_1179 : memref<128xi32, #tpu.memory_space<vmem>>) semaphore(%run_scoped3A_1174 : memref<!tpu.dma_semaphore, #tpu.memory_space<semaphore_mem>>)
      %dma_wait3A = arith.constant 0 : i32
      %dma_wait3A_1182 = tpu.memref_slice %arg6[%run_scoped3A_122, %dma_wait3A] : memref<4x128xf32, #tpu.memory_space<vmem>> -> memref<1x128xf32, #tpu.memory_space<vmem>>
      %dma_wait3A_1183 = tpu.memref_squeeze %dma_wait3A_1182 : memref<1x128xf32, #tpu.memory_space<vmem>> -> memref<128xf32, #tpu.memory_space<vmem>>
      %dma_wait3A_1184 = arith.constant 0 : i32
      %dma_wait3A_1185 = tpu.memref_slice %arg4[%run_scoped3A_121, %dma_wait3A_1184] : memref<4x128xi32, #tpu.memory_space<vmem>> -> memref<1x128xi32, #tpu.memory_space<vmem>>
      %dma_wait3A_1186 = tpu.memref_squeeze %dma_wait3A_1185 : memref<1x128xi32, #tpu.memory_space<vmem>> -> memref<128xi32, #tpu.memory_space<vmem>>
      %dma_wait3A_1187 = arith.constant 0 : i32
      %dma_wait3A_1188 = tpu.memref_slice %arg9[%dma_wait3A_1187] : memref<100352xf32, #tpu.memory_space<vmem_shared>> -> memref<100352xf32, #tpu.memory_space<vmem_shared>>
      tpu.wait_indirect_dma semaphore(%run_scoped3A_1174 : memref<!tpu.dma_semaphore, #tpu.memory_space<semaphore_mem>>) src(%dma_wait3A_1188 : memref<100352xf32, #tpu.memory_space<vmem_shared>>) dst(%dma_wait3A_1183 : memref<128xf32, #tpu.memory_space<vmem>>)
      tpu.yield
    }) : () -> ()
    %get3A = arith.constant 0 : i32
    %get3A_123 = arith.index_cast %get3A : i32 to index
    %get3A_124 = arith.constant 0 : index
    %get3A_125 = tpu.vector_load %arg4[%get3A_123, %get3A_124] {strides = array<i32>} : memref<4x128xi32, #tpu.memory_space<vmem>>, vector<1x16xi32>,
    %get3A_126 = vector.shape_cast %get3A_125 : vector<1x16xi32> to vector<16xi32>
    %sub3A = arith.constant 50176 : i32
    %sub3A_127 = vector.broadcast %sub3A : i32 to vector<16xi32>
    %sub3A_128 = arith.subi %get3A_126, %sub3A_127 : vector<16xi32>
    %shift_right_arithmetic3A = arith.constant 31 : i32
    %shift_right_arithmetic3A_129 = vector.broadcast %shift_right_arithmetic3A : i32 to vector<16xi32>
    %shift_right_arithmetic3A_130 = arith.shrsi %sub3A_128, %shift_right_arithmetic3A_129 : vector<16xi32>
    %and3A = arith.constant 1 : i32
    %and3A_131 = vector.broadcast %and3A : i32 to vector<16xi32>
    %and3A_132 = arith.andi %shift_right_arithmetic3A_130, %and3A_131 : vector<16xi32>
    %convert_element_type3A = arith.sitofp %and3A_132 : vector<16xi32> to vector<16xf32>
    %get3A_133 = arith.constant 0 : i32
    %get3A_134 = arith.index_cast %get3A_133 : i32 to index
    %get3A_135 = arith.constant 0 : index
    %get3A_136 = tpu.vector_load %arg6[%get3A_134, %get3A_135] {strides = array<i32>} : memref<4x128xf32, #tpu.memory_space<vmem>>, vector<1x16xf32>,
    %get3A_137 = vector.shape_cast %get3A_136 : vector<1x16xf32> to vector<16xf32>
    %mul3A_138 = arith.constant 2.000000e+00 : f32
    %mul3A_139 = vector.broadcast %mul3A_138 : f32 to vector<16xf32>
    %mul3A_140 = arith.mulf %mul3A_139, %convert_element_type3A : vector<16xf32>
    %sub3A_141 = arith.constant 1.000000e+00 : f32
    %sub3A_142 = vector.broadcast %sub3A_141 : f32 to vector<16xf32>
    %sub3A_143 = arith.subf %mul3A_140, %sub3A_142 : vector<16xf32>
    %mul3A_144 = arith.mulf %get3A_137, %sub3A_143 : vector<16xf32>
    %swap3A_145 = arith.constant 0 : i32
    %swap3A_146 = arith.index_cast %swap3A_145 : i32 to index
    %swap3A_147 = arith.constant 0 : index
    %swap3A_148 = tpu.vector_load %arg6[%swap3A_146, %swap3A_147] {strides = array<i32>} : memref<4x128xf32, #tpu.memory_space<vmem>>, vector<1x16xf32>,
    %swap3A_149 = vector.shape_cast %swap3A_148 : vector<1x16xf32> to vector<16xf32>
    %swap3A_150 = vector.shape_cast %mul3A_144 : vector<16xf32> to vector<1x16xf32>
    tpu.vector_store %arg6[%swap3A_146, %swap3A_147], %swap3A_150 {strides = array<i32>} : memref<4x128xf32, #tpu.memory_space<vmem>>, vector<1x16xf32>,
    %get3A_151 = arith.constant 0 : i32
    %get3A_152 = arith.index_cast %get3A_151 : i32 to index
    %get3A_153 = arith.constant 16 : index
    %get3A_154 = tpu.vector_load %arg4[%get3A_152, %get3A_153] {strides = array<i32>} : memref<4x128xi32, #tpu.memory_space<vmem>>, vector<1x16xi32>,
    %get3A_155 = vector.shape_cast %get3A_154 : vector<1x16xi32> to vector<16xi32>
    %sub3A_156 = arith.constant 50176 : i32
    %sub3A_157 = vector.broadcast %sub3A_156 : i32 to vector<16xi32>
    %sub3A_158 = arith.subi %get3A_155, %sub3A_157 : vector<16xi32>
    %shift_right_arithmetic3A_159 = arith.constant 31 : i32
    %shift_right_arithmetic3A_160 = vector.broadcast %shift_right_arithmetic3A_159 : i32 to vector<16xi32>
    %shift_right_arithmetic3A_161 = arith.shrsi %sub3A_158, %shift_right_arithmetic3A_160 : vector<16xi32>
    %and3A_162 = arith.constant 1 : i32
    %and3A_163 = vector.broadcast %and3A_162 : i32 to vector<16xi32>
    %and3A_164 = arith.andi %shift_right_arithmetic3A_161, %and3A_163 : vector<16xi32>
    %convert_element_type3A_165 = arith.sitofp %and3A_164 : vector<16xi32> to vector<16xf32>
    %get3A_166 = arith.constant 0 : i32
    %get3A_167 = arith.index_cast %get3A_166 : i32 to index
    %get3A_168 = arith.constant 16 : index
    %get3A_169 = tpu.vector_load %arg6[%get3A_167, %get3A_168] {strides = array<i32>} : memref<4x128xf32, #tpu.memory_space<vmem>>, vector<1x16xf32>,
    %get3A_170 = vector.shape_cast %get3A_169 : vector<1x16xf32> to vector<16xf32>
    %mul3A_171 = arith.constant 2.000000e+00 : f32
    %mul3A_172 = vector.broadcast %mul3A_171 : f32 to vector<16xf32>
    %mul3A_173 = arith.mulf %mul3A_172, %convert_element_type3A_165 : vector<16xf32>
    %sub3A_174 = arith.constant 1.000000e+00 : f32
    %sub3A_175 = vector.broadcast %sub3A_174 : f32 to vector<16xf32>
    %sub3A_176 = arith.subf %mul3A_173, %sub3A_175 : vector<16xf32>
    %mul3A_177 = arith.mulf %get3A_170, %sub3A_176 : vector<16xf32>
    %swap3A_178 = arith.constant 0 : i32
    %swap3A_179 = arith.index_cast %swap3A_178 : i32 to index
    %swap3A_180 = arith.constant 16 : index
    %swap3A_181 = tpu.vector_load %arg6[%swap3A_179, %swap3A_180] {strides = array<i32>} : memref<4x128xf32, #tpu.memory_space<vmem>>, vector<1x16xf32>,
    %swap3A_182 = vector.shape_cast %swap3A_181 : vector<1x16xf32> to vector<16xf32>
    %swap3A_183 = vector.shape_cast %mul3A_177 : vector<16xf32> to vector<1x16xf32>
    tpu.vector_store %arg6[%swap3A_179, %swap3A_180], %swap3A_183 {strides = array<i32>} : memref<4x128xf32, #tpu.memory_space<vmem>>, vector<1x16xf32>,
    %get3A_184 = arith.constant 0 : i32
    %get3A_185 = arith.index_cast %get3A_184 : i32 to index
    %get3A_186 = arith.constant 32 : index
    %get3A_187 = tpu.vector_load %arg4[%get3A_185, %get3A_186] {strides = array<i32>} : memref<4x128xi32, #tpu.memory_space<vmem>>, vector<1x16xi32>,
    %get3A_188 = vector.shape_cast %get3A_187 : vector<1x16xi32> to vector<16xi32>
    %sub3A_189 = arith.constant 50176 : i32
    %sub3A_190 = vector.broadcast %sub3A_189 : i32 to vector<16xi32>
    %sub3A_191 = arith.subi %get3A_188, %sub3A_190 : vector<16xi32>
    %shift_right_arithmetic3A_192 = arith.constant 31 : i32
    %shift_right_arithmetic3A_193 = vector.broadcast %shift_right_arithmetic3A_192 : i32 to vector<16xi32>
    %shift_right_arithmetic3A_194 = arith.shrsi %sub3A_191, %shift_right_arithmetic3A_193 : vector<16xi32>
    %and3A_195 = arith.constant 1 : i32
    %and3A_196 = vector.broadcast %and3A_195 : i32 to vector<16xi32>
    %and3A_197 = arith.andi %shift_right_arithmetic3A_194, %and3A_196 : vector<16xi32>
    %convert_element_type3A_198 = arith.sitofp %and3A_197 : vector<16xi32> to vector<16xf32>
    %get3A_199 = arith.constant 0 : i32
    %get3A_200 = arith.index_cast %get3A_199 : i32 to index
    %get3A_201 = arith.constant 32 : index
    %get3A_202 = tpu.vector_load %arg6[%get3A_200, %get3A_201] {strides = array<i32>} : memref<4x128xf32, #tpu.memory_space<vmem>>, vector<1x16xf32>,
    %get3A_203 = vector.shape_cast %get3A_202 : vector<1x16xf32> to vector<16xf32>
    %mul3A_204 = arith.constant 2.000000e+00 : f32
    %mul3A_205 = vector.broadcast %mul3A_204 : f32 to vector<16xf32>
    %mul3A_206 = arith.mulf %mul3A_205, %convert_element_type3A_198 : vector<16xf32>
    %sub3A_207 = arith.constant 1.000000e+00 : f32
    %sub3A_208 = vector.broadcast %sub3A_207 : f32 to vector<16xf32>
    %sub3A_209 = arith.subf %mul3A_206, %sub3A_208 : vector<16xf32>
    %mul3A_210 = arith.mulf %get3A_203, %sub3A_209 : vector<16xf32>
    %swap3A_211 = arith.constant 0 : i32
    %swap3A_212 = arith.index_cast %swap3A_211 : i32 to index
    %swap3A_213 = arith.constant 32 : index
    %swap3A_214 = tpu.vector_load %arg6[%swap3A_212, %swap3A_213] {strides = array<i32>} : memref<4x128xf32, #tpu.memory_space<vmem>>, vector<1x16xf32>,
    %swap3A_215 = vector.shape_cast %swap3A_214 : vector<1x16xf32> to vector<16xf32>
    %swap3A_216 = vector.shape_cast %mul3A_210 : vector<16xf32> to vector<1x16xf32>
    tpu.vector_store %arg6[%swap3A_212, %swap3A_213], %swap3A_216 {strides = array<i32>} : memref<4x128xf32, #tpu.memory_space<vmem>>, vector<1x16xf32>,
    %get3A_217 = arith.constant 0 : i32
    %get3A_218 = arith.index_cast %get3A_217 : i32 to index
    %get3A_219 = arith.constant 48 : index
    %get3A_220 = tpu.vector_load %arg4[%get3A_218, %get3A_219] {strides = array<i32>} : memref<4x128xi32, #tpu.memory_space<vmem>>, vector<1x16xi32>,
    %get3A_221 = vector.shape_cast %get3A_220 : vector<1x16xi32> to vector<16xi32>
    %sub3A_222 = arith.constant 50176 : i32
    %sub3A_223 = vector.broadcast %sub3A_222 : i32 to vector<16xi32>
    %sub3A_224 = arith.subi %get3A_221, %sub3A_223 : vector<16xi32>
    %shift_right_arithmetic3A_225 = arith.constant 31 : i32
    %shift_right_arithmetic3A_226 = vector.broadcast %shift_right_arithmetic3A_225 : i32 to vector<16xi32>
    %shift_right_arithmetic3A_227 = arith.shrsi %sub3A_224, %shift_right_arithmetic3A_226 : vector<16xi32>
    %and3A_228 = arith.constant 1 : i32
    %and3A_229 = vector.broadcast %and3A_228 : i32 to vector<16xi32>
    %and3A_230 = arith.andi %shift_right_arithmetic3A_227, %and3A_229 : vector<16xi32>
    %convert_element_type3A_231 = arith.sitofp %and3A_230 : vector<16xi32> to vector<16xf32>
    %get3A_232 = arith.constant 0 : i32
    %get3A_233 = arith.index_cast %get3A_232 : i32 to index
    %get3A_234 = arith.constant 48 : index
    %get3A_235 = tpu.vector_load %arg6[%get3A_233, %get3A_234] {strides = array<i32>} : memref<4x128xf32, #tpu.memory_space<vmem>>, vector<1x16xf32>,
    %get3A_236 = vector.shape_cast %get3A_235 : vector<1x16xf32> to vector<16xf32>
    %mul3A_237 = arith.constant 2.000000e+00 : f32
    %mul3A_238 = vector.broadcast %mul3A_237 : f32 to vector<16xf32>
    %mul3A_239 = arith.mulf %mul3A_238, %convert_element_type3A_231 : vector<16xf32>
    %sub3A_240 = arith.constant 1.000000e+00 : f32
    %sub3A_241 = vector.broadcast %sub3A_240 : f32 to vector<16xf32>
    %sub3A_242 = arith.subf %mul3A_239, %sub3A_241 : vector<16xf32>
    %mul3A_243 = arith.mulf %get3A_236, %sub3A_242 : vector<16xf32>
    %swap3A_244 = arith.constant 0 : i32
    %swap3A_245 = arith.index_cast %swap3A_244 : i32 to index
    %swap3A_246 = arith.constant 48 : index
    %swap3A_247 = tpu.vector_load %arg6[%swap3A_245, %swap3A_246] {strides = array<i32>} : memref<4x128xf32, #tpu.memory_space<vmem>>, vector<1x16xf32>,
    %swap3A_248 = vector.shape_cast %swap3A_247 : vector<1x16xf32> to vector<16xf32>
    %swap3A_249 = vector.shape_cast %mul3A_243 : vector<16xf32> to vector<1x16xf32>
    tpu.vector_store %arg6[%swap3A_245, %swap3A_246], %swap3A_249 {strides = array<i32>} : memref<4x128xf32, #tpu.memory_space<vmem>>, vector<1x16xf32>,
    %get3A_250 = arith.constant 0 : i32
    %get3A_251 = arith.index_cast %get3A_250 : i32 to index
    %get3A_252 = arith.constant 64 : index
    %get3A_253 = tpu.vector_load %arg4[%get3A_251, %get3A_252] {strides = array<i32>} : memref<4x128xi32, #tpu.memory_space<vmem>>, vector<1x16xi32>,
    %get3A_254 = vector.shape_cast %get3A_253 : vector<1x16xi32> to vector<16xi32>
    %sub3A_255 = arith.constant 50176 : i32
    %sub3A_256 = vector.broadcast %sub3A_255 : i32 to vector<16xi32>
    %sub3A_257 = arith.subi %get3A_254, %sub3A_256 : vector<16xi32>
    %shift_right_arithmetic3A_258 = arith.constant 31 : i32
    %shift_right_arithmetic3A_259 = vector.broadcast %shift_right_arithmetic3A_258 : i32 to vector<16xi32>
    %shift_right_arithmetic3A_260 = arith.shrsi %sub3A_257, %shift_right_arithmetic3A_259 : vector<16xi32>
    %and3A_261 = arith.constant 1 : i32
    %and3A_262 = vector.broadcast %and3A_261 : i32 to vector<16xi32>
    %and3A_263 = arith.andi %shift_right_arithmetic3A_260, %and3A_262 : vector<16xi32>
    %convert_element_type3A_264 = arith.sitofp %and3A_263 : vector<16xi32> to vector<16xf32>
    %get3A_265 = arith.constant 0 : i32
    %get3A_266 = arith.index_cast %get3A_265 : i32 to index
    %get3A_267 = arith.constant 64 : index
    %get3A_268 = tpu.vector_load %arg6[%get3A_266, %get3A_267] {strides = array<i32>} : memref<4x128xf32, #tpu.memory_space<vmem>>, vector<1x16xf32>,
    %get3A_269 = vector.shape_cast %get3A_268 : vector<1x16xf32> to vector<16xf32>
    %mul3A_270 = arith.constant 2.000000e+00 : f32
    %mul3A_271 = vector.broadcast %mul3A_270 : f32 to vector<16xf32>
    %mul3A_272 = arith.mulf %mul3A_271, %convert_element_type3A_264 : vector<16xf32>
    %sub3A_273 = arith.constant 1.000000e+00 : f32
    %sub3A_274 = vector.broadcast %sub3A_273 : f32 to vector<16xf32>
    %sub3A_275 = arith.subf %mul3A_272, %sub3A_274 : vector<16xf32>
    %mul3A_276 = arith.mulf %get3A_269, %sub3A_275 : vector<16xf32>
    %swap3A_277 = arith.constant 0 : i32
    %swap3A_278 = arith.index_cast %swap3A_277 : i32 to index
    %swap3A_279 = arith.constant 64 : index
    %swap3A_280 = tpu.vector_load %arg6[%swap3A_278, %swap3A_279] {strides = array<i32>} : memref<4x128xf32, #tpu.memory_space<vmem>>, vector<1x16xf32>,
    %swap3A_281 = vector.shape_cast %swap3A_280 : vector<1x16xf32> to vector<16xf32>
    %swap3A_282 = vector.shape_cast %mul3A_276 : vector<16xf32> to vector<1x16xf32>
    tpu.vector_store %arg6[%swap3A_278, %swap3A_279], %swap3A_282 {strides = array<i32>} : memref<4x128xf32, #tpu.memory_space<vmem>>, vector<1x16xf32>,
    %get3A_283 = arith.constant 0 : i32
    %get3A_284 = arith.index_cast %get3A_283 : i32 to index
    %get3A_285 = arith.constant 80 : index
    %get3A_286 = tpu.vector_load %arg4[%get3A_284, %get3A_285] {strides = array<i32>} : memref<4x128xi32, #tpu.memory_space<vmem>>, vector<1x16xi32>,
    %get3A_287 = vector.shape_cast %get3A_286 : vector<1x16xi32> to vector<16xi32>
    %sub3A_288 = arith.constant 50176 : i32
    %sub3A_289 = vector.broadcast %sub3A_288 : i32 to vector<16xi32>
    %sub3A_290 = arith.subi %get3A_287, %sub3A_289 : vector<16xi32>
    %shift_right_arithmetic3A_291 = arith.constant 31 : i32
    %shift_right_arithmetic3A_292 = vector.broadcast %shift_right_arithmetic3A_291 : i32 to vector<16xi32>
    %shift_right_arithmetic3A_293 = arith.shrsi %sub3A_290, %shift_right_arithmetic3A_292 : vector<16xi32>
    %and3A_294 = arith.constant 1 : i32
    %and3A_295 = vector.broadcast %and3A_294 : i32 to vector<16xi32>
    %and3A_296 = arith.andi %shift_right_arithmetic3A_293, %and3A_295 : vector<16xi32>
    %convert_element_type3A_297 = arith.sitofp %and3A_296 : vector<16xi32> to vector<16xf32>
    %get3A_298 = arith.constant 0 : i32
    %get3A_299 = arith.index_cast %get3A_298 : i32 to index
    %get3A_300 = arith.constant 80 : index
    %get3A_301 = tpu.vector_load %arg6[%get3A_299, %get3A_300] {strides = array<i32>} : memref<4x128xf32, #tpu.memory_space<vmem>>, vector<1x16xf32>,
    %get3A_302 = vector.shape_cast %get3A_301 : vector<1x16xf32> to vector<16xf32>
    %mul3A_303 = arith.constant 2.000000e+00 : f32
    %mul3A_304 = vector.broadcast %mul3A_303 : f32 to vector<16xf32>
    %mul3A_305 = arith.mulf %mul3A_304, %convert_element_type3A_297 : vector<16xf32>
    %sub3A_306 = arith.constant 1.000000e+00 : f32
    %sub3A_307 = vector.broadcast %sub3A_306 : f32 to vector<16xf32>
    %sub3A_308 = arith.subf %mul3A_305, %sub3A_307 : vector<16xf32>
    %mul3A_309 = arith.mulf %get3A_302, %sub3A_308 : vector<16xf32>
    %swap3A_310 = arith.constant 0 : i32
    %swap3A_311 = arith.index_cast %swap3A_310 : i32 to index
    %swap3A_312 = arith.constant 80 : index
    %swap3A_313 = tpu.vector_load %arg6[%swap3A_311, %swap3A_312] {strides = array<i32>} : memref<4x128xf32, #tpu.memory_space<vmem>>, vector<1x16xf32>,
    %swap3A_314 = vector.shape_cast %swap3A_313 : vector<1x16xf32> to vector<16xf32>
    %swap3A_315 = vector.shape_cast %mul3A_309 : vector<16xf32> to vector<1x16xf32>
    tpu.vector_store %arg6[%swap3A_311, %swap3A_312], %swap3A_315 {strides = array<i32>} : memref<4x128xf32, #tpu.memory_space<vmem>>, vector<1x16xf32>,
    %get3A_316 = arith.constant 0 : i32
    %get3A_317 = arith.index_cast %get3A_316 : i32 to index
    %get3A_318 = arith.constant 96 : index
    %get3A_319 = tpu.vector_load %arg4[%get3A_317, %get3A_318] {strides = array<i32>} : memref<4x128xi32, #tpu.memory_space<vmem>>, vector<1x16xi32>,
    %get3A_320 = vector.shape_cast %get3A_319 : vector<1x16xi32> to vector<16xi32>
    %sub3A_321 = arith.constant 50176 : i32
    %sub3A_322 = vector.broadcast %sub3A_321 : i32 to vector<16xi32>
    %sub3A_323 = arith.subi %get3A_320, %sub3A_322 : vector<16xi32>
    %shift_right_arithmetic3A_324 = arith.constant 31 : i32
    %shift_right_arithmetic3A_325 = vector.broadcast %shift_right_arithmetic3A_324 : i32 to vector<16xi32>
    %shift_right_arithmetic3A_326 = arith.shrsi %sub3A_323, %shift_right_arithmetic3A_325 : vector<16xi32>
    %and3A_327 = arith.constant 1 : i32
    %and3A_328 = vector.broadcast %and3A_327 : i32 to vector<16xi32>
    %and3A_329 = arith.andi %shift_right_arithmetic3A_326, %and3A_328 : vector<16xi32>
    %convert_element_type3A_330 = arith.sitofp %and3A_329 : vector<16xi32> to vector<16xf32>
    %get3A_331 = arith.constant 0 : i32
    %get3A_332 = arith.index_cast %get3A_331 : i32 to index
    %get3A_333 = arith.constant 96 : index
    %get3A_334 = tpu.vector_load %arg6[%get3A_332, %get3A_333] {strides = array<i32>} : memref<4x128xf32, #tpu.memory_space<vmem>>, vector<1x16xf32>,
    %get3A_335 = vector.shape_cast %get3A_334 : vector<1x16xf32> to vector<16xf32>
    %mul3A_336 = arith.constant 2.000000e+00 : f32
    %mul3A_337 = vector.broadcast %mul3A_336 : f32 to vector<16xf32>
    %mul3A_338 = arith.mulf %mul3A_337, %convert_element_type3A_330 : vector<16xf32>
    %sub3A_339 = arith.constant 1.000000e+00 : f32
    %sub3A_340 = vector.broadcast %sub3A_339 : f32 to vector<16xf32>
    %sub3A_341 = arith.subf %mul3A_338, %sub3A_340 : vector<16xf32>
    %mul3A_342 = arith.mulf %get3A_335, %sub3A_341 : vector<16xf32>
    %swap3A_343 = arith.constant 0 : i32
    %swap3A_344 = arith.index_cast %swap3A_343 : i32 to index
    %swap3A_345 = arith.constant 96 : index
    %swap3A_346 = tpu.vector_load %arg6[%swap3A_344, %swap3A_345] {strides = array<i32>} : memref<4x128xf32, #tpu.memory_space<vmem>>, vector<1x16xf32>,
    %swap3A_347 = vector.shape_cast %swap3A_346 : vector<1x16xf32> to vector<16xf32>
    %swap3A_348 = vector.shape_cast %mul3A_342 : vector<16xf32> to vector<1x16xf32>
    tpu.vector_store %arg6[%swap3A_344, %swap3A_345], %swap3A_348 {strides = array<i32>} : memref<4x128xf32, #tpu.memory_space<vmem>>, vector<1x16xf32>,
    %get3A_349 = arith.constant 0 : i32
    %get3A_350 = arith.index_cast %get3A_349 : i32 to index
    %get3A_351 = arith.constant 112 : index
    %get3A_352 = tpu.vector_load %arg4[%get3A_350, %get3A_351] {strides = array<i32>} : memref<4x128xi32, #tpu.memory_space<vmem>>, vector<1x16xi32>,
    %get3A_353 = vector.shape_cast %get3A_352 : vector<1x16xi32> to vector<16xi32>
    %sub3A_354 = arith.constant 50176 : i32
    %sub3A_355 = vector.broadcast %sub3A_354 : i32 to vector<16xi32>
    %sub3A_356 = arith.subi %get3A_353, %sub3A_355 : vector<16xi32>
    %shift_right_arithmetic3A_357 = arith.constant 31 : i32
    %shift_right_arithmetic3A_358 = vector.broadcast %shift_right_arithmetic3A_357 : i32 to vector<16xi32>
    %shift_right_arithmetic3A_359 = arith.shrsi %sub3A_356, %shift_right_arithmetic3A_358 : vector<16xi32>
    %and3A_360 = arith.constant 1 : i32
    %and3A_361 = vector.broadcast %and3A_360 : i32 to vector<16xi32>
    %and3A_362 = arith.andi %shift_right_arithmetic3A_359, %and3A_361 : vector<16xi32>
    %convert_element_type3A_363 = arith.sitofp %and3A_362 : vector<16xi32> to vector<16xf32>
    %get3A_364 = arith.constant 0 : i32
    %get3A_365 = arith.index_cast %get3A_364 : i32 to index
    %get3A_366 = arith.constant 112 : index
    %get3A_367 = tpu.vector_load %arg6[%get3A_365, %get3A_366] {strides = array<i32>} : memref<4x128xf32, #tpu.memory_space<vmem>>, vector<1x16xf32>,
    %get3A_368 = vector.shape_cast %get3A_367 : vector<1x16xf32> to vector<16xf32>
    %mul3A_369 = arith.constant 2.000000e+00 : f32
    %mul3A_370 = vector.broadcast %mul3A_369 : f32 to vector<16xf32>
    %mul3A_371 = arith.mulf %mul3A_370, %convert_element_type3A_363 : vector<16xf32>
    %sub3A_372 = arith.constant 1.000000e+00 : f32
    %sub3A_373 = vector.broadcast %sub3A_372 : f32 to vector<16xf32>
    %sub3A_374 = arith.subf %mul3A_371, %sub3A_373 : vector<16xf32>
    %mul3A_375 = arith.mulf %get3A_368, %sub3A_374 : vector<16xf32>
    %swap3A_376 = arith.constant 0 : i32
    %swap3A_377 = arith.index_cast %swap3A_376 : i32 to index
    %swap3A_378 = arith.constant 112 : index
    %swap3A_379 = tpu.vector_load %arg6[%swap3A_377, %swap3A_378] {strides = array<i32>} : memref<4x128xf32, #tpu.memory_space<vmem>>, vector<1x16xf32>,
    %swap3A_380 = vector.shape_cast %swap3A_379 : vector<1x16xf32> to vector<16xf32>
    %swap3A_381 = vector.shape_cast %mul3A_375 : vector<16xf32> to vector<1x16xf32>
    tpu.vector_store %arg6[%swap3A_377, %swap3A_378], %swap3A_381 {strides = array<i32>} : memref<4x128xf32, #tpu.memory_space<vmem>>, vector<1x16xf32>,
    %get3A_382 = arith.constant 1 : i32
    %get3A_383 = arith.index_cast %get3A_382 : i32 to index
    %get3A_384 = arith.constant 0 : index
    %get3A_385 = tpu.vector_load %arg4[%get3A_383, %get3A_384] {strides = array<i32>} : memref<4x128xi32, #tpu.memory_space<vmem>>, vector<1x16xi32>,
    %get3A_386 = vector.shape_cast %get3A_385 : vector<1x16xi32> to vector<16xi32>
    %sub3A_387 = arith.constant 50176 : i32
    %sub3A_388 = vector.broadcast %sub3A_387 : i32 to vector<16xi32>
    %sub3A_389 = arith.subi %get3A_386, %sub3A_388 : vector<16xi32>
    %shift_right_arithmetic3A_390 = arith.constant 31 : i32
    %shift_right_arithmetic3A_391 = vector.broadcast %shift_right_arithmetic3A_390 : i32 to vector<16xi32>
    %shift_right_arithmetic3A_392 = arith.shrsi %sub3A_389, %shift_right_arithmetic3A_391 : vector<16xi32>
    %and3A_393 = arith.constant 1 : i32
    %and3A_394 = vector.broadcast %and3A_393 : i32 to vector<16xi32>
    %and3A_395 = arith.andi %shift_right_arithmetic3A_392, %and3A_394 : vector<16xi32>
    %convert_element_type3A_396 = arith.sitofp %and3A_395 : vector<16xi32> to vector<16xf32>
    %get3A_397 = arith.constant 1 : i32
    %get3A_398 = arith.index_cast %get3A_397 : i32 to index
    %get3A_399 = arith.constant 0 : index
    %get3A_400 = tpu.vector_load %arg6[%get3A_398, %get3A_399] {strides = array<i32>} : memref<4x128xf32, #tpu.memory_space<vmem>>, vector<1x16xf32>,
    %get3A_401 = vector.shape_cast %get3A_400 : vector<1x16xf32> to vector<16xf32>
    %mul3A_402 = arith.constant 2.000000e+00 : f32
    %mul3A_403 = vector.broadcast %mul3A_402 : f32 to vector<16xf32>
    %mul3A_404 = arith.mulf %mul3A_403, %convert_element_type3A_396 : vector<16xf32>
    %sub3A_405 = arith.constant 1.000000e+00 : f32
    %sub3A_406 = vector.broadcast %sub3A_405 : f32 to vector<16xf32>
    %sub3A_407 = arith.subf %mul3A_404, %sub3A_406 : vector<16xf32>
    %mul3A_408 = arith.mulf %get3A_401, %sub3A_407 : vector<16xf32>
    %swap3A_409 = arith.constant 1 : i32
    %swap3A_410 = arith.index_cast %swap3A_409 : i32 to index
    %swap3A_411 = arith.constant 0 : index
    %swap3A_412 = tpu.vector_load %arg6[%swap3A_410, %swap3A_411] {strides = array<i32>} : memref<4x128xf32, #tpu.memory_space<vmem>>, vector<1x16xf32>,
    %swap3A_413 = vector.shape_cast %swap3A_412 : vector<1x16xf32> to vector<16xf32>
    %swap3A_414 = vector.shape_cast %mul3A_408 : vector<16xf32> to vector<1x16xf32>
    tpu.vector_store %arg6[%swap3A_410, %swap3A_411], %swap3A_414 {strides = array<i32>} : memref<4x128xf32, #tpu.memory_space<vmem>>, vector<1x16xf32>,
    %get3A_415 = arith.constant 1 : i32
    %get3A_416 = arith.index_cast %get3A_415 : i32 to index
    %get3A_417 = arith.constant 16 : index
    %get3A_418 = tpu.vector_load %arg4[%get3A_416, %get3A_417] {strides = array<i32>} : memref<4x128xi32, #tpu.memory_space<vmem>>, vector<1x16xi32>,
    %get3A_419 = vector.shape_cast %get3A_418 : vector<1x16xi32> to vector<16xi32>
    %sub3A_420 = arith.constant 50176 : i32
    %sub3A_421 = vector.broadcast %sub3A_420 : i32 to vector<16xi32>
    %sub3A_422 = arith.subi %get3A_419, %sub3A_421 : vector<16xi32>
    %shift_right_arithmetic3A_423 = arith.constant 31 : i32
    %shift_right_arithmetic3A_424 = vector.broadcast %shift_right_arithmetic3A_423 : i32 to vector<16xi32>
    %shift_right_arithmetic3A_425 = arith.shrsi %sub3A_422, %shift_right_arithmetic3A_424 : vector<16xi32>
    %and3A_426 = arith.constant 1 : i32
    %and3A_427 = vector.broadcast %and3A_426 : i32 to vector<16xi32>
    %and3A_428 = arith.andi %shift_right_arithmetic3A_425, %and3A_427 : vector<16xi32>
    %convert_element_type3A_429 = arith.sitofp %and3A_428 : vector<16xi32> to vector<16xf32>
    %get3A_430 = arith.constant 1 : i32
    %get3A_431 = arith.index_cast %get3A_430 : i32 to index
    %get3A_432 = arith.constant 16 : index
    %get3A_433 = tpu.vector_load %arg6[%get3A_431, %get3A_432] {strides = array<i32>} : memref<4x128xf32, #tpu.memory_space<vmem>>, vector<1x16xf32>,
    %get3A_434 = vector.shape_cast %get3A_433 : vector<1x16xf32> to vector<16xf32>
    %mul3A_435 = arith.constant 2.000000e+00 : f32
    %mul3A_436 = vector.broadcast %mul3A_435 : f32 to vector<16xf32>
    %mul3A_437 = arith.mulf %mul3A_436, %convert_element_type3A_429 : vector<16xf32>
    %sub3A_438 = arith.constant 1.000000e+00 : f32
    %sub3A_439 = vector.broadcast %sub3A_438 : f32 to vector<16xf32>
    %sub3A_440 = arith.subf %mul3A_437, %sub3A_439 : vector<16xf32>
    %mul3A_441 = arith.mulf %get3A_434, %sub3A_440 : vector<16xf32>
    %swap3A_442 = arith.constant 1 : i32
    %swap3A_443 = arith.index_cast %swap3A_442 : i32 to index
    %swap3A_444 = arith.constant 16 : index
    %swap3A_445 = tpu.vector_load %arg6[%swap3A_443, %swap3A_444] {strides = array<i32>} : memref<4x128xf32, #tpu.memory_space<vmem>>, vector<1x16xf32>,
    %swap3A_446 = vector.shape_cast %swap3A_445 : vector<1x16xf32> to vector<16xf32>
    %swap3A_447 = vector.shape_cast %mul3A_441 : vector<16xf32> to vector<1x16xf32>
    tpu.vector_store %arg6[%swap3A_443, %swap3A_444], %swap3A_447 {strides = array<i32>} : memref<4x128xf32, #tpu.memory_space<vmem>>, vector<1x16xf32>,
    %get3A_448 = arith.constant 1 : i32
    %get3A_449 = arith.index_cast %get3A_448 : i32 to index
    %get3A_450 = arith.constant 32 : index
    %get3A_451 = tpu.vector_load %arg4[%get3A_449, %get3A_450] {strides = array<i32>} : memref<4x128xi32, #tpu.memory_space<vmem>>, vector<1x16xi32>,
    %get3A_452 = vector.shape_cast %get3A_451 : vector<1x16xi32> to vector<16xi32>
    %sub3A_453 = arith.constant 50176 : i32
    %sub3A_454 = vector.broadcast %sub3A_453 : i32 to vector<16xi32>
    %sub3A_455 = arith.subi %get3A_452, %sub3A_454 : vector<16xi32>
    %shift_right_arithmetic3A_456 = arith.constant 31 : i32
    %shift_right_arithmetic3A_457 = vector.broadcast %shift_right_arithmetic3A_456 : i32 to vector<16xi32>
    %shift_right_arithmetic3A_458 = arith.shrsi %sub3A_455, %shift_right_arithmetic3A_457 : vector<16xi32>
    %and3A_459 = arith.constant 1 : i32
    %and3A_460 = vector.broadcast %and3A_459 : i32 to vector<16xi32>
    %and3A_461 = arith.andi %shift_right_arithmetic3A_458, %and3A_460 : vector<16xi32>
    %convert_element_type3A_462 = arith.sitofp %and3A_461 : vector<16xi32> to vector<16xf32>
    %get3A_463 = arith.constant 1 : i32
    %get3A_464 = arith.index_cast %get3A_463 : i32 to index
    %get3A_465 = arith.constant 32 : index
    %get3A_466 = tpu.vector_load %arg6[%get3A_464, %get3A_465] {strides = array<i32>} : memref<4x128xf32, #tpu.memory_space<vmem>>, vector<1x16xf32>,
    %get3A_467 = vector.shape_cast %get3A_466 : vector<1x16xf32> to vector<16xf32>
    %mul3A_468 = arith.constant 2.000000e+00 : f32
    %mul3A_469 = vector.broadcast %mul3A_468 : f32 to vector<16xf32>
    %mul3A_470 = arith.mulf %mul3A_469, %convert_element_type3A_462 : vector<16xf32>
    %sub3A_471 = arith.constant 1.000000e+00 : f32
    %sub3A_472 = vector.broadcast %sub3A_471 : f32 to vector<16xf32>
    %sub3A_473 = arith.subf %mul3A_470, %sub3A_472 : vector<16xf32>
    %mul3A_474 = arith.mulf %get3A_467, %sub3A_473 : vector<16xf32>
    %swap3A_475 = arith.constant 1 : i32
    %swap3A_476 = arith.index_cast %swap3A_475 : i32 to index
    %swap3A_477 = arith.constant 32 : index
    %swap3A_478 = tpu.vector_load %arg6[%swap3A_476, %swap3A_477] {strides = array<i32>} : memref<4x128xf32, #tpu.memory_space<vmem>>, vector<1x16xf32>,
    %swap3A_479 = vector.shape_cast %swap3A_478 : vector<1x16xf32> to vector<16xf32>
    %swap3A_480 = vector.shape_cast %mul3A_474 : vector<16xf32> to vector<1x16xf32>
    tpu.vector_store %arg6[%swap3A_476, %swap3A_477], %swap3A_480 {strides = array<i32>} : memref<4x128xf32, #tpu.memory_space<vmem>>, vector<1x16xf32>,
    %get3A_481 = arith.constant 1 : i32
    %get3A_482 = arith.index_cast %get3A_481 : i32 to index
    %get3A_483 = arith.constant 48 : index
    %get3A_484 = tpu.vector_load %arg4[%get3A_482, %get3A_483] {strides = array<i32>} : memref<4x128xi32, #tpu.memory_space<vmem>>, vector<1x16xi32>,
    %get3A_485 = vector.shape_cast %get3A_484 : vector<1x16xi32> to vector<16xi32>
    %sub3A_486 = arith.constant 50176 : i32
    %sub3A_487 = vector.broadcast %sub3A_486 : i32 to vector<16xi32>
    %sub3A_488 = arith.subi %get3A_485, %sub3A_487 : vector<16xi32>
    %shift_right_arithmetic3A_489 = arith.constant 31 : i32
    %shift_right_arithmetic3A_490 = vector.broadcast %shift_right_arithmetic3A_489 : i32 to vector<16xi32>
    %shift_right_arithmetic3A_491 = arith.shrsi %sub3A_488, %shift_right_arithmetic3A_490 : vector<16xi32>
    %and3A_492 = arith.constant 1 : i32
    %and3A_493 = vector.broadcast %and3A_492 : i32 to vector<16xi32>
    %and3A_494 = arith.andi %shift_right_arithmetic3A_491, %and3A_493 : vector<16xi32>
    %convert_element_type3A_495 = arith.sitofp %and3A_494 : vector<16xi32> to vector<16xf32>
    %get3A_496 = arith.constant 1 : i32
    %get3A_497 = arith.index_cast %get3A_496 : i32 to index
    %get3A_498 = arith.constant 48 : index
    %get3A_499 = tpu.vector_load %arg6[%get3A_497, %get3A_498] {strides = array<i32>} : memref<4x128xf32, #tpu.memory_space<vmem>>, vector<1x16xf32>,
    %get3A_500 = vector.shape_cast %get3A_499 : vector<1x16xf32> to vector<16xf32>
    %mul3A_501 = arith.constant 2.000000e+00 : f32
    %mul3A_502 = vector.broadcast %mul3A_501 : f32 to vector<16xf32>
    %mul3A_503 = arith.mulf %mul3A_502, %convert_element_type3A_495 : vector<16xf32>
    %sub3A_504 = arith.constant 1.000000e+00 : f32
    %sub3A_505 = vector.broadcast %sub3A_504 : f32 to vector<16xf32>
    %sub3A_506 = arith.subf %mul3A_503, %sub3A_505 : vector<16xf32>
    %mul3A_507 = arith.mulf %get3A_500, %sub3A_506 : vector<16xf32>
    %swap3A_508 = arith.constant 1 : i32
    %swap3A_509 = arith.index_cast %swap3A_508 : i32 to index
    %swap3A_510 = arith.constant 48 : index
    %swap3A_511 = tpu.vector_load %arg6[%swap3A_509, %swap3A_510] {strides = array<i32>} : memref<4x128xf32, #tpu.memory_space<vmem>>, vector<1x16xf32>,
    %swap3A_512 = vector.shape_cast %swap3A_511 : vector<1x16xf32> to vector<16xf32>
    %swap3A_513 = vector.shape_cast %mul3A_507 : vector<16xf32> to vector<1x16xf32>
    tpu.vector_store %arg6[%swap3A_509, %swap3A_510], %swap3A_513 {strides = array<i32>} : memref<4x128xf32, #tpu.memory_space<vmem>>, vector<1x16xf32>,
    %get3A_514 = arith.constant 1 : i32
    %get3A_515 = arith.index_cast %get3A_514 : i32 to index
    %get3A_516 = arith.constant 64 : index
    %get3A_517 = tpu.vector_load %arg4[%get3A_515, %get3A_516] {strides = array<i32>} : memref<4x128xi32, #tpu.memory_space<vmem>>, vector<1x16xi32>,
    %get3A_518 = vector.shape_cast %get3A_517 : vector<1x16xi32> to vector<16xi32>
    %sub3A_519 = arith.constant 50176 : i32
    %sub3A_520 = vector.broadcast %sub3A_519 : i32 to vector<16xi32>
    %sub3A_521 = arith.subi %get3A_518, %sub3A_520 : vector<16xi32>
    %shift_right_arithmetic3A_522 = arith.constant 31 : i32
    %shift_right_arithmetic3A_523 = vector.broadcast %shift_right_arithmetic3A_522 : i32 to vector<16xi32>
    %shift_right_arithmetic3A_524 = arith.shrsi %sub3A_521, %shift_right_arithmetic3A_523 : vector<16xi32>
    %and3A_525 = arith.constant 1 : i32
    %and3A_526 = vector.broadcast %and3A_525 : i32 to vector<16xi32>
    %and3A_527 = arith.andi %shift_right_arithmetic3A_524, %and3A_526 : vector<16xi32>
    %convert_element_type3A_528 = arith.sitofp %and3A_527 : vector<16xi32> to vector<16xf32>
    %get3A_529 = arith.constant 1 : i32
    %get3A_530 = arith.index_cast %get3A_529 : i32 to index
    %get3A_531 = arith.constant 64 : index
    %get3A_532 = tpu.vector_load %arg6[%get3A_530, %get3A_531] {strides = array<i32>} : memref<4x128xf32, #tpu.memory_space<vmem>>, vector<1x16xf32>,
    %get3A_533 = vector.shape_cast %get3A_532 : vector<1x16xf32> to vector<16xf32>
    %mul3A_534 = arith.constant 2.000000e+00 : f32
    %mul3A_535 = vector.broadcast %mul3A_534 : f32 to vector<16xf32>
    %mul3A_536 = arith.mulf %mul3A_535, %convert_element_type3A_528 : vector<16xf32>
    %sub3A_537 = arith.constant 1.000000e+00 : f32
    %sub3A_538 = vector.broadcast %sub3A_537 : f32 to vector<16xf32>
    %sub3A_539 = arith.subf %mul3A_536, %sub3A_538 : vector<16xf32>
    %mul3A_540 = arith.mulf %get3A_533, %sub3A_539 : vector<16xf32>
    %swap3A_541 = arith.constant 1 : i32
    %swap3A_542 = arith.index_cast %swap3A_541 : i32 to index
    %swap3A_543 = arith.constant 64 : index
    %swap3A_544 = tpu.vector_load %arg6[%swap3A_542, %swap3A_543] {strides = array<i32>} : memref<4x128xf32, #tpu.memory_space<vmem>>, vector<1x16xf32>,
    %swap3A_545 = vector.shape_cast %swap3A_544 : vector<1x16xf32> to vector<16xf32>
    %swap3A_546 = vector.shape_cast %mul3A_540 : vector<16xf32> to vector<1x16xf32>
    tpu.vector_store %arg6[%swap3A_542, %swap3A_543], %swap3A_546 {strides = array<i32>} : memref<4x128xf32, #tpu.memory_space<vmem>>, vector<1x16xf32>,
    %get3A_547 = arith.constant 1 : i32
    %get3A_548 = arith.index_cast %get3A_547 : i32 to index
    %get3A_549 = arith.constant 80 : index
    %get3A_550 = tpu.vector_load %arg4[%get3A_548, %get3A_549] {strides = array<i32>} : memref<4x128xi32, #tpu.memory_space<vmem>>, vector<1x16xi32>,
    %get3A_551 = vector.shape_cast %get3A_550 : vector<1x16xi32> to vector<16xi32>
    %sub3A_552 = arith.constant 50176 : i32
    %sub3A_553 = vector.broadcast %sub3A_552 : i32 to vector<16xi32>
    %sub3A_554 = arith.subi %get3A_551, %sub3A_553 : vector<16xi32>
    %shift_right_arithmetic3A_555 = arith.constant 31 : i32
    %shift_right_arithmetic3A_556 = vector.broadcast %shift_right_arithmetic3A_555 : i32 to vector<16xi32>
    %shift_right_arithmetic3A_557 = arith.shrsi %sub3A_554, %shift_right_arithmetic3A_556 : vector<16xi32>
    %and3A_558 = arith.constant 1 : i32
    %and3A_559 = vector.broadcast %and3A_558 : i32 to vector<16xi32>
    %and3A_560 = arith.andi %shift_right_arithmetic3A_557, %and3A_559 : vector<16xi32>
    %convert_element_type3A_561 = arith.sitofp %and3A_560 : vector<16xi32> to vector<16xf32>
    %get3A_562 = arith.constant 1 : i32
    %get3A_563 = arith.index_cast %get3A_562 : i32 to index
    %get3A_564 = arith.constant 80 : index
    %get3A_565 = tpu.vector_load %arg6[%get3A_563, %get3A_564] {strides = array<i32>} : memref<4x128xf32, #tpu.memory_space<vmem>>, vector<1x16xf32>,
    %get3A_566 = vector.shape_cast %get3A_565 : vector<1x16xf32> to vector<16xf32>
    %mul3A_567 = arith.constant 2.000000e+00 : f32
    %mul3A_568 = vector.broadcast %mul3A_567 : f32 to vector<16xf32>
    %mul3A_569 = arith.mulf %mul3A_568, %convert_element_type3A_561 : vector<16xf32>
    %sub3A_570 = arith.constant 1.000000e+00 : f32
    %sub3A_571 = vector.broadcast %sub3A_570 : f32 to vector<16xf32>
    %sub3A_572 = arith.subf %mul3A_569, %sub3A_571 : vector<16xf32>
    %mul3A_573 = arith.mulf %get3A_566, %sub3A_572 : vector<16xf32>
    %swap3A_574 = arith.constant 1 : i32
    %swap3A_575 = arith.index_cast %swap3A_574 : i32 to index
    %swap3A_576 = arith.constant 80 : index
    %swap3A_577 = tpu.vector_load %arg6[%swap3A_575, %swap3A_576] {strides = array<i32>} : memref<4x128xf32, #tpu.memory_space<vmem>>, vector<1x16xf32>,
    %swap3A_578 = vector.shape_cast %swap3A_577 : vector<1x16xf32> to vector<16xf32>
    %swap3A_579 = vector.shape_cast %mul3A_573 : vector<16xf32> to vector<1x16xf32>
    tpu.vector_store %arg6[%swap3A_575, %swap3A_576], %swap3A_579 {strides = array<i32>} : memref<4x128xf32, #tpu.memory_space<vmem>>, vector<1x16xf32>,
    %get3A_580 = arith.constant 1 : i32
    %get3A_581 = arith.index_cast %get3A_580 : i32 to index
    %get3A_582 = arith.constant 96 : index
    %get3A_583 = tpu.vector_load %arg4[%get3A_581, %get3A_582] {strides = array<i32>} : memref<4x128xi32, #tpu.memory_space<vmem>>, vector<1x16xi32>,
    %get3A_584 = vector.shape_cast %get3A_583 : vector<1x16xi32> to vector<16xi32>
    %sub3A_585 = arith.constant 50176 : i32
    %sub3A_586 = vector.broadcast %sub3A_585 : i32 to vector<16xi32>
    %sub3A_587 = arith.subi %get3A_584, %sub3A_586 : vector<16xi32>
    %shift_right_arithmetic3A_588 = arith.constant 31 : i32
    %shift_right_arithmetic3A_589 = vector.broadcast %shift_right_arithmetic3A_588 : i32 to vector<16xi32>
    %shift_right_arithmetic3A_590 = arith.shrsi %sub3A_587, %shift_right_arithmetic3A_589 : vector<16xi32>
    %and3A_591 = arith.constant 1 : i32
    %and3A_592 = vector.broadcast %and3A_591 : i32 to vector<16xi32>
    %and3A_593 = arith.andi %shift_right_arithmetic3A_590, %and3A_592 : vector<16xi32>
    %convert_element_type3A_594 = arith.sitofp %and3A_593 : vector<16xi32> to vector<16xf32>
    %get3A_595 = arith.constant 1 : i32
    %get3A_596 = arith.index_cast %get3A_595 : i32 to index
    %get3A_597 = arith.constant 96 : index
    %get3A_598 = tpu.vector_load %arg6[%get3A_596, %get3A_597] {strides = array<i32>} : memref<4x128xf32, #tpu.memory_space<vmem>>, vector<1x16xf32>,
    %get3A_599 = vector.shape_cast %get3A_598 : vector<1x16xf32> to vector<16xf32>
    %mul3A_600 = arith.constant 2.000000e+00 : f32
    %mul3A_601 = vector.broadcast %mul3A_600 : f32 to vector<16xf32>
    %mul3A_602 = arith.mulf %mul3A_601, %convert_element_type3A_594 : vector<16xf32>
    %sub3A_603 = arith.constant 1.000000e+00 : f32
    %sub3A_604 = vector.broadcast %sub3A_603 : f32 to vector<16xf32>
    %sub3A_605 = arith.subf %mul3A_602, %sub3A_604 : vector<16xf32>
    %mul3A_606 = arith.mulf %get3A_599, %sub3A_605 : vector<16xf32>
    %swap3A_607 = arith.constant 1 : i32
    %swap3A_608 = arith.index_cast %swap3A_607 : i32 to index
    %swap3A_609 = arith.constant 96 : index
    %swap3A_610 = tpu.vector_load %arg6[%swap3A_608, %swap3A_609] {strides = array<i32>} : memref<4x128xf32, #tpu.memory_space<vmem>>, vector<1x16xf32>,
    %swap3A_611 = vector.shape_cast %swap3A_610 : vector<1x16xf32> to vector<16xf32>
    %swap3A_612 = vector.shape_cast %mul3A_606 : vector<16xf32> to vector<1x16xf32>
    tpu.vector_store %arg6[%swap3A_608, %swap3A_609], %swap3A_612 {strides = array<i32>} : memref<4x128xf32, #tpu.memory_space<vmem>>, vector<1x16xf32>,
    %get3A_613 = arith.constant 1 : i32
    %get3A_614 = arith.index_cast %get3A_613 : i32 to index
    %get3A_615 = arith.constant 112 : index
    %get3A_616 = tpu.vector_load %arg4[%get3A_614, %get3A_615] {strides = array<i32>} : memref<4x128xi32, #tpu.memory_space<vmem>>, vector<1x16xi32>,
    %get3A_617 = vector.shape_cast %get3A_616 : vector<1x16xi32> to vector<16xi32>
    %sub3A_618 = arith.constant 50176 : i32
    %sub3A_619 = vector.broadcast %sub3A_618 : i32 to vector<16xi32>
    %sub3A_620 = arith.subi %get3A_617, %sub3A_619 : vector<16xi32>
    %shift_right_arithmetic3A_621 = arith.constant 31 : i32
    %shift_right_arithmetic3A_622 = vector.broadcast %shift_right_arithmetic3A_621 : i32 to vector<16xi32>
    %shift_right_arithmetic3A_623 = arith.shrsi %sub3A_620, %shift_right_arithmetic3A_622 : vector<16xi32>
    %and3A_624 = arith.constant 1 : i32
    %and3A_625 = vector.broadcast %and3A_624 : i32 to vector<16xi32>
    %and3A_626 = arith.andi %shift_right_arithmetic3A_623, %and3A_625 : vector<16xi32>
    %convert_element_type3A_627 = arith.sitofp %and3A_626 : vector<16xi32> to vector<16xf32>
    %get3A_628 = arith.constant 1 : i32
    %get3A_629 = arith.index_cast %get3A_628 : i32 to index
    %get3A_630 = arith.constant 112 : index
    %get3A_631 = tpu.vector_load %arg6[%get3A_629, %get3A_630] {strides = array<i32>} : memref<4x128xf32, #tpu.memory_space<vmem>>, vector<1x16xf32>,
    %get3A_632 = vector.shape_cast %get3A_631 : vector<1x16xf32> to vector<16xf32>
    %mul3A_633 = arith.constant 2.000000e+00 : f32
    %mul3A_634 = vector.broadcast %mul3A_633 : f32 to vector<16xf32>
    %mul3A_635 = arith.mulf %mul3A_634, %convert_element_type3A_627 : vector<16xf32>
    %sub3A_636 = arith.constant 1.000000e+00 : f32
    %sub3A_637 = vector.broadcast %sub3A_636 : f32 to vector<16xf32>
    %sub3A_638 = arith.subf %mul3A_635, %sub3A_637 : vector<16xf32>
    %mul3A_639 = arith.mulf %get3A_632, %sub3A_638 : vector<16xf32>
    %swap3A_640 = arith.constant 1 : i32
    %swap3A_641 = arith.index_cast %swap3A_640 : i32 to index
    %swap3A_642 = arith.constant 112 : index
    %swap3A_643 = tpu.vector_load %arg6[%swap3A_641, %swap3A_642] {strides = array<i32>} : memref<4x128xf32, #tpu.memory_space<vmem>>, vector<1x16xf32>,
    %swap3A_644 = vector.shape_cast %swap3A_643 : vector<1x16xf32> to vector<16xf32>
    %swap3A_645 = vector.shape_cast %mul3A_639 : vector<16xf32> to vector<1x16xf32>
    tpu.vector_store %arg6[%swap3A_641, %swap3A_642], %swap3A_645 {strides = array<i32>} : memref<4x128xf32, #tpu.memory_space<vmem>>, vector<1x16xf32>,
    %get3A_646 = arith.constant 2 : i32
    %get3A_647 = arith.index_cast %get3A_646 : i32 to index
    %get3A_648 = arith.constant 0 : index
    %get3A_649 = tpu.vector_load %arg4[%get3A_647, %get3A_648] {strides = array<i32>} : memref<4x128xi32, #tpu.memory_space<vmem>>, vector<1x16xi32>,
    %get3A_650 = vector.shape_cast %get3A_649 : vector<1x16xi32> to vector<16xi32>
    %sub3A_651 = arith.constant 50176 : i32
    %sub3A_652 = vector.broadcast %sub3A_651 : i32 to vector<16xi32>
    %sub3A_653 = arith.subi %get3A_650, %sub3A_652 : vector<16xi32>
    %shift_right_arithmetic3A_654 = arith.constant 31 : i32
    %shift_right_arithmetic3A_655 = vector.broadcast %shift_right_arithmetic3A_654 : i32 to vector<16xi32>
    %shift_right_arithmetic3A_656 = arith.shrsi %sub3A_653, %shift_right_arithmetic3A_655 : vector<16xi32>
    %and3A_657 = arith.constant 1 : i32
    %and3A_658 = vector.broadcast %and3A_657 : i32 to vector<16xi32>
    %and3A_659 = arith.andi %shift_right_arithmetic3A_656, %and3A_658 : vector<16xi32>
    %convert_element_type3A_660 = arith.sitofp %and3A_659 : vector<16xi32> to vector<16xf32>
    %get3A_661 = arith.constant 2 : i32
    %get3A_662 = arith.index_cast %get3A_661 : i32 to index
    %get3A_663 = arith.constant 0 : index
    %get3A_664 = tpu.vector_load %arg6[%get3A_662, %get3A_663] {strides = array<i32>} : memref<4x128xf32, #tpu.memory_space<vmem>>, vector<1x16xf32>,
    %get3A_665 = vector.shape_cast %get3A_664 : vector<1x16xf32> to vector<16xf32>
    %mul3A_666 = arith.constant 2.000000e+00 : f32
    %mul3A_667 = vector.broadcast %mul3A_666 : f32 to vector<16xf32>
    %mul3A_668 = arith.mulf %mul3A_667, %convert_element_type3A_660 : vector<16xf32>
    %sub3A_669 = arith.constant 1.000000e+00 : f32
    %sub3A_670 = vector.broadcast %sub3A_669 : f32 to vector<16xf32>
    %sub3A_671 = arith.subf %mul3A_668, %sub3A_670 : vector<16xf32>
    %mul3A_672 = arith.mulf %get3A_665, %sub3A_671 : vector<16xf32>
    %swap3A_673 = arith.constant 2 : i32
    %swap3A_674 = arith.index_cast %swap3A_673 : i32 to index
    %swap3A_675 = arith.constant 0 : index
    %swap3A_676 = tpu.vector_load %arg6[%swap3A_674, %swap3A_675] {strides = array<i32>} : memref<4x128xf32, #tpu.memory_space<vmem>>, vector<1x16xf32>,
    %swap3A_677 = vector.shape_cast %swap3A_676 : vector<1x16xf32> to vector<16xf32>
    %swap3A_678 = vector.shape_cast %mul3A_672 : vector<16xf32> to vector<1x16xf32>
    tpu.vector_store %arg6[%swap3A_674, %swap3A_675], %swap3A_678 {strides = array<i32>} : memref<4x128xf32, #tpu.memory_space<vmem>>, vector<1x16xf32>,
    %get3A_679 = arith.constant 2 : i32
    %get3A_680 = arith.index_cast %get3A_679 : i32 to index
    %get3A_681 = arith.constant 16 : index
    %get3A_682 = tpu.vector_load %arg4[%get3A_680, %get3A_681] {strides = array<i32>} : memref<4x128xi32, #tpu.memory_space<vmem>>, vector<1x16xi32>,
    %get3A_683 = vector.shape_cast %get3A_682 : vector<1x16xi32> to vector<16xi32>
    %sub3A_684 = arith.constant 50176 : i32
    %sub3A_685 = vector.broadcast %sub3A_684 : i32 to vector<16xi32>
    %sub3A_686 = arith.subi %get3A_683, %sub3A_685 : vector<16xi32>
    %shift_right_arithmetic3A_687 = arith.constant 31 : i32
    %shift_right_arithmetic3A_688 = vector.broadcast %shift_right_arithmetic3A_687 : i32 to vector<16xi32>
    %shift_right_arithmetic3A_689 = arith.shrsi %sub3A_686, %shift_right_arithmetic3A_688 : vector<16xi32>
    %and3A_690 = arith.constant 1 : i32
    %and3A_691 = vector.broadcast %and3A_690 : i32 to vector<16xi32>
    %and3A_692 = arith.andi %shift_right_arithmetic3A_689, %and3A_691 : vector<16xi32>
    %convert_element_type3A_693 = arith.sitofp %and3A_692 : vector<16xi32> to vector<16xf32>
    %get3A_694 = arith.constant 2 : i32
    %get3A_695 = arith.index_cast %get3A_694 : i32 to index
    %get3A_696 = arith.constant 16 : index
    %get3A_697 = tpu.vector_load %arg6[%get3A_695, %get3A_696] {strides = array<i32>} : memref<4x128xf32, #tpu.memory_space<vmem>>, vector<1x16xf32>,
    %get3A_698 = vector.shape_cast %get3A_697 : vector<1x16xf32> to vector<16xf32>
    %mul3A_699 = arith.constant 2.000000e+00 : f32
    %mul3A_700 = vector.broadcast %mul3A_699 : f32 to vector<16xf32>
    %mul3A_701 = arith.mulf %mul3A_700, %convert_element_type3A_693 : vector<16xf32>
    %sub3A_702 = arith.constant 1.000000e+00 : f32
    %sub3A_703 = vector.broadcast %sub3A_702 : f32 to vector<16xf32>
    %sub3A_704 = arith.subf %mul3A_701, %sub3A_703 : vector<16xf32>
    %mul3A_705 = arith.mulf %get3A_698, %sub3A_704 : vector<16xf32>
    %swap3A_706 = arith.constant 2 : i32
    %swap3A_707 = arith.index_cast %swap3A_706 : i32 to index
    %swap3A_708 = arith.constant 16 : index
    %swap3A_709 = tpu.vector_load %arg6[%swap3A_707, %swap3A_708] {strides = array<i32>} : memref<4x128xf32, #tpu.memory_space<vmem>>, vector<1x16xf32>,
    %swap3A_710 = vector.shape_cast %swap3A_709 : vector<1x16xf32> to vector<16xf32>
    %swap3A_711 = vector.shape_cast %mul3A_705 : vector<16xf32> to vector<1x16xf32>
    tpu.vector_store %arg6[%swap3A_707, %swap3A_708], %swap3A_711 {strides = array<i32>} : memref<4x128xf32, #tpu.memory_space<vmem>>, vector<1x16xf32>,
    %get3A_712 = arith.constant 2 : i32
    %get3A_713 = arith.index_cast %get3A_712 : i32 to index
    %get3A_714 = arith.constant 32 : index
    %get3A_715 = tpu.vector_load %arg4[%get3A_713, %get3A_714] {strides = array<i32>} : memref<4x128xi32, #tpu.memory_space<vmem>>, vector<1x16xi32>,
    %get3A_716 = vector.shape_cast %get3A_715 : vector<1x16xi32> to vector<16xi32>
    %sub3A_717 = arith.constant 50176 : i32
    %sub3A_718 = vector.broadcast %sub3A_717 : i32 to vector<16xi32>
    %sub3A_719 = arith.subi %get3A_716, %sub3A_718 : vector<16xi32>
    %shift_right_arithmetic3A_720 = arith.constant 31 : i32
    %shift_right_arithmetic3A_721 = vector.broadcast %shift_right_arithmetic3A_720 : i32 to vector<16xi32>
    %shift_right_arithmetic3A_722 = arith.shrsi %sub3A_719, %shift_right_arithmetic3A_721 : vector<16xi32>
    %and3A_723 = arith.constant 1 : i32
    %and3A_724 = vector.broadcast %and3A_723 : i32 to vector<16xi32>
    %and3A_725 = arith.andi %shift_right_arithmetic3A_722, %and3A_724 : vector<16xi32>
    %convert_element_type3A_726 = arith.sitofp %and3A_725 : vector<16xi32> to vector<16xf32>
    %get3A_727 = arith.constant 2 : i32
    %get3A_728 = arith.index_cast %get3A_727 : i32 to index
    %get3A_729 = arith.constant 32 : index
    %get3A_730 = tpu.vector_load %arg6[%get3A_728, %get3A_729] {strides = array<i32>} : memref<4x128xf32, #tpu.memory_space<vmem>>, vector<1x16xf32>,
    %get3A_731 = vector.shape_cast %get3A_730 : vector<1x16xf32> to vector<16xf32>
    %mul3A_732 = arith.constant 2.000000e+00 : f32
    %mul3A_733 = vector.broadcast %mul3A_732 : f32 to vector<16xf32>
    %mul3A_734 = arith.mulf %mul3A_733, %convert_element_type3A_726 : vector<16xf32>
    %sub3A_735 = arith.constant 1.000000e+00 : f32
    %sub3A_736 = vector.broadcast %sub3A_735 : f32 to vector<16xf32>
    %sub3A_737 = arith.subf %mul3A_734, %sub3A_736 : vector<16xf32>
    %mul3A_738 = arith.mulf %get3A_731, %sub3A_737 : vector<16xf32>
    %swap3A_739 = arith.constant 2 : i32
    %swap3A_740 = arith.index_cast %swap3A_739 : i32 to index
    %swap3A_741 = arith.constant 32 : index
    %swap3A_742 = tpu.vector_load %arg6[%swap3A_740, %swap3A_741] {strides = array<i32>} : memref<4x128xf32, #tpu.memory_space<vmem>>, vector<1x16xf32>,
    %swap3A_743 = vector.shape_cast %swap3A_742 : vector<1x16xf32> to vector<16xf32>
    %swap3A_744 = vector.shape_cast %mul3A_738 : vector<16xf32> to vector<1x16xf32>
    tpu.vector_store %arg6[%swap3A_740, %swap3A_741], %swap3A_744 {strides = array<i32>} : memref<4x128xf32, #tpu.memory_space<vmem>>, vector<1x16xf32>,
    %get3A_745 = arith.constant 2 : i32
    %get3A_746 = arith.index_cast %get3A_745 : i32 to index
    %get3A_747 = arith.constant 48 : index
    %get3A_748 = tpu.vector_load %arg4[%get3A_746, %get3A_747] {strides = array<i32>} : memref<4x128xi32, #tpu.memory_space<vmem>>, vector<1x16xi32>,
    %get3A_749 = vector.shape_cast %get3A_748 : vector<1x16xi32> to vector<16xi32>
    %sub3A_750 = arith.constant 50176 : i32
    %sub3A_751 = vector.broadcast %sub3A_750 : i32 to vector<16xi32>
    %sub3A_752 = arith.subi %get3A_749, %sub3A_751 : vector<16xi32>
    %shift_right_arithmetic3A_753 = arith.constant 31 : i32
    %shift_right_arithmetic3A_754 = vector.broadcast %shift_right_arithmetic3A_753 : i32 to vector<16xi32>
    %shift_right_arithmetic3A_755 = arith.shrsi %sub3A_752, %shift_right_arithmetic3A_754 : vector<16xi32>
    %and3A_756 = arith.constant 1 : i32
    %and3A_757 = vector.broadcast %and3A_756 : i32 to vector<16xi32>
    %and3A_758 = arith.andi %shift_right_arithmetic3A_755, %and3A_757 : vector<16xi32>
    %convert_element_type3A_759 = arith.sitofp %and3A_758 : vector<16xi32> to vector<16xf32>
    %get3A_760 = arith.constant 2 : i32
    %get3A_761 = arith.index_cast %get3A_760 : i32 to index
    %get3A_762 = arith.constant 48 : index
    %get3A_763 = tpu.vector_load %arg6[%get3A_761, %get3A_762] {strides = array<i32>} : memref<4x128xf32, #tpu.memory_space<vmem>>, vector<1x16xf32>,
    %get3A_764 = vector.shape_cast %get3A_763 : vector<1x16xf32> to vector<16xf32>
    %mul3A_765 = arith.constant 2.000000e+00 : f32
    %mul3A_766 = vector.broadcast %mul3A_765 : f32 to vector<16xf32>
    %mul3A_767 = arith.mulf %mul3A_766, %convert_element_type3A_759 : vector<16xf32>
    %sub3A_768 = arith.constant 1.000000e+00 : f32
    %sub3A_769 = vector.broadcast %sub3A_768 : f32 to vector<16xf32>
    %sub3A_770 = arith.subf %mul3A_767, %sub3A_769 : vector<16xf32>
    %mul3A_771 = arith.mulf %get3A_764, %sub3A_770 : vector<16xf32>
    %swap3A_772 = arith.constant 2 : i32
    %swap3A_773 = arith.index_cast %swap3A_772 : i32 to index
    %swap3A_774 = arith.constant 48 : index
    %swap3A_775 = tpu.vector_load %arg6[%swap3A_773, %swap3A_774] {strides = array<i32>} : memref<4x128xf32, #tpu.memory_space<vmem>>, vector<1x16xf32>,
    %swap3A_776 = vector.shape_cast %swap3A_775 : vector<1x16xf32> to vector<16xf32>
    %swap3A_777 = vector.shape_cast %mul3A_771 : vector<16xf32> to vector<1x16xf32>
    tpu.vector_store %arg6[%swap3A_773, %swap3A_774], %swap3A_777 {strides = array<i32>} : memref<4x128xf32, #tpu.memory_space<vmem>>, vector<1x16xf32>,
    %get3A_778 = arith.constant 2 : i32
    %get3A_779 = arith.index_cast %get3A_778 : i32 to index
    %get3A_780 = arith.constant 64 : index
    %get3A_781 = tpu.vector_load %arg4[%get3A_779, %get3A_780] {strides = array<i32>} : memref<4x128xi32, #tpu.memory_space<vmem>>, vector<1x16xi32>,
    %get3A_782 = vector.shape_cast %get3A_781 : vector<1x16xi32> to vector<16xi32>
    %sub3A_783 = arith.constant 50176 : i32
    %sub3A_784 = vector.broadcast %sub3A_783 : i32 to vector<16xi32>
    %sub3A_785 = arith.subi %get3A_782, %sub3A_784 : vector<16xi32>
    %shift_right_arithmetic3A_786 = arith.constant 31 : i32
    %shift_right_arithmetic3A_787 = vector.broadcast %shift_right_arithmetic3A_786 : i32 to vector<16xi32>
    %shift_right_arithmetic3A_788 = arith.shrsi %sub3A_785, %shift_right_arithmetic3A_787 : vector<16xi32>
    %and3A_789 = arith.constant 1 : i32
    %and3A_790 = vector.broadcast %and3A_789 : i32 to vector<16xi32>
    %and3A_791 = arith.andi %shift_right_arithmetic3A_788, %and3A_790 : vector<16xi32>
    %convert_element_type3A_792 = arith.sitofp %and3A_791 : vector<16xi32> to vector<16xf32>
    %get3A_793 = arith.constant 2 : i32
    %get3A_794 = arith.index_cast %get3A_793 : i32 to index
    %get3A_795 = arith.constant 64 : index
    %get3A_796 = tpu.vector_load %arg6[%get3A_794, %get3A_795] {strides = array<i32>} : memref<4x128xf32, #tpu.memory_space<vmem>>, vector<1x16xf32>,
    %get3A_797 = vector.shape_cast %get3A_796 : vector<1x16xf32> to vector<16xf32>
    %mul3A_798 = arith.constant 2.000000e+00 : f32
    %mul3A_799 = vector.broadcast %mul3A_798 : f32 to vector<16xf32>
    %mul3A_800 = arith.mulf %mul3A_799, %convert_element_type3A_792 : vector<16xf32>
    %sub3A_801 = arith.constant 1.000000e+00 : f32
    %sub3A_802 = vector.broadcast %sub3A_801 : f32 to vector<16xf32>
    %sub3A_803 = arith.subf %mul3A_800, %sub3A_802 : vector<16xf32>
    %mul3A_804 = arith.mulf %get3A_797, %sub3A_803 : vector<16xf32>
    %swap3A_805 = arith.constant 2 : i32
    %swap3A_806 = arith.index_cast %swap3A_805 : i32 to index
    %swap3A_807 = arith.constant 64 : index
    %swap3A_808 = tpu.vector_load %arg6[%swap3A_806, %swap3A_807] {strides = array<i32>} : memref<4x128xf32, #tpu.memory_space<vmem>>, vector<1x16xf32>,
    %swap3A_809 = vector.shape_cast %swap3A_808 : vector<1x16xf32> to vector<16xf32>
    %swap3A_810 = vector.shape_cast %mul3A_804 : vector<16xf32> to vector<1x16xf32>
    tpu.vector_store %arg6[%swap3A_806, %swap3A_807], %swap3A_810 {strides = array<i32>} : memref<4x128xf32, #tpu.memory_space<vmem>>, vector<1x16xf32>,
    %get3A_811 = arith.constant 2 : i32
    %get3A_812 = arith.index_cast %get3A_811 : i32 to index
    %get3A_813 = arith.constant 80 : index
    %get3A_814 = tpu.vector_load %arg4[%get3A_812, %get3A_813] {strides = array<i32>} : memref<4x128xi32, #tpu.memory_space<vmem>>, vector<1x16xi32>,
    %get3A_815 = vector.shape_cast %get3A_814 : vector<1x16xi32> to vector<16xi32>
    %sub3A_816 = arith.constant 50176 : i32
    %sub3A_817 = vector.broadcast %sub3A_816 : i32 to vector<16xi32>
    %sub3A_818 = arith.subi %get3A_815, %sub3A_817 : vector<16xi32>
    %shift_right_arithmetic3A_819 = arith.constant 31 : i32
    %shift_right_arithmetic3A_820 = vector.broadcast %shift_right_arithmetic3A_819 : i32 to vector<16xi32>
    %shift_right_arithmetic3A_821 = arith.shrsi %sub3A_818, %shift_right_arithmetic3A_820 : vector<16xi32>
    %and3A_822 = arith.constant 1 : i32
    %and3A_823 = vector.broadcast %and3A_822 : i32 to vector<16xi32>
    %and3A_824 = arith.andi %shift_right_arithmetic3A_821, %and3A_823 : vector<16xi32>
    %convert_element_type3A_825 = arith.sitofp %and3A_824 : vector<16xi32> to vector<16xf32>
    %get3A_826 = arith.constant 2 : i32
    %get3A_827 = arith.index_cast %get3A_826 : i32 to index
    %get3A_828 = arith.constant 80 : index
    %get3A_829 = tpu.vector_load %arg6[%get3A_827, %get3A_828] {strides = array<i32>} : memref<4x128xf32, #tpu.memory_space<vmem>>, vector<1x16xf32>,
    %get3A_830 = vector.shape_cast %get3A_829 : vector<1x16xf32> to vector<16xf32>
    %mul3A_831 = arith.constant 2.000000e+00 : f32
    %mul3A_832 = vector.broadcast %mul3A_831 : f32 to vector<16xf32>
    %mul3A_833 = arith.mulf %mul3A_832, %convert_element_type3A_825 : vector<16xf32>
    %sub3A_834 = arith.constant 1.000000e+00 : f32
    %sub3A_835 = vector.broadcast %sub3A_834 : f32 to vector<16xf32>
    %sub3A_836 = arith.subf %mul3A_833, %sub3A_835 : vector<16xf32>
    %mul3A_837 = arith.mulf %get3A_830, %sub3A_836 : vector<16xf32>
    %swap3A_838 = arith.constant 2 : i32
    %swap3A_839 = arith.index_cast %swap3A_838 : i32 to index
    %swap3A_840 = arith.constant 80 : index
    %swap3A_841 = tpu.vector_load %arg6[%swap3A_839, %swap3A_840] {strides = array<i32>} : memref<4x128xf32, #tpu.memory_space<vmem>>, vector<1x16xf32>,
    %swap3A_842 = vector.shape_cast %swap3A_841 : vector<1x16xf32> to vector<16xf32>
    %swap3A_843 = vector.shape_cast %mul3A_837 : vector<16xf32> to vector<1x16xf32>
    tpu.vector_store %arg6[%swap3A_839, %swap3A_840], %swap3A_843 {strides = array<i32>} : memref<4x128xf32, #tpu.memory_space<vmem>>, vector<1x16xf32>,
    %get3A_844 = arith.constant 2 : i32
    %get3A_845 = arith.index_cast %get3A_844 : i32 to index
    %get3A_846 = arith.constant 96 : index
    %get3A_847 = tpu.vector_load %arg4[%get3A_845, %get3A_846] {strides = array<i32>} : memref<4x128xi32, #tpu.memory_space<vmem>>, vector<1x16xi32>,
    %get3A_848 = vector.shape_cast %get3A_847 : vector<1x16xi32> to vector<16xi32>
    %sub3A_849 = arith.constant 50176 : i32
    %sub3A_850 = vector.broadcast %sub3A_849 : i32 to vector<16xi32>
    %sub3A_851 = arith.subi %get3A_848, %sub3A_850 : vector<16xi32>
    %shift_right_arithmetic3A_852 = arith.constant 31 : i32
    %shift_right_arithmetic3A_853 = vector.broadcast %shift_right_arithmetic3A_852 : i32 to vector<16xi32>
    %shift_right_arithmetic3A_854 = arith.shrsi %sub3A_851, %shift_right_arithmetic3A_853 : vector<16xi32>
    %and3A_855 = arith.constant 1 : i32
    %and3A_856 = vector.broadcast %and3A_855 : i32 to vector<16xi32>
    %and3A_857 = arith.andi %shift_right_arithmetic3A_854, %and3A_856 : vector<16xi32>
    %convert_element_type3A_858 = arith.sitofp %and3A_857 : vector<16xi32> to vector<16xf32>
    %get3A_859 = arith.constant 2 : i32
    %get3A_860 = arith.index_cast %get3A_859 : i32 to index
    %get3A_861 = arith.constant 96 : index
    %get3A_862 = tpu.vector_load %arg6[%get3A_860, %get3A_861] {strides = array<i32>} : memref<4x128xf32, #tpu.memory_space<vmem>>, vector<1x16xf32>,
    %get3A_863 = vector.shape_cast %get3A_862 : vector<1x16xf32> to vector<16xf32>
    %mul3A_864 = arith.constant 2.000000e+00 : f32
    %mul3A_865 = vector.broadcast %mul3A_864 : f32 to vector<16xf32>
    %mul3A_866 = arith.mulf %mul3A_865, %convert_element_type3A_858 : vector<16xf32>
    %sub3A_867 = arith.constant 1.000000e+00 : f32
    %sub3A_868 = vector.broadcast %sub3A_867 : f32 to vector<16xf32>
    %sub3A_869 = arith.subf %mul3A_866, %sub3A_868 : vector<16xf32>
    %mul3A_870 = arith.mulf %get3A_863, %sub3A_869 : vector<16xf32>
    %swap3A_871 = arith.constant 2 : i32
    %swap3A_872 = arith.index_cast %swap3A_871 : i32 to index
    %swap3A_873 = arith.constant 96 : index
    %swap3A_874 = tpu.vector_load %arg6[%swap3A_872, %swap3A_873] {strides = array<i32>} : memref<4x128xf32, #tpu.memory_space<vmem>>, vector<1x16xf32>,
    %swap3A_875 = vector.shape_cast %swap3A_874 : vector<1x16xf32> to vector<16xf32>
    %swap3A_876 = vector.shape_cast %mul3A_870 : vector<16xf32> to vector<1x16xf32>
    tpu.vector_store %arg6[%swap3A_872, %swap3A_873], %swap3A_876 {strides = array<i32>} : memref<4x128xf32, #tpu.memory_space<vmem>>, vector<1x16xf32>,
    %get3A_877 = arith.constant 2 : i32
    %get3A_878 = arith.index_cast %get3A_877 : i32 to index
    %get3A_879 = arith.constant 112 : index
    %get3A_880 = tpu.vector_load %arg4[%get3A_878, %get3A_879] {strides = array<i32>} : memref<4x128xi32, #tpu.memory_space<vmem>>, vector<1x16xi32>,
    %get3A_881 = vector.shape_cast %get3A_880 : vector<1x16xi32> to vector<16xi32>
    %sub3A_882 = arith.constant 50176 : i32
    %sub3A_883 = vector.broadcast %sub3A_882 : i32 to vector<16xi32>
    %sub3A_884 = arith.subi %get3A_881, %sub3A_883 : vector<16xi32>
    %shift_right_arithmetic3A_885 = arith.constant 31 : i32
    %shift_right_arithmetic3A_886 = vector.broadcast %shift_right_arithmetic3A_885 : i32 to vector<16xi32>
    %shift_right_arithmetic3A_887 = arith.shrsi %sub3A_884, %shift_right_arithmetic3A_886 : vector<16xi32>
    %and3A_888 = arith.constant 1 : i32
    %and3A_889 = vector.broadcast %and3A_888 : i32 to vector<16xi32>
    %and3A_890 = arith.andi %shift_right_arithmetic3A_887, %and3A_889 : vector<16xi32>
    %convert_element_type3A_891 = arith.sitofp %and3A_890 : vector<16xi32> to vector<16xf32>
    %get3A_892 = arith.constant 2 : i32
    %get3A_893 = arith.index_cast %get3A_892 : i32 to index
    %get3A_894 = arith.constant 112 : index
    %get3A_895 = tpu.vector_load %arg6[%get3A_893, %get3A_894] {strides = array<i32>} : memref<4x128xf32, #tpu.memory_space<vmem>>, vector<1x16xf32>,
    %get3A_896 = vector.shape_cast %get3A_895 : vector<1x16xf32> to vector<16xf32>
    %mul3A_897 = arith.constant 2.000000e+00 : f32
    %mul3A_898 = vector.broadcast %mul3A_897 : f32 to vector<16xf32>
    %mul3A_899 = arith.mulf %mul3A_898, %convert_element_type3A_891 : vector<16xf32>
    %sub3A_900 = arith.constant 1.000000e+00 : f32
    %sub3A_901 = vector.broadcast %sub3A_900 : f32 to vector<16xf32>
    %sub3A_902 = arith.subf %mul3A_899, %sub3A_901 : vector<16xf32>
    %mul3A_903 = arith.mulf %get3A_896, %sub3A_902 : vector<16xf32>
    %swap3A_904 = arith.constant 2 : i32
    %swap3A_905 = arith.index_cast %swap3A_904 : i32 to index
    %swap3A_906 = arith.constant 112 : index
    %swap3A_907 = tpu.vector_load %arg6[%swap3A_905, %swap3A_906] {strides = array<i32>} : memref<4x128xf32, #tpu.memory_space<vmem>>, vector<1x16xf32>,
    %swap3A_908 = vector.shape_cast %swap3A_907 : vector<1x16xf32> to vector<16xf32>
    %swap3A_909 = vector.shape_cast %mul3A_903 : vector<16xf32> to vector<1x16xf32>
    tpu.vector_store %arg6[%swap3A_905, %swap3A_906], %swap3A_909 {strides = array<i32>} : memref<4x128xf32, #tpu.memory_space<vmem>>, vector<1x16xf32>,
    %get3A_910 = arith.constant 3 : i32
    %get3A_911 = arith.index_cast %get3A_910 : i32 to index
    %get3A_912 = arith.constant 0 : index
    %get3A_913 = tpu.vector_load %arg4[%get3A_911, %get3A_912] {strides = array<i32>} : memref<4x128xi32, #tpu.memory_space<vmem>>, vector<1x16xi32>,
    %get3A_914 = vector.shape_cast %get3A_913 : vector<1x16xi32> to vector<16xi32>
    %sub3A_915 = arith.constant 50176 : i32
    %sub3A_916 = vector.broadcast %sub3A_915 : i32 to vector<16xi32>
    %sub3A_917 = arith.subi %get3A_914, %sub3A_916 : vector<16xi32>
    %shift_right_arithmetic3A_918 = arith.constant 31 : i32
    %shift_right_arithmetic3A_919 = vector.broadcast %shift_right_arithmetic3A_918 : i32 to vector<16xi32>
    %shift_right_arithmetic3A_920 = arith.shrsi %sub3A_917, %shift_right_arithmetic3A_919 : vector<16xi32>
    %and3A_921 = arith.constant 1 : i32
    %and3A_922 = vector.broadcast %and3A_921 : i32 to vector<16xi32>
    %and3A_923 = arith.andi %shift_right_arithmetic3A_920, %and3A_922 : vector<16xi32>
    %convert_element_type3A_924 = arith.sitofp %and3A_923 : vector<16xi32> to vector<16xf32>
    %get3A_925 = arith.constant 3 : i32
    %get3A_926 = arith.index_cast %get3A_925 : i32 to index
    %get3A_927 = arith.constant 0 : index
    %get3A_928 = tpu.vector_load %arg6[%get3A_926, %get3A_927] {strides = array<i32>} : memref<4x128xf32, #tpu.memory_space<vmem>>, vector<1x16xf32>,
    %get3A_929 = vector.shape_cast %get3A_928 : vector<1x16xf32> to vector<16xf32>
    %mul3A_930 = arith.constant 2.000000e+00 : f32
    %mul3A_931 = vector.broadcast %mul3A_930 : f32 to vector<16xf32>
    %mul3A_932 = arith.mulf %mul3A_931, %convert_element_type3A_924 : vector<16xf32>
    %sub3A_933 = arith.constant 1.000000e+00 : f32
    %sub3A_934 = vector.broadcast %sub3A_933 : f32 to vector<16xf32>
    %sub3A_935 = arith.subf %mul3A_932, %sub3A_934 : vector<16xf32>
    %mul3A_936 = arith.mulf %get3A_929, %sub3A_935 : vector<16xf32>
    %swap3A_937 = arith.constant 3 : i32
    %swap3A_938 = arith.index_cast %swap3A_937 : i32 to index
    %swap3A_939 = arith.constant 0 : index
    %swap3A_940 = tpu.vector_load %arg6[%swap3A_938, %swap3A_939] {strides = array<i32>} : memref<4x128xf32, #tpu.memory_space<vmem>>, vector<1x16xf32>,
    %swap3A_941 = vector.shape_cast %swap3A_940 : vector<1x16xf32> to vector<16xf32>
    %swap3A_942 = vector.shape_cast %mul3A_936 : vector<16xf32> to vector<1x16xf32>
    tpu.vector_store %arg6[%swap3A_938, %swap3A_939], %swap3A_942 {strides = array<i32>} : memref<4x128xf32, #tpu.memory_space<vmem>>, vector<1x16xf32>,
    %get3A_943 = arith.constant 3 : i32
    %get3A_944 = arith.index_cast %get3A_943 : i32 to index
    %get3A_945 = arith.constant 16 : index
    %get3A_946 = tpu.vector_load %arg4[%get3A_944, %get3A_945] {strides = array<i32>} : memref<4x128xi32, #tpu.memory_space<vmem>>, vector<1x16xi32>,
    %get3A_947 = vector.shape_cast %get3A_946 : vector<1x16xi32> to vector<16xi32>
    %sub3A_948 = arith.constant 50176 : i32
    %sub3A_949 = vector.broadcast %sub3A_948 : i32 to vector<16xi32>
    %sub3A_950 = arith.subi %get3A_947, %sub3A_949 : vector<16xi32>
    %shift_right_arithmetic3A_951 = arith.constant 31 : i32
    %shift_right_arithmetic3A_952 = vector.broadcast %shift_right_arithmetic3A_951 : i32 to vector<16xi32>
    %shift_right_arithmetic3A_953 = arith.shrsi %sub3A_950, %shift_right_arithmetic3A_952 : vector<16xi32>
    %and3A_954 = arith.constant 1 : i32
    %and3A_955 = vector.broadcast %and3A_954 : i32 to vector<16xi32>
    %and3A_956 = arith.andi %shift_right_arithmetic3A_953, %and3A_955 : vector<16xi32>
    %convert_element_type3A_957 = arith.sitofp %and3A_956 : vector<16xi32> to vector<16xf32>
    %get3A_958 = arith.constant 3 : i32
    %get3A_959 = arith.index_cast %get3A_958 : i32 to index
    %get3A_960 = arith.constant 16 : index
    %get3A_961 = tpu.vector_load %arg6[%get3A_959, %get3A_960] {strides = array<i32>} : memref<4x128xf32, #tpu.memory_space<vmem>>, vector<1x16xf32>,
    %get3A_962 = vector.shape_cast %get3A_961 : vector<1x16xf32> to vector<16xf32>
    %mul3A_963 = arith.constant 2.000000e+00 : f32
    %mul3A_964 = vector.broadcast %mul3A_963 : f32 to vector<16xf32>
    %mul3A_965 = arith.mulf %mul3A_964, %convert_element_type3A_957 : vector<16xf32>
    %sub3A_966 = arith.constant 1.000000e+00 : f32
    %sub3A_967 = vector.broadcast %sub3A_966 : f32 to vector<16xf32>
    %sub3A_968 = arith.subf %mul3A_965, %sub3A_967 : vector<16xf32>
    %mul3A_969 = arith.mulf %get3A_962, %sub3A_968 : vector<16xf32>
    %swap3A_970 = arith.constant 3 : i32
    %swap3A_971 = arith.index_cast %swap3A_970 : i32 to index
    %swap3A_972 = arith.constant 16 : index
    %swap3A_973 = tpu.vector_load %arg6[%swap3A_971, %swap3A_972] {strides = array<i32>} : memref<4x128xf32, #tpu.memory_space<vmem>>, vector<1x16xf32>,
    %swap3A_974 = vector.shape_cast %swap3A_973 : vector<1x16xf32> to vector<16xf32>
    %swap3A_975 = vector.shape_cast %mul3A_969 : vector<16xf32> to vector<1x16xf32>
    tpu.vector_store %arg6[%swap3A_971, %swap3A_972], %swap3A_975 {strides = array<i32>} : memref<4x128xf32, #tpu.memory_space<vmem>>, vector<1x16xf32>,
    %get3A_976 = arith.constant 3 : i32
    %get3A_977 = arith.index_cast %get3A_976 : i32 to index
    %get3A_978 = arith.constant 32 : index
    %get3A_979 = tpu.vector_load %arg4[%get3A_977, %get3A_978] {strides = array<i32>} : memref<4x128xi32, #tpu.memory_space<vmem>>, vector<1x16xi32>,
    %get3A_980 = vector.shape_cast %get3A_979 : vector<1x16xi32> to vector<16xi32>
    %sub3A_981 = arith.constant 50176 : i32
    %sub3A_982 = vector.broadcast %sub3A_981 : i32 to vector<16xi32>
    %sub3A_983 = arith.subi %get3A_980, %sub3A_982 : vector<16xi32>
    %shift_right_arithmetic3A_984 = arith.constant 31 : i32
    %shift_right_arithmetic3A_985 = vector.broadcast %shift_right_arithmetic3A_984 : i32 to vector<16xi32>
    %shift_right_arithmetic3A_986 = arith.shrsi %sub3A_983, %shift_right_arithmetic3A_985 : vector<16xi32>
    %and3A_987 = arith.constant 1 : i32
    %and3A_988 = vector.broadcast %and3A_987 : i32 to vector<16xi32>
    %and3A_989 = arith.andi %shift_right_arithmetic3A_986, %and3A_988 : vector<16xi32>
    %convert_element_type3A_990 = arith.sitofp %and3A_989 : vector<16xi32> to vector<16xf32>
    %get3A_991 = arith.constant 3 : i32
    %get3A_992 = arith.index_cast %get3A_991 : i32 to index
    %get3A_993 = arith.constant 32 : index
    %get3A_994 = tpu.vector_load %arg6[%get3A_992, %get3A_993] {strides = array<i32>} : memref<4x128xf32, #tpu.memory_space<vmem>>, vector<1x16xf32>,
    %get3A_995 = vector.shape_cast %get3A_994 : vector<1x16xf32> to vector<16xf32>
    %mul3A_996 = arith.constant 2.000000e+00 : f32
    %mul3A_997 = vector.broadcast %mul3A_996 : f32 to vector<16xf32>
    %mul3A_998 = arith.mulf %mul3A_997, %convert_element_type3A_990 : vector<16xf32>
    %sub3A_999 = arith.constant 1.000000e+00 : f32
    %sub3A_1000 = vector.broadcast %sub3A_999 : f32 to vector<16xf32>
    %sub3A_1001 = arith.subf %mul3A_998, %sub3A_1000 : vector<16xf32>
    %mul3A_1002 = arith.mulf %get3A_995, %sub3A_1001 : vector<16xf32>
    %swap3A_1003 = arith.constant 3 : i32
    %swap3A_1004 = arith.index_cast %swap3A_1003 : i32 to index
    %swap3A_1005 = arith.constant 32 : index
    %swap3A_1006 = tpu.vector_load %arg6[%swap3A_1004, %swap3A_1005] {strides = array<i32>} : memref<4x128xf32, #tpu.memory_space<vmem>>, vector<1x16xf32>,
    %swap3A_1007 = vector.shape_cast %swap3A_1006 : vector<1x16xf32> to vector<16xf32>
    %swap3A_1008 = vector.shape_cast %mul3A_1002 : vector<16xf32> to vector<1x16xf32>
    tpu.vector_store %arg6[%swap3A_1004, %swap3A_1005], %swap3A_1008 {strides = array<i32>} : memref<4x128xf32, #tpu.memory_space<vmem>>, vector<1x16xf32>,
    %get3A_1009 = arith.constant 3 : i32
    %get3A_1010 = arith.index_cast %get3A_1009 : i32 to index
    %get3A_1011 = arith.constant 48 : index
    %get3A_1012 = tpu.vector_load %arg4[%get3A_1010, %get3A_1011] {strides = array<i32>} : memref<4x128xi32, #tpu.memory_space<vmem>>, vector<1x16xi32>,
    %get3A_1013 = vector.shape_cast %get3A_1012 : vector<1x16xi32> to vector<16xi32>
    %sub3A_1014 = arith.constant 50176 : i32
    %sub3A_1015 = vector.broadcast %sub3A_1014 : i32 to vector<16xi32>
    %sub3A_1016 = arith.subi %get3A_1013, %sub3A_1015 : vector<16xi32>
    %shift_right_arithmetic3A_1017 = arith.constant 31 : i32
    %shift_right_arithmetic3A_1018 = vector.broadcast %shift_right_arithmetic3A_1017 : i32 to vector<16xi32>
    %shift_right_arithmetic3A_1019 = arith.shrsi %sub3A_1016, %shift_right_arithmetic3A_1018 : vector<16xi32>
    %and3A_1020 = arith.constant 1 : i32
    %and3A_1021 = vector.broadcast %and3A_1020 : i32 to vector<16xi32>
    %and3A_1022 = arith.andi %shift_right_arithmetic3A_1019, %and3A_1021 : vector<16xi32>
    %convert_element_type3A_1023 = arith.sitofp %and3A_1022 : vector<16xi32> to vector<16xf32>
    %get3A_1024 = arith.constant 3 : i32
    %get3A_1025 = arith.index_cast %get3A_1024 : i32 to index
    %get3A_1026 = arith.constant 48 : index
    %get3A_1027 = tpu.vector_load %arg6[%get3A_1025, %get3A_1026] {strides = array<i32>} : memref<4x128xf32, #tpu.memory_space<vmem>>, vector<1x16xf32>,
    %get3A_1028 = vector.shape_cast %get3A_1027 : vector<1x16xf32> to vector<16xf32>
    %mul3A_1029 = arith.constant 2.000000e+00 : f32
    %mul3A_1030 = vector.broadcast %mul3A_1029 : f32 to vector<16xf32>
    %mul3A_1031 = arith.mulf %mul3A_1030, %convert_element_type3A_1023 : vector<16xf32>
    %sub3A_1032 = arith.constant 1.000000e+00 : f32
    %sub3A_1033 = vector.broadcast %sub3A_1032 : f32 to vector<16xf32>
    %sub3A_1034 = arith.subf %mul3A_1031, %sub3A_1033 : vector<16xf32>
    %mul3A_1035 = arith.mulf %get3A_1028, %sub3A_1034 : vector<16xf32>
    %swap3A_1036 = arith.constant 3 : i32
    %swap3A_1037 = arith.index_cast %swap3A_1036 : i32 to index
    %swap3A_1038 = arith.constant 48 : index
    %swap3A_1039 = tpu.vector_load %arg6[%swap3A_1037, %swap3A_1038] {strides = array<i32>} : memref<4x128xf32, #tpu.memory_space<vmem>>, vector<1x16xf32>,
    %swap3A_1040 = vector.shape_cast %swap3A_1039 : vector<1x16xf32> to vector<16xf32>
    %swap3A_1041 = vector.shape_cast %mul3A_1035 : vector<16xf32> to vector<1x16xf32>
    tpu.vector_store %arg6[%swap3A_1037, %swap3A_1038], %swap3A_1041 {strides = array<i32>} : memref<4x128xf32, #tpu.memory_space<vmem>>, vector<1x16xf32>,
    %get3A_1042 = arith.constant 3 : i32
    %get3A_1043 = arith.index_cast %get3A_1042 : i32 to index
    %get3A_1044 = arith.constant 64 : index
    %get3A_1045 = tpu.vector_load %arg4[%get3A_1043, %get3A_1044] {strides = array<i32>} : memref<4x128xi32, #tpu.memory_space<vmem>>, vector<1x16xi32>,
    %get3A_1046 = vector.shape_cast %get3A_1045 : vector<1x16xi32> to vector<16xi32>
    %sub3A_1047 = arith.constant 50176 : i32
    %sub3A_1048 = vector.broadcast %sub3A_1047 : i32 to vector<16xi32>
    %sub3A_1049 = arith.subi %get3A_1046, %sub3A_1048 : vector<16xi32>
    %shift_right_arithmetic3A_1050 = arith.constant 31 : i32
    %shift_right_arithmetic3A_1051 = vector.broadcast %shift_right_arithmetic3A_1050 : i32 to vector<16xi32>
    %shift_right_arithmetic3A_1052 = arith.shrsi %sub3A_1049, %shift_right_arithmetic3A_1051 : vector<16xi32>
    %and3A_1053 = arith.constant 1 : i32
    %and3A_1054 = vector.broadcast %and3A_1053 : i32 to vector<16xi32>
    %and3A_1055 = arith.andi %shift_right_arithmetic3A_1052, %and3A_1054 : vector<16xi32>
    %convert_element_type3A_1056 = arith.sitofp %and3A_1055 : vector<16xi32> to vector<16xf32>
    %get3A_1057 = arith.constant 3 : i32
    %get3A_1058 = arith.index_cast %get3A_1057 : i32 to index
    %get3A_1059 = arith.constant 64 : index
    %get3A_1060 = tpu.vector_load %arg6[%get3A_1058, %get3A_1059] {strides = array<i32>} : memref<4x128xf32, #tpu.memory_space<vmem>>, vector<1x16xf32>,
    %get3A_1061 = vector.shape_cast %get3A_1060 : vector<1x16xf32> to vector<16xf32>
    %mul3A_1062 = arith.constant 2.000000e+00 : f32
    %mul3A_1063 = vector.broadcast %mul3A_1062 : f32 to vector<16xf32>
    %mul3A_1064 = arith.mulf %mul3A_1063, %convert_element_type3A_1056 : vector<16xf32>
    %sub3A_1065 = arith.constant 1.000000e+00 : f32
    %sub3A_1066 = vector.broadcast %sub3A_1065 : f32 to vector<16xf32>
    %sub3A_1067 = arith.subf %mul3A_1064, %sub3A_1066 : vector<16xf32>
    %mul3A_1068 = arith.mulf %get3A_1061, %sub3A_1067 : vector<16xf32>
    %swap3A_1069 = arith.constant 3 : i32
    %swap3A_1070 = arith.index_cast %swap3A_1069 : i32 to index
    %swap3A_1071 = arith.constant 64 : index
    %swap3A_1072 = tpu.vector_load %arg6[%swap3A_1070, %swap3A_1071] {strides = array<i32>} : memref<4x128xf32, #tpu.memory_space<vmem>>, vector<1x16xf32>,
    %swap3A_1073 = vector.shape_cast %swap3A_1072 : vector<1x16xf32> to vector<16xf32>
    %swap3A_1074 = vector.shape_cast %mul3A_1068 : vector<16xf32> to vector<1x16xf32>
    tpu.vector_store %arg6[%swap3A_1070, %swap3A_1071], %swap3A_1074 {strides = array<i32>} : memref<4x128xf32, #tpu.memory_space<vmem>>, vector<1x16xf32>,
    %get3A_1075 = arith.constant 3 : i32
    %get3A_1076 = arith.index_cast %get3A_1075 : i32 to index
    %get3A_1077 = arith.constant 80 : index
    %get3A_1078 = tpu.vector_load %arg4[%get3A_1076, %get3A_1077] {strides = array<i32>} : memref<4x128xi32, #tpu.memory_space<vmem>>, vector<1x16xi32>,
    %get3A_1079 = vector.shape_cast %get3A_1078 : vector<1x16xi32> to vector<16xi32>
    %sub3A_1080 = arith.constant 50176 : i32
    %sub3A_1081 = vector.broadcast %sub3A_1080 : i32 to vector<16xi32>
    %sub3A_1082 = arith.subi %get3A_1079, %sub3A_1081 : vector<16xi32>
    %shift_right_arithmetic3A_1083 = arith.constant 31 : i32
    %shift_right_arithmetic3A_1084 = vector.broadcast %shift_right_arithmetic3A_1083 : i32 to vector<16xi32>
    %shift_right_arithmetic3A_1085 = arith.shrsi %sub3A_1082, %shift_right_arithmetic3A_1084 : vector<16xi32>
    %and3A_1086 = arith.constant 1 : i32
    %and3A_1087 = vector.broadcast %and3A_1086 : i32 to vector<16xi32>
    %and3A_1088 = arith.andi %shift_right_arithmetic3A_1085, %and3A_1087 : vector<16xi32>
    %convert_element_type3A_1089 = arith.sitofp %and3A_1088 : vector<16xi32> to vector<16xf32>
    %get3A_1090 = arith.constant 3 : i32
    %get3A_1091 = arith.index_cast %get3A_1090 : i32 to index
    %get3A_1092 = arith.constant 80 : index
    %get3A_1093 = tpu.vector_load %arg6[%get3A_1091, %get3A_1092] {strides = array<i32>} : memref<4x128xf32, #tpu.memory_space<vmem>>, vector<1x16xf32>,
    %get3A_1094 = vector.shape_cast %get3A_1093 : vector<1x16xf32> to vector<16xf32>
    %mul3A_1095 = arith.constant 2.000000e+00 : f32
    %mul3A_1096 = vector.broadcast %mul3A_1095 : f32 to vector<16xf32>
    %mul3A_1097 = arith.mulf %mul3A_1096, %convert_element_type3A_1089 : vector<16xf32>
    %sub3A_1098 = arith.constant 1.000000e+00 : f32
    %sub3A_1099 = vector.broadcast %sub3A_1098 : f32 to vector<16xf32>
    %sub3A_1100 = arith.subf %mul3A_1097, %sub3A_1099 : vector<16xf32>
    %mul3A_1101 = arith.mulf %get3A_1094, %sub3A_1100 : vector<16xf32>
    %swap3A_1102 = arith.constant 3 : i32
    %swap3A_1103 = arith.index_cast %swap3A_1102 : i32 to index
    %swap3A_1104 = arith.constant 80 : index
    %swap3A_1105 = tpu.vector_load %arg6[%swap3A_1103, %swap3A_1104] {strides = array<i32>} : memref<4x128xf32, #tpu.memory_space<vmem>>, vector<1x16xf32>,
    %swap3A_1106 = vector.shape_cast %swap3A_1105 : vector<1x16xf32> to vector<16xf32>
    %swap3A_1107 = vector.shape_cast %mul3A_1101 : vector<16xf32> to vector<1x16xf32>
    tpu.vector_store %arg6[%swap3A_1103, %swap3A_1104], %swap3A_1107 {strides = array<i32>} : memref<4x128xf32, #tpu.memory_space<vmem>>, vector<1x16xf32>,
    %get3A_1108 = arith.constant 3 : i32
    %get3A_1109 = arith.index_cast %get3A_1108 : i32 to index
    %get3A_1110 = arith.constant 96 : index
    %get3A_1111 = tpu.vector_load %arg4[%get3A_1109, %get3A_1110] {strides = array<i32>} : memref<4x128xi32, #tpu.memory_space<vmem>>, vector<1x16xi32>,
    %get3A_1112 = vector.shape_cast %get3A_1111 : vector<1x16xi32> to vector<16xi32>
    %sub3A_1113 = arith.constant 50176 : i32
    %sub3A_1114 = vector.broadcast %sub3A_1113 : i32 to vector<16xi32>
    %sub3A_1115 = arith.subi %get3A_1112, %sub3A_1114 : vector<16xi32>
    %shift_right_arithmetic3A_1116 = arith.constant 31 : i32
    %shift_right_arithmetic3A_1117 = vector.broadcast %shift_right_arithmetic3A_1116 : i32 to vector<16xi32>
    %shift_right_arithmetic3A_1118 = arith.shrsi %sub3A_1115, %shift_right_arithmetic3A_1117 : vector<16xi32>
    %and3A_1119 = arith.constant 1 : i32
    %and3A_1120 = vector.broadcast %and3A_1119 : i32 to vector<16xi32>
    %and3A_1121 = arith.andi %shift_right_arithmetic3A_1118, %and3A_1120 : vector<16xi32>
    %convert_element_type3A_1122 = arith.sitofp %and3A_1121 : vector<16xi32> to vector<16xf32>
    %get3A_1123 = arith.constant 3 : i32
    %get3A_1124 = arith.index_cast %get3A_1123 : i32 to index
    %get3A_1125 = arith.constant 96 : index
    %get3A_1126 = tpu.vector_load %arg6[%get3A_1124, %get3A_1125] {strides = array<i32>} : memref<4x128xf32, #tpu.memory_space<vmem>>, vector<1x16xf32>,
    %get3A_1127 = vector.shape_cast %get3A_1126 : vector<1x16xf32> to vector<16xf32>
    %mul3A_1128 = arith.constant 2.000000e+00 : f32
    %mul3A_1129 = vector.broadcast %mul3A_1128 : f32 to vector<16xf32>
    %mul3A_1130 = arith.mulf %mul3A_1129, %convert_element_type3A_1122 : vector<16xf32>
    %sub3A_1131 = arith.constant 1.000000e+00 : f32
    %sub3A_1132 = vector.broadcast %sub3A_1131 : f32 to vector<16xf32>
    %sub3A_1133 = arith.subf %mul3A_1130, %sub3A_1132 : vector<16xf32>
    %mul3A_1134 = arith.mulf %get3A_1127, %sub3A_1133 : vector<16xf32>
    %swap3A_1135 = arith.constant 3 : i32
    %swap3A_1136 = arith.index_cast %swap3A_1135 : i32 to index
    %swap3A_1137 = arith.constant 96 : index
    %swap3A_1138 = tpu.vector_load %arg6[%swap3A_1136, %swap3A_1137] {strides = array<i32>} : memref<4x128xf32, #tpu.memory_space<vmem>>, vector<1x16xf32>,
    %swap3A_1139 = vector.shape_cast %swap3A_1138 : vector<1x16xf32> to vector<16xf32>
    %swap3A_1140 = vector.shape_cast %mul3A_1134 : vector<16xf32> to vector<1x16xf32>
    tpu.vector_store %arg6[%swap3A_1136, %swap3A_1137], %swap3A_1140 {strides = array<i32>} : memref<4x128xf32, #tpu.memory_space<vmem>>, vector<1x16xf32>,
    %get3A_1141 = arith.constant 3 : i32
    %get3A_1142 = arith.index_cast %get3A_1141 : i32 to index
    %get3A_1143 = arith.constant 112 : index
    %get3A_1144 = tpu.vector_load %arg4[%get3A_1142, %get3A_1143] {strides = array<i32>} : memref<4x128xi32, #tpu.memory_space<vmem>>, vector<1x16xi32>,
    %get3A_1145 = vector.shape_cast %get3A_1144 : vector<1x16xi32> to vector<16xi32>
    %sub3A_1146 = arith.constant 50176 : i32
    %sub3A_1147 = vector.broadcast %sub3A_1146 : i32 to vector<16xi32>
    %sub3A_1148 = arith.subi %get3A_1145, %sub3A_1147 : vector<16xi32>
    %shift_right_arithmetic3A_1149 = arith.constant 31 : i32
    %shift_right_arithmetic3A_1150 = vector.broadcast %shift_right_arithmetic3A_1149 : i32 to vector<16xi32>
    %shift_right_arithmetic3A_1151 = arith.shrsi %sub3A_1148, %shift_right_arithmetic3A_1150 : vector<16xi32>
    %and3A_1152 = arith.constant 1 : i32
    %and3A_1153 = vector.broadcast %and3A_1152 : i32 to vector<16xi32>
    %and3A_1154 = arith.andi %shift_right_arithmetic3A_1151, %and3A_1153 : vector<16xi32>
    %convert_element_type3A_1155 = arith.sitofp %and3A_1154 : vector<16xi32> to vector<16xf32>
    %get3A_1156 = arith.constant 3 : i32
    %get3A_1157 = arith.index_cast %get3A_1156 : i32 to index
    %get3A_1158 = arith.constant 112 : index
    %get3A_1159 = tpu.vector_load %arg6[%get3A_1157, %get3A_1158] {strides = array<i32>} : memref<4x128xf32, #tpu.memory_space<vmem>>, vector<1x16xf32>,
    %get3A_1160 = vector.shape_cast %get3A_1159 : vector<1x16xf32> to vector<16xf32>
    %mul3A_1161 = arith.constant 2.000000e+00 : f32
    %mul3A_1162 = vector.broadcast %mul3A_1161 : f32 to vector<16xf32>
    %mul3A_1163 = arith.mulf %mul3A_1162, %convert_element_type3A_1155 : vector<16xf32>
    %sub3A_1164 = arith.constant 1.000000e+00 : f32
    %sub3A_1165 = vector.broadcast %sub3A_1164 : f32 to vector<16xf32>
    %sub3A_1166 = arith.subf %mul3A_1163, %sub3A_1165 : vector<16xf32>
    %mul3A_1167 = arith.mulf %get3A_1160, %sub3A_1166 : vector<16xf32>
    %swap3A_1168 = arith.constant 3 : i32
    %swap3A_1169 = arith.index_cast %swap3A_1168 : i32 to index
    %swap3A_1170 = arith.constant 112 : index
    %swap3A_1171 = tpu.vector_load %arg6[%swap3A_1169, %swap3A_1170] {strides = array<i32>} : memref<4x128xf32, #tpu.memory_space<vmem>>, vector<1x16xf32>,
    %swap3A_1172 = vector.shape_cast %swap3A_1171 : vector<1x16xf32> to vector<16xf32>
    %swap3A_1173 = vector.shape_cast %mul3A_1167 : vector<16xf32> to vector<1x16xf32>
    tpu.vector_store %arg6[%swap3A_1169, %swap3A_1170], %swap3A_1173 {strides = array<i32>} : memref<4x128xf32, #tpu.memory_space<vmem>>, vector<1x16xf32>,
    "tpu.region"() ({
      %run_scoped3A_1174 = tpu.sem_alloc : memref<!tpu.dma_semaphore, #tpu.memory_space<semaphore_mem>>
      %dma_start3A = arith.constant 0 : i32
      %dma_start3A_1175 = arith.constant 0 : i32
      %dma_start3A_1176 = tpu.memref_slice %arg3[%add3A, %dma_start3A, %dma_start3A_1175] : memref<32x4x128xf32, #tpu.memory_space<hbm>> -> memref<1x4x128xf32, #tpu.memory_space<hbm>>
      %dma_start3A_1177 = tpu.memref_squeeze %dma_start3A_1176 : memref<1x4x128xf32, #tpu.memory_space<hbm>> -> memref<4x128xf32, #tpu.memory_space<hbm>>
      %dma_start3A_1178 = arith.constant 0 : i32
      %dma_start3A_1179 = arith.constant 0 : i32
      %dma_start3A_1180 = tpu.memref_slice %arg3[%add3A, %dma_start3A_1178, %dma_start3A_1179] : memref<32x4x128xf32, #tpu.memory_space<hbm>> -> memref<1x4x128xf32, #tpu.memory_space<hbm>>
      %dma_start3A_1181 = tpu.memref_squeeze %dma_start3A_1180 : memref<1x4x128xf32, #tpu.memory_space<hbm>> -> memref<4x128xf32, #tpu.memory_space<hbm>>
      tpu.enqueue_dma source(%arg6 : memref<4x128xf32, #tpu.memory_space<vmem>>) target(%dma_start3A_1181 : memref<4x128xf32, #tpu.memory_space<hbm>>) target_semaphore(%run_scoped3A_1174 : memref<!tpu.dma_semaphore, #tpu.memory_space<semaphore_mem>>)
      %dma_wait3A = arith.constant 0 : i32
      %dma_wait3A_1182 = arith.constant 0 : i32
      %dma_wait3A_1183 = tpu.memref_slice %arg3[%add3A, %dma_wait3A, %dma_wait3A_1182] : memref<32x4x128xf32, #tpu.memory_space<hbm>> -> memref<1x4x128xf32, #tpu.memory_space<hbm>>
      %dma_wait3A_1184 = tpu.memref_squeeze %dma_wait3A_1183 : memref<1x4x128xf32, #tpu.memory_space<hbm>> -> memref<4x128xf32, #tpu.memory_space<hbm>>
      %dma_wait3A_1185 = arith.constant 0 : i32
      %dma_wait3A_1186 = arith.constant 0 : i32
      %dma_wait3A_1187 = tpu.memref_slice %arg3[%add3A, %dma_wait3A_1185, %dma_wait3A_1186] : memref<32x4x128xf32, #tpu.memory_space<hbm>> -> memref<1x4x128xf32, #tpu.memory_space<hbm>>
      %dma_wait3A_1188 = tpu.memref_squeeze %dma_wait3A_1187 : memref<1x4x128xf32, #tpu.memory_space<hbm>> -> memref<4x128xf32, #tpu.memory_space<hbm>>
      tpu.wait_dma2 semaphore(%run_scoped3A_1174 : memref<!tpu.dma_semaphore, #tpu.memory_space<semaphore_mem>>) src(%arg6 : memref<4x128xf32, #tpu.memory_space<vmem>>) dst(%dma_wait3A_1188 : memref<4x128xf32, #tpu.memory_space<hbm>>)
      tpu.yield
    }) : () -> ()
    return
  }
}

#map = affine_map<(d0, d1) -> (0, 0)>
module attributes {stable_mosaic.version = 14 : i64} {
  func.func @_sc_gather(%arg0: i32, %arg1: i32, %arg2: memref<128x128xi32, #tpu.memory_space<hbm>>, %arg3: memref<50176x128xf32, #tpu.memory_space<hbm>>, %arg4: memref<16384x128xf32, #tpu.memory_space<hbm>>, %arg5: memref<4x128xi32, #tpu.memory_space<vmem>>, %arg6: memref<4x128xi32, #tpu.memory_space<vmem>>, %arg7: memref<512x128xf32, #tpu.memory_space<vmem>>, %arg8: memref<!tpu.dma_semaphore, #tpu.memory_space<semaphore_mem>>) attributes {dimension_semantics = [#tpu.dimension_semantics<core_parallel>, #tpu.dimension_semantics<subcore_parallel>], iteration_bounds = array<i64: 2, 16>, scalar_prefetch = 0 : i64, scratch_operands = 4 : i64, tpu.core_type = #tpu.core_type<sc_vector_subcore>, window_params = [{transform_indices = #map}, {transform_indices = #map}, {transform_indices = #map}]} {
    %mul3A = arith.constant 2 : i32
    %mul3A_0 = arith.muli %arg1, %mul3A : i32
    %add3A = arith.addi %mul3A_0, %arg0 : i32
    %mul3A_1 = arith.constant 512 : i32
    %mul3A_2 = arith.muli %add3A, %mul3A_1 : i32
    %mul3A_3 = arith.constant 4 : i32
    %mul3A_4 = arith.muli %add3A, %mul3A_3 : i32
    "tpu.region"() ({
      %run_scoped3A = tpu.sem_alloc : memref<!tpu.dma_semaphore, #tpu.memory_space<semaphore_mem>>
      %dma_start3A_853 = arith.constant 0 : i32
      %dma_start3A_854 = tpu.memref_slice %arg2[%mul3A_4, %dma_start3A_853] : memref<128x128xi32, #tpu.memory_space<hbm>> -> memref<4x128xi32, #tpu.memory_space<hbm>>
      %dma_start3A_855 = arith.constant 0 : i32
      %dma_start3A_856 = tpu.memref_slice %arg2[%mul3A_4, %dma_start3A_855] : memref<128x128xi32, #tpu.memory_space<hbm>> -> memref<4x128xi32, #tpu.memory_space<hbm>>
      tpu.enqueue_dma source(%dma_start3A_856 : memref<4x128xi32, #tpu.memory_space<hbm>>) target(%arg5 : memref<4x128xi32, #tpu.memory_space<vmem>>) target_semaphore(%run_scoped3A : memref<!tpu.dma_semaphore, #tpu.memory_space<semaphore_mem>>)
      %dma_wait3A_857 = arith.constant 0 : i32
      %dma_wait3A_858 = tpu.memref_slice %arg2[%mul3A_4, %dma_wait3A_857] : memref<128x128xi32, #tpu.memory_space<hbm>> -> memref<4x128xi32, #tpu.memory_space<hbm>>
      %dma_wait3A_859 = arith.constant 0 : i32
      %dma_wait3A_860 = tpu.memref_slice %arg2[%mul3A_4, %dma_wait3A_859] : memref<128x128xi32, #tpu.memory_space<hbm>> -> memref<4x128xi32, #tpu.memory_space<hbm>>
      tpu.wait_dma2 semaphore(%run_scoped3A : memref<!tpu.dma_semaphore, #tpu.memory_space<semaphore_mem>>) src(%dma_wait3A_860 : memref<4x128xi32, #tpu.memory_space<hbm>>) dst(%arg5 : memref<4x128xi32, #tpu.memory_space<vmem>>)
      tpu.yield
    }) : () -> ()
    %get3A = arith.constant 0 : i32
    %get3A_5 = arith.index_cast %get3A : i32 to index
    %get3A_6 = arith.constant 0 : index
    %get3A_7 = tpu.vector_load %arg5[%get3A_5, %get3A_6] {strides = array<i32>} : memref<4x128xi32, #tpu.memory_space<vmem>>, vector<1x16xi32>,
    %get3A_8 = vector.shape_cast %get3A_7 : vector<1x16xi32> to vector<16xi32>
    %sub3A = arith.constant 50176 : i32
    %sub3A_9 = vector.broadcast %sub3A : i32 to vector<16xi32>
    %sub3A_10 = arith.subi %get3A_8, %sub3A_9 : vector<16xi32>
    %shift_right_arithmetic3A = arith.constant 31 : i32
    %shift_right_arithmetic3A_11 = vector.broadcast %shift_right_arithmetic3A : i32 to vector<16xi32>
    %shift_right_arithmetic3A_12 = arith.shrsi %sub3A_10, %shift_right_arithmetic3A_11 : vector<16xi32>
    %xor3A = arith.constant -1 : i32
    %xor3A_13 = vector.broadcast %xor3A : i32 to vector<16xi32>
    %xor3A_14 = arith.xori %shift_right_arithmetic3A_12, %xor3A_13 : vector<16xi32>
    %and3A = arith.constant 50176 : i32
    %and3A_15 = vector.broadcast %and3A : i32 to vector<16xi32>
    %and3A_16 = arith.andi %xor3A_14, %and3A_15 : vector<16xi32>
    %sub3A_17 = arith.subi %get3A_8, %and3A_16 : vector<16xi32>
    %swap3A = arith.constant 0 : i32
    %swap3A_18 = arith.index_cast %swap3A : i32 to index
    %swap3A_19 = arith.constant 0 : index
    %swap3A_20 = tpu.vector_load %arg6[%swap3A_18, %swap3A_19] {strides = array<i32>} : memref<4x128xi32, #tpu.memory_space<vmem>>, vector<1x16xi32>,
    %swap3A_21 = vector.shape_cast %swap3A_20 : vector<1x16xi32> to vector<16xi32>
    %swap3A_22 = vector.shape_cast %sub3A_17 : vector<16xi32> to vector<1x16xi32>
    tpu.vector_store %arg6[%swap3A_18, %swap3A_19], %swap3A_22 {strides = array<i32>} : memref<4x128xi32, #tpu.memory_space<vmem>>, vector<1x16xi32>,
    %get3A_23 = arith.constant 0 : i32
    %get3A_24 = arith.index_cast %get3A_23 : i32 to index
    %get3A_25 = arith.constant 16 : index
    %get3A_26 = tpu.vector_load %arg5[%get3A_24, %get3A_25] {strides = array<i32>} : memref<4x128xi32, #tpu.memory_space<vmem>>, vector<1x16xi32>,
    %get3A_27 = vector.shape_cast %get3A_26 : vector<1x16xi32> to vector<16xi32>
    %sub3A_28 = arith.constant 50176 : i32
    %sub3A_29 = vector.broadcast %sub3A_28 : i32 to vector<16xi32>
    %sub3A_30 = arith.subi %get3A_27, %sub3A_29 : vector<16xi32>
    %shift_right_arithmetic3A_31 = arith.constant 31 : i32
    %shift_right_arithmetic3A_32 = vector.broadcast %shift_right_arithmetic3A_31 : i32 to vector<16xi32>
    %shift_right_arithmetic3A_33 = arith.shrsi %sub3A_30, %shift_right_arithmetic3A_32 : vector<16xi32>
    %xor3A_34 = arith.constant -1 : i32
    %xor3A_35 = vector.broadcast %xor3A_34 : i32 to vector<16xi32>
    %xor3A_36 = arith.xori %shift_right_arithmetic3A_33, %xor3A_35 : vector<16xi32>
    %and3A_37 = arith.constant 50176 : i32
    %and3A_38 = vector.broadcast %and3A_37 : i32 to vector<16xi32>
    %and3A_39 = arith.andi %xor3A_36, %and3A_38 : vector<16xi32>
    %sub3A_40 = arith.subi %get3A_27, %and3A_39 : vector<16xi32>
    %swap3A_41 = arith.constant 0 : i32
    %swap3A_42 = arith.index_cast %swap3A_41 : i32 to index
    %swap3A_43 = arith.constant 16 : index
    %swap3A_44 = tpu.vector_load %arg6[%swap3A_42, %swap3A_43] {strides = array<i32>} : memref<4x128xi32, #tpu.memory_space<vmem>>, vector<1x16xi32>,
    %swap3A_45 = vector.shape_cast %swap3A_44 : vector<1x16xi32> to vector<16xi32>
    %swap3A_46 = vector.shape_cast %sub3A_40 : vector<16xi32> to vector<1x16xi32>
    tpu.vector_store %arg6[%swap3A_42, %swap3A_43], %swap3A_46 {strides = array<i32>} : memref<4x128xi32, #tpu.memory_space<vmem>>, vector<1x16xi32>,
    %get3A_47 = arith.constant 0 : i32
    %get3A_48 = arith.index_cast %get3A_47 : i32 to index
    %get3A_49 = arith.constant 32 : index
    %get3A_50 = tpu.vector_load %arg5[%get3A_48, %get3A_49] {strides = array<i32>} : memref<4x128xi32, #tpu.memory_space<vmem>>, vector<1x16xi32>,
    %get3A_51 = vector.shape_cast %get3A_50 : vector<1x16xi32> to vector<16xi32>
    %sub3A_52 = arith.constant 50176 : i32
    %sub3A_53 = vector.broadcast %sub3A_52 : i32 to vector<16xi32>
    %sub3A_54 = arith.subi %get3A_51, %sub3A_53 : vector<16xi32>
    %shift_right_arithmetic3A_55 = arith.constant 31 : i32
    %shift_right_arithmetic3A_56 = vector.broadcast %shift_right_arithmetic3A_55 : i32 to vector<16xi32>
    %shift_right_arithmetic3A_57 = arith.shrsi %sub3A_54, %shift_right_arithmetic3A_56 : vector<16xi32>
    %xor3A_58 = arith.constant -1 : i32
    %xor3A_59 = vector.broadcast %xor3A_58 : i32 to vector<16xi32>
    %xor3A_60 = arith.xori %shift_right_arithmetic3A_57, %xor3A_59 : vector<16xi32>
    %and3A_61 = arith.constant 50176 : i32
    %and3A_62 = vector.broadcast %and3A_61 : i32 to vector<16xi32>
    %and3A_63 = arith.andi %xor3A_60, %and3A_62 : vector<16xi32>
    %sub3A_64 = arith.subi %get3A_51, %and3A_63 : vector<16xi32>
    %swap3A_65 = arith.constant 0 : i32
    %swap3A_66 = arith.index_cast %swap3A_65 : i32 to index
    %swap3A_67 = arith.constant 32 : index
    %swap3A_68 = tpu.vector_load %arg6[%swap3A_66, %swap3A_67] {strides = array<i32>} : memref<4x128xi32, #tpu.memory_space<vmem>>, vector<1x16xi32>,
    %swap3A_69 = vector.shape_cast %swap3A_68 : vector<1x16xi32> to vector<16xi32>
    %swap3A_70 = vector.shape_cast %sub3A_64 : vector<16xi32> to vector<1x16xi32>
    tpu.vector_store %arg6[%swap3A_66, %swap3A_67], %swap3A_70 {strides = array<i32>} : memref<4x128xi32, #tpu.memory_space<vmem>>, vector<1x16xi32>,
    %get3A_71 = arith.constant 0 : i32
    %get3A_72 = arith.index_cast %get3A_71 : i32 to index
    %get3A_73 = arith.constant 48 : index
    %get3A_74 = tpu.vector_load %arg5[%get3A_72, %get3A_73] {strides = array<i32>} : memref<4x128xi32, #tpu.memory_space<vmem>>, vector<1x16xi32>,
    %get3A_75 = vector.shape_cast %get3A_74 : vector<1x16xi32> to vector<16xi32>
    %sub3A_76 = arith.constant 50176 : i32
    %sub3A_77 = vector.broadcast %sub3A_76 : i32 to vector<16xi32>
    %sub3A_78 = arith.subi %get3A_75, %sub3A_77 : vector<16xi32>
    %shift_right_arithmetic3A_79 = arith.constant 31 : i32
    %shift_right_arithmetic3A_80 = vector.broadcast %shift_right_arithmetic3A_79 : i32 to vector<16xi32>
    %shift_right_arithmetic3A_81 = arith.shrsi %sub3A_78, %shift_right_arithmetic3A_80 : vector<16xi32>
    %xor3A_82 = arith.constant -1 : i32
    %xor3A_83 = vector.broadcast %xor3A_82 : i32 to vector<16xi32>
    %xor3A_84 = arith.xori %shift_right_arithmetic3A_81, %xor3A_83 : vector<16xi32>
    %and3A_85 = arith.constant 50176 : i32
    %and3A_86 = vector.broadcast %and3A_85 : i32 to vector<16xi32>
    %and3A_87 = arith.andi %xor3A_84, %and3A_86 : vector<16xi32>
    %sub3A_88 = arith.subi %get3A_75, %and3A_87 : vector<16xi32>
    %swap3A_89 = arith.constant 0 : i32
    %swap3A_90 = arith.index_cast %swap3A_89 : i32 to index
    %swap3A_91 = arith.constant 48 : index
    %swap3A_92 = tpu.vector_load %arg6[%swap3A_90, %swap3A_91] {strides = array<i32>} : memref<4x128xi32, #tpu.memory_space<vmem>>, vector<1x16xi32>,
    %swap3A_93 = vector.shape_cast %swap3A_92 : vector<1x16xi32> to vector<16xi32>
    %swap3A_94 = vector.shape_cast %sub3A_88 : vector<16xi32> to vector<1x16xi32>
    tpu.vector_store %arg6[%swap3A_90, %swap3A_91], %swap3A_94 {strides = array<i32>} : memref<4x128xi32, #tpu.memory_space<vmem>>, vector<1x16xi32>,
    %get3A_95 = arith.constant 0 : i32
    %get3A_96 = arith.index_cast %get3A_95 : i32 to index
    %get3A_97 = arith.constant 64 : index
    %get3A_98 = tpu.vector_load %arg5[%get3A_96, %get3A_97] {strides = array<i32>} : memref<4x128xi32, #tpu.memory_space<vmem>>, vector<1x16xi32>,
    %get3A_99 = vector.shape_cast %get3A_98 : vector<1x16xi32> to vector<16xi32>
    %sub3A_100 = arith.constant 50176 : i32
    %sub3A_101 = vector.broadcast %sub3A_100 : i32 to vector<16xi32>
    %sub3A_102 = arith.subi %get3A_99, %sub3A_101 : vector<16xi32>
    %shift_right_arithmetic3A_103 = arith.constant 31 : i32
    %shift_right_arithmetic3A_104 = vector.broadcast %shift_right_arithmetic3A_103 : i32 to vector<16xi32>
    %shift_right_arithmetic3A_105 = arith.shrsi %sub3A_102, %shift_right_arithmetic3A_104 : vector<16xi32>
    %xor3A_106 = arith.constant -1 : i32
    %xor3A_107 = vector.broadcast %xor3A_106 : i32 to vector<16xi32>
    %xor3A_108 = arith.xori %shift_right_arithmetic3A_105, %xor3A_107 : vector<16xi32>
    %and3A_109 = arith.constant 50176 : i32
    %and3A_110 = vector.broadcast %and3A_109 : i32 to vector<16xi32>
    %and3A_111 = arith.andi %xor3A_108, %and3A_110 : vector<16xi32>
    %sub3A_112 = arith.subi %get3A_99, %and3A_111 : vector<16xi32>
    %swap3A_113 = arith.constant 0 : i32
    %swap3A_114 = arith.index_cast %swap3A_113 : i32 to index
    %swap3A_115 = arith.constant 64 : index
    %swap3A_116 = tpu.vector_load %arg6[%swap3A_114, %swap3A_115] {strides = array<i32>} : memref<4x128xi32, #tpu.memory_space<vmem>>, vector<1x16xi32>,
    %swap3A_117 = vector.shape_cast %swap3A_116 : vector<1x16xi32> to vector<16xi32>
    %swap3A_118 = vector.shape_cast %sub3A_112 : vector<16xi32> to vector<1x16xi32>
    tpu.vector_store %arg6[%swap3A_114, %swap3A_115], %swap3A_118 {strides = array<i32>} : memref<4x128xi32, #tpu.memory_space<vmem>>, vector<1x16xi32>,
    %get3A_119 = arith.constant 0 : i32
    %get3A_120 = arith.index_cast %get3A_119 : i32 to index
    %get3A_121 = arith.constant 80 : index
    %get3A_122 = tpu.vector_load %arg5[%get3A_120, %get3A_121] {strides = array<i32>} : memref<4x128xi32, #tpu.memory_space<vmem>>, vector<1x16xi32>,
    %get3A_123 = vector.shape_cast %get3A_122 : vector<1x16xi32> to vector<16xi32>
    %sub3A_124 = arith.constant 50176 : i32
    %sub3A_125 = vector.broadcast %sub3A_124 : i32 to vector<16xi32>
    %sub3A_126 = arith.subi %get3A_123, %sub3A_125 : vector<16xi32>
    %shift_right_arithmetic3A_127 = arith.constant 31 : i32
    %shift_right_arithmetic3A_128 = vector.broadcast %shift_right_arithmetic3A_127 : i32 to vector<16xi32>
    %shift_right_arithmetic3A_129 = arith.shrsi %sub3A_126, %shift_right_arithmetic3A_128 : vector<16xi32>
    %xor3A_130 = arith.constant -1 : i32
    %xor3A_131 = vector.broadcast %xor3A_130 : i32 to vector<16xi32>
    %xor3A_132 = arith.xori %shift_right_arithmetic3A_129, %xor3A_131 : vector<16xi32>
    %and3A_133 = arith.constant 50176 : i32
    %and3A_134 = vector.broadcast %and3A_133 : i32 to vector<16xi32>
    %and3A_135 = arith.andi %xor3A_132, %and3A_134 : vector<16xi32>
    %sub3A_136 = arith.subi %get3A_123, %and3A_135 : vector<16xi32>
    %swap3A_137 = arith.constant 0 : i32
    %swap3A_138 = arith.index_cast %swap3A_137 : i32 to index
    %swap3A_139 = arith.constant 80 : index
    %swap3A_140 = tpu.vector_load %arg6[%swap3A_138, %swap3A_139] {strides = array<i32>} : memref<4x128xi32, #tpu.memory_space<vmem>>, vector<1x16xi32>,
    %swap3A_141 = vector.shape_cast %swap3A_140 : vector<1x16xi32> to vector<16xi32>
    %swap3A_142 = vector.shape_cast %sub3A_136 : vector<16xi32> to vector<1x16xi32>
    tpu.vector_store %arg6[%swap3A_138, %swap3A_139], %swap3A_142 {strides = array<i32>} : memref<4x128xi32, #tpu.memory_space<vmem>>, vector<1x16xi32>,
    %get3A_143 = arith.constant 0 : i32
    %get3A_144 = arith.index_cast %get3A_143 : i32 to index
    %get3A_145 = arith.constant 96 : index
    %get3A_146 = tpu.vector_load %arg5[%get3A_144, %get3A_145] {strides = array<i32>} : memref<4x128xi32, #tpu.memory_space<vmem>>, vector<1x16xi32>,
    %get3A_147 = vector.shape_cast %get3A_146 : vector<1x16xi32> to vector<16xi32>
    %sub3A_148 = arith.constant 50176 : i32
    %sub3A_149 = vector.broadcast %sub3A_148 : i32 to vector<16xi32>
    %sub3A_150 = arith.subi %get3A_147, %sub3A_149 : vector<16xi32>
    %shift_right_arithmetic3A_151 = arith.constant 31 : i32
    %shift_right_arithmetic3A_152 = vector.broadcast %shift_right_arithmetic3A_151 : i32 to vector<16xi32>
    %shift_right_arithmetic3A_153 = arith.shrsi %sub3A_150, %shift_right_arithmetic3A_152 : vector<16xi32>
    %xor3A_154 = arith.constant -1 : i32
    %xor3A_155 = vector.broadcast %xor3A_154 : i32 to vector<16xi32>
    %xor3A_156 = arith.xori %shift_right_arithmetic3A_153, %xor3A_155 : vector<16xi32>
    %and3A_157 = arith.constant 50176 : i32
    %and3A_158 = vector.broadcast %and3A_157 : i32 to vector<16xi32>
    %and3A_159 = arith.andi %xor3A_156, %and3A_158 : vector<16xi32>
    %sub3A_160 = arith.subi %get3A_147, %and3A_159 : vector<16xi32>
    %swap3A_161 = arith.constant 0 : i32
    %swap3A_162 = arith.index_cast %swap3A_161 : i32 to index
    %swap3A_163 = arith.constant 96 : index
    %swap3A_164 = tpu.vector_load %arg6[%swap3A_162, %swap3A_163] {strides = array<i32>} : memref<4x128xi32, #tpu.memory_space<vmem>>, vector<1x16xi32>,
    %swap3A_165 = vector.shape_cast %swap3A_164 : vector<1x16xi32> to vector<16xi32>
    %swap3A_166 = vector.shape_cast %sub3A_160 : vector<16xi32> to vector<1x16xi32>
    tpu.vector_store %arg6[%swap3A_162, %swap3A_163], %swap3A_166 {strides = array<i32>} : memref<4x128xi32, #tpu.memory_space<vmem>>, vector<1x16xi32>,
    %get3A_167 = arith.constant 0 : i32
    %get3A_168 = arith.index_cast %get3A_167 : i32 to index
    %get3A_169 = arith.constant 112 : index
    %get3A_170 = tpu.vector_load %arg5[%get3A_168, %get3A_169] {strides = array<i32>} : memref<4x128xi32, #tpu.memory_space<vmem>>, vector<1x16xi32>,
    %get3A_171 = vector.shape_cast %get3A_170 : vector<1x16xi32> to vector<16xi32>
    %sub3A_172 = arith.constant 50176 : i32
    %sub3A_173 = vector.broadcast %sub3A_172 : i32 to vector<16xi32>
    %sub3A_174 = arith.subi %get3A_171, %sub3A_173 : vector<16xi32>
    %shift_right_arithmetic3A_175 = arith.constant 31 : i32
    %shift_right_arithmetic3A_176 = vector.broadcast %shift_right_arithmetic3A_175 : i32 to vector<16xi32>
    %shift_right_arithmetic3A_177 = arith.shrsi %sub3A_174, %shift_right_arithmetic3A_176 : vector<16xi32>
    %xor3A_178 = arith.constant -1 : i32
    %xor3A_179 = vector.broadcast %xor3A_178 : i32 to vector<16xi32>
    %xor3A_180 = arith.xori %shift_right_arithmetic3A_177, %xor3A_179 : vector<16xi32>
    %and3A_181 = arith.constant 50176 : i32
    %and3A_182 = vector.broadcast %and3A_181 : i32 to vector<16xi32>
    %and3A_183 = arith.andi %xor3A_180, %and3A_182 : vector<16xi32>
    %sub3A_184 = arith.subi %get3A_171, %and3A_183 : vector<16xi32>
    %swap3A_185 = arith.constant 0 : i32
    %swap3A_186 = arith.index_cast %swap3A_185 : i32 to index
    %swap3A_187 = arith.constant 112 : index
    %swap3A_188 = tpu.vector_load %arg6[%swap3A_186, %swap3A_187] {strides = array<i32>} : memref<4x128xi32, #tpu.memory_space<vmem>>, vector<1x16xi32>,
    %swap3A_189 = vector.shape_cast %swap3A_188 : vector<1x16xi32> to vector<16xi32>
    %swap3A_190 = vector.shape_cast %sub3A_184 : vector<16xi32> to vector<1x16xi32>
    tpu.vector_store %arg6[%swap3A_186, %swap3A_187], %swap3A_190 {strides = array<i32>} : memref<4x128xi32, #tpu.memory_space<vmem>>, vector<1x16xi32>,
    %get3A_191 = arith.constant 1 : i32
    %get3A_192 = arith.index_cast %get3A_191 : i32 to index
    %get3A_193 = arith.constant 0 : index
    %get3A_194 = tpu.vector_load %arg5[%get3A_192, %get3A_193] {strides = array<i32>} : memref<4x128xi32, #tpu.memory_space<vmem>>, vector<1x16xi32>,
    %get3A_195 = vector.shape_cast %get3A_194 : vector<1x16xi32> to vector<16xi32>
    %sub3A_196 = arith.constant 50176 : i32
    %sub3A_197 = vector.broadcast %sub3A_196 : i32 to vector<16xi32>
    %sub3A_198 = arith.subi %get3A_195, %sub3A_197 : vector<16xi32>
    %shift_right_arithmetic3A_199 = arith.constant 31 : i32
    %shift_right_arithmetic3A_200 = vector.broadcast %shift_right_arithmetic3A_199 : i32 to vector<16xi32>
    %shift_right_arithmetic3A_201 = arith.shrsi %sub3A_198, %shift_right_arithmetic3A_200 : vector<16xi32>
    %xor3A_202 = arith.constant -1 : i32
    %xor3A_203 = vector.broadcast %xor3A_202 : i32 to vector<16xi32>
    %xor3A_204 = arith.xori %shift_right_arithmetic3A_201, %xor3A_203 : vector<16xi32>
    %and3A_205 = arith.constant 50176 : i32
    %and3A_206 = vector.broadcast %and3A_205 : i32 to vector<16xi32>
    %and3A_207 = arith.andi %xor3A_204, %and3A_206 : vector<16xi32>
    %sub3A_208 = arith.subi %get3A_195, %and3A_207 : vector<16xi32>
    %swap3A_209 = arith.constant 1 : i32
    %swap3A_210 = arith.index_cast %swap3A_209 : i32 to index
    %swap3A_211 = arith.constant 0 : index
    %swap3A_212 = tpu.vector_load %arg6[%swap3A_210, %swap3A_211] {strides = array<i32>} : memref<4x128xi32, #tpu.memory_space<vmem>>, vector<1x16xi32>,
    %swap3A_213 = vector.shape_cast %swap3A_212 : vector<1x16xi32> to vector<16xi32>
    %swap3A_214 = vector.shape_cast %sub3A_208 : vector<16xi32> to vector<1x16xi32>
    tpu.vector_store %arg6[%swap3A_210, %swap3A_211], %swap3A_214 {strides = array<i32>} : memref<4x128xi32, #tpu.memory_space<vmem>>, vector<1x16xi32>,
    %get3A_215 = arith.constant 1 : i32
    %get3A_216 = arith.index_cast %get3A_215 : i32 to index
    %get3A_217 = arith.constant 16 : index
    %get3A_218 = tpu.vector_load %arg5[%get3A_216, %get3A_217] {strides = array<i32>} : memref<4x128xi32, #tpu.memory_space<vmem>>, vector<1x16xi32>,
    %get3A_219 = vector.shape_cast %get3A_218 : vector<1x16xi32> to vector<16xi32>
    %sub3A_220 = arith.constant 50176 : i32
    %sub3A_221 = vector.broadcast %sub3A_220 : i32 to vector<16xi32>
    %sub3A_222 = arith.subi %get3A_219, %sub3A_221 : vector<16xi32>
    %shift_right_arithmetic3A_223 = arith.constant 31 : i32
    %shift_right_arithmetic3A_224 = vector.broadcast %shift_right_arithmetic3A_223 : i32 to vector<16xi32>
    %shift_right_arithmetic3A_225 = arith.shrsi %sub3A_222, %shift_right_arithmetic3A_224 : vector<16xi32>
    %xor3A_226 = arith.constant -1 : i32
    %xor3A_227 = vector.broadcast %xor3A_226 : i32 to vector<16xi32>
    %xor3A_228 = arith.xori %shift_right_arithmetic3A_225, %xor3A_227 : vector<16xi32>
    %and3A_229 = arith.constant 50176 : i32
    %and3A_230 = vector.broadcast %and3A_229 : i32 to vector<16xi32>
    %and3A_231 = arith.andi %xor3A_228, %and3A_230 : vector<16xi32>
    %sub3A_232 = arith.subi %get3A_219, %and3A_231 : vector<16xi32>
    %swap3A_233 = arith.constant 1 : i32
    %swap3A_234 = arith.index_cast %swap3A_233 : i32 to index
    %swap3A_235 = arith.constant 16 : index
    %swap3A_236 = tpu.vector_load %arg6[%swap3A_234, %swap3A_235] {strides = array<i32>} : memref<4x128xi32, #tpu.memory_space<vmem>>, vector<1x16xi32>,
    %swap3A_237 = vector.shape_cast %swap3A_236 : vector<1x16xi32> to vector<16xi32>
    %swap3A_238 = vector.shape_cast %sub3A_232 : vector<16xi32> to vector<1x16xi32>
    tpu.vector_store %arg6[%swap3A_234, %swap3A_235], %swap3A_238 {strides = array<i32>} : memref<4x128xi32, #tpu.memory_space<vmem>>, vector<1x16xi32>,
    %get3A_239 = arith.constant 1 : i32
    %get3A_240 = arith.index_cast %get3A_239 : i32 to index
    %get3A_241 = arith.constant 32 : index
    %get3A_242 = tpu.vector_load %arg5[%get3A_240, %get3A_241] {strides = array<i32>} : memref<4x128xi32, #tpu.memory_space<vmem>>, vector<1x16xi32>,
    %get3A_243 = vector.shape_cast %get3A_242 : vector<1x16xi32> to vector<16xi32>
    %sub3A_244 = arith.constant 50176 : i32
    %sub3A_245 = vector.broadcast %sub3A_244 : i32 to vector<16xi32>
    %sub3A_246 = arith.subi %get3A_243, %sub3A_245 : vector<16xi32>
    %shift_right_arithmetic3A_247 = arith.constant 31 : i32
    %shift_right_arithmetic3A_248 = vector.broadcast %shift_right_arithmetic3A_247 : i32 to vector<16xi32>
    %shift_right_arithmetic3A_249 = arith.shrsi %sub3A_246, %shift_right_arithmetic3A_248 : vector<16xi32>
    %xor3A_250 = arith.constant -1 : i32
    %xor3A_251 = vector.broadcast %xor3A_250 : i32 to vector<16xi32>
    %xor3A_252 = arith.xori %shift_right_arithmetic3A_249, %xor3A_251 : vector<16xi32>
    %and3A_253 = arith.constant 50176 : i32
    %and3A_254 = vector.broadcast %and3A_253 : i32 to vector<16xi32>
    %and3A_255 = arith.andi %xor3A_252, %and3A_254 : vector<16xi32>
    %sub3A_256 = arith.subi %get3A_243, %and3A_255 : vector<16xi32>
    %swap3A_257 = arith.constant 1 : i32
    %swap3A_258 = arith.index_cast %swap3A_257 : i32 to index
    %swap3A_259 = arith.constant 32 : index
    %swap3A_260 = tpu.vector_load %arg6[%swap3A_258, %swap3A_259] {strides = array<i32>} : memref<4x128xi32, #tpu.memory_space<vmem>>, vector<1x16xi32>,
    %swap3A_261 = vector.shape_cast %swap3A_260 : vector<1x16xi32> to vector<16xi32>
    %swap3A_262 = vector.shape_cast %sub3A_256 : vector<16xi32> to vector<1x16xi32>
    tpu.vector_store %arg6[%swap3A_258, %swap3A_259], %swap3A_262 {strides = array<i32>} : memref<4x128xi32, #tpu.memory_space<vmem>>, vector<1x16xi32>,
    %get3A_263 = arith.constant 1 : i32
    %get3A_264 = arith.index_cast %get3A_263 : i32 to index
    %get3A_265 = arith.constant 48 : index
    %get3A_266 = tpu.vector_load %arg5[%get3A_264, %get3A_265] {strides = array<i32>} : memref<4x128xi32, #tpu.memory_space<vmem>>, vector<1x16xi32>,
    %get3A_267 = vector.shape_cast %get3A_266 : vector<1x16xi32> to vector<16xi32>
    %sub3A_268 = arith.constant 50176 : i32
    %sub3A_269 = vector.broadcast %sub3A_268 : i32 to vector<16xi32>
    %sub3A_270 = arith.subi %get3A_267, %sub3A_269 : vector<16xi32>
    %shift_right_arithmetic3A_271 = arith.constant 31 : i32
    %shift_right_arithmetic3A_272 = vector.broadcast %shift_right_arithmetic3A_271 : i32 to vector<16xi32>
    %shift_right_arithmetic3A_273 = arith.shrsi %sub3A_270, %shift_right_arithmetic3A_272 : vector<16xi32>
    %xor3A_274 = arith.constant -1 : i32
    %xor3A_275 = vector.broadcast %xor3A_274 : i32 to vector<16xi32>
    %xor3A_276 = arith.xori %shift_right_arithmetic3A_273, %xor3A_275 : vector<16xi32>
    %and3A_277 = arith.constant 50176 : i32
    %and3A_278 = vector.broadcast %and3A_277 : i32 to vector<16xi32>
    %and3A_279 = arith.andi %xor3A_276, %and3A_278 : vector<16xi32>
    %sub3A_280 = arith.subi %get3A_267, %and3A_279 : vector<16xi32>
    %swap3A_281 = arith.constant 1 : i32
    %swap3A_282 = arith.index_cast %swap3A_281 : i32 to index
    %swap3A_283 = arith.constant 48 : index
    %swap3A_284 = tpu.vector_load %arg6[%swap3A_282, %swap3A_283] {strides = array<i32>} : memref<4x128xi32, #tpu.memory_space<vmem>>, vector<1x16xi32>,
    %swap3A_285 = vector.shape_cast %swap3A_284 : vector<1x16xi32> to vector<16xi32>
    %swap3A_286 = vector.shape_cast %sub3A_280 : vector<16xi32> to vector<1x16xi32>
    tpu.vector_store %arg6[%swap3A_282, %swap3A_283], %swap3A_286 {strides = array<i32>} : memref<4x128xi32, #tpu.memory_space<vmem>>, vector<1x16xi32>,
    %get3A_287 = arith.constant 1 : i32
    %get3A_288 = arith.index_cast %get3A_287 : i32 to index
    %get3A_289 = arith.constant 64 : index
    %get3A_290 = tpu.vector_load %arg5[%get3A_288, %get3A_289] {strides = array<i32>} : memref<4x128xi32, #tpu.memory_space<vmem>>, vector<1x16xi32>,
    %get3A_291 = vector.shape_cast %get3A_290 : vector<1x16xi32> to vector<16xi32>
    %sub3A_292 = arith.constant 50176 : i32
    %sub3A_293 = vector.broadcast %sub3A_292 : i32 to vector<16xi32>
    %sub3A_294 = arith.subi %get3A_291, %sub3A_293 : vector<16xi32>
    %shift_right_arithmetic3A_295 = arith.constant 31 : i32
    %shift_right_arithmetic3A_296 = vector.broadcast %shift_right_arithmetic3A_295 : i32 to vector<16xi32>
    %shift_right_arithmetic3A_297 = arith.shrsi %sub3A_294, %shift_right_arithmetic3A_296 : vector<16xi32>
    %xor3A_298 = arith.constant -1 : i32
    %xor3A_299 = vector.broadcast %xor3A_298 : i32 to vector<16xi32>
    %xor3A_300 = arith.xori %shift_right_arithmetic3A_297, %xor3A_299 : vector<16xi32>
    %and3A_301 = arith.constant 50176 : i32
    %and3A_302 = vector.broadcast %and3A_301 : i32 to vector<16xi32>
    %and3A_303 = arith.andi %xor3A_300, %and3A_302 : vector<16xi32>
    %sub3A_304 = arith.subi %get3A_291, %and3A_303 : vector<16xi32>
    %swap3A_305 = arith.constant 1 : i32
    %swap3A_306 = arith.index_cast %swap3A_305 : i32 to index
    %swap3A_307 = arith.constant 64 : index
    %swap3A_308 = tpu.vector_load %arg6[%swap3A_306, %swap3A_307] {strides = array<i32>} : memref<4x128xi32, #tpu.memory_space<vmem>>, vector<1x16xi32>,
    %swap3A_309 = vector.shape_cast %swap3A_308 : vector<1x16xi32> to vector<16xi32>
    %swap3A_310 = vector.shape_cast %sub3A_304 : vector<16xi32> to vector<1x16xi32>
    tpu.vector_store %arg6[%swap3A_306, %swap3A_307], %swap3A_310 {strides = array<i32>} : memref<4x128xi32, #tpu.memory_space<vmem>>, vector<1x16xi32>,
    %get3A_311 = arith.constant 1 : i32
    %get3A_312 = arith.index_cast %get3A_311 : i32 to index
    %get3A_313 = arith.constant 80 : index
    %get3A_314 = tpu.vector_load %arg5[%get3A_312, %get3A_313] {strides = array<i32>} : memref<4x128xi32, #tpu.memory_space<vmem>>, vector<1x16xi32>,
    %get3A_315 = vector.shape_cast %get3A_314 : vector<1x16xi32> to vector<16xi32>
    %sub3A_316 = arith.constant 50176 : i32
    %sub3A_317 = vector.broadcast %sub3A_316 : i32 to vector<16xi32>
    %sub3A_318 = arith.subi %get3A_315, %sub3A_317 : vector<16xi32>
    %shift_right_arithmetic3A_319 = arith.constant 31 : i32
    %shift_right_arithmetic3A_320 = vector.broadcast %shift_right_arithmetic3A_319 : i32 to vector<16xi32>
    %shift_right_arithmetic3A_321 = arith.shrsi %sub3A_318, %shift_right_arithmetic3A_320 : vector<16xi32>
    %xor3A_322 = arith.constant -1 : i32
    %xor3A_323 = vector.broadcast %xor3A_322 : i32 to vector<16xi32>
    %xor3A_324 = arith.xori %shift_right_arithmetic3A_321, %xor3A_323 : vector<16xi32>
    %and3A_325 = arith.constant 50176 : i32
    %and3A_326 = vector.broadcast %and3A_325 : i32 to vector<16xi32>
    %and3A_327 = arith.andi %xor3A_324, %and3A_326 : vector<16xi32>
    %sub3A_328 = arith.subi %get3A_315, %and3A_327 : vector<16xi32>
    %swap3A_329 = arith.constant 1 : i32
    %swap3A_330 = arith.index_cast %swap3A_329 : i32 to index
    %swap3A_331 = arith.constant 80 : index
    %swap3A_332 = tpu.vector_load %arg6[%swap3A_330, %swap3A_331] {strides = array<i32>} : memref<4x128xi32, #tpu.memory_space<vmem>>, vector<1x16xi32>,
    %swap3A_333 = vector.shape_cast %swap3A_332 : vector<1x16xi32> to vector<16xi32>
    %swap3A_334 = vector.shape_cast %sub3A_328 : vector<16xi32> to vector<1x16xi32>
    tpu.vector_store %arg6[%swap3A_330, %swap3A_331], %swap3A_334 {strides = array<i32>} : memref<4x128xi32, #tpu.memory_space<vmem>>, vector<1x16xi32>,
    %get3A_335 = arith.constant 1 : i32
    %get3A_336 = arith.index_cast %get3A_335 : i32 to index
    %get3A_337 = arith.constant 96 : index
    %get3A_338 = tpu.vector_load %arg5[%get3A_336, %get3A_337] {strides = array<i32>} : memref<4x128xi32, #tpu.memory_space<vmem>>, vector<1x16xi32>,
    %get3A_339 = vector.shape_cast %get3A_338 : vector<1x16xi32> to vector<16xi32>
    %sub3A_340 = arith.constant 50176 : i32
    %sub3A_341 = vector.broadcast %sub3A_340 : i32 to vector<16xi32>
    %sub3A_342 = arith.subi %get3A_339, %sub3A_341 : vector<16xi32>
    %shift_right_arithmetic3A_343 = arith.constant 31 : i32
    %shift_right_arithmetic3A_344 = vector.broadcast %shift_right_arithmetic3A_343 : i32 to vector<16xi32>
    %shift_right_arithmetic3A_345 = arith.shrsi %sub3A_342, %shift_right_arithmetic3A_344 : vector<16xi32>
    %xor3A_346 = arith.constant -1 : i32
    %xor3A_347 = vector.broadcast %xor3A_346 : i32 to vector<16xi32>
    %xor3A_348 = arith.xori %shift_right_arithmetic3A_345, %xor3A_347 : vector<16xi32>
    %and3A_349 = arith.constant 50176 : i32
    %and3A_350 = vector.broadcast %and3A_349 : i32 to vector<16xi32>
    %and3A_351 = arith.andi %xor3A_348, %and3A_350 : vector<16xi32>
    %sub3A_352 = arith.subi %get3A_339, %and3A_351 : vector<16xi32>
    %swap3A_353 = arith.constant 1 : i32
    %swap3A_354 = arith.index_cast %swap3A_353 : i32 to index
    %swap3A_355 = arith.constant 96 : index
    %swap3A_356 = tpu.vector_load %arg6[%swap3A_354, %swap3A_355] {strides = array<i32>} : memref<4x128xi32, #tpu.memory_space<vmem>>, vector<1x16xi32>,
    %swap3A_357 = vector.shape_cast %swap3A_356 : vector<1x16xi32> to vector<16xi32>
    %swap3A_358 = vector.shape_cast %sub3A_352 : vector<16xi32> to vector<1x16xi32>
    tpu.vector_store %arg6[%swap3A_354, %swap3A_355], %swap3A_358 {strides = array<i32>} : memref<4x128xi32, #tpu.memory_space<vmem>>, vector<1x16xi32>,
    %get3A_359 = arith.constant 1 : i32
    %get3A_360 = arith.index_cast %get3A_359 : i32 to index
    %get3A_361 = arith.constant 112 : index
    %get3A_362 = tpu.vector_load %arg5[%get3A_360, %get3A_361] {strides = array<i32>} : memref<4x128xi32, #tpu.memory_space<vmem>>, vector<1x16xi32>,
    %get3A_363 = vector.shape_cast %get3A_362 : vector<1x16xi32> to vector<16xi32>
    %sub3A_364 = arith.constant 50176 : i32
    %sub3A_365 = vector.broadcast %sub3A_364 : i32 to vector<16xi32>
    %sub3A_366 = arith.subi %get3A_363, %sub3A_365 : vector<16xi32>
    %shift_right_arithmetic3A_367 = arith.constant 31 : i32
    %shift_right_arithmetic3A_368 = vector.broadcast %shift_right_arithmetic3A_367 : i32 to vector<16xi32>
    %shift_right_arithmetic3A_369 = arith.shrsi %sub3A_366, %shift_right_arithmetic3A_368 : vector<16xi32>
    %xor3A_370 = arith.constant -1 : i32
    %xor3A_371 = vector.broadcast %xor3A_370 : i32 to vector<16xi32>
    %xor3A_372 = arith.xori %shift_right_arithmetic3A_369, %xor3A_371 : vector<16xi32>
    %and3A_373 = arith.constant 50176 : i32
    %and3A_374 = vector.broadcast %and3A_373 : i32 to vector<16xi32>
    %and3A_375 = arith.andi %xor3A_372, %and3A_374 : vector<16xi32>
    %sub3A_376 = arith.subi %get3A_363, %and3A_375 : vector<16xi32>
    %swap3A_377 = arith.constant 1 : i32
    %swap3A_378 = arith.index_cast %swap3A_377 : i32 to index
    %swap3A_379 = arith.constant 112 : index
    %swap3A_380 = tpu.vector_load %arg6[%swap3A_378, %swap3A_379] {strides = array<i32>} : memref<4x128xi32, #tpu.memory_space<vmem>>, vector<1x16xi32>,
    %swap3A_381 = vector.shape_cast %swap3A_380 : vector<1x16xi32> to vector<16xi32>
    %swap3A_382 = vector.shape_cast %sub3A_376 : vector<16xi32> to vector<1x16xi32>
    tpu.vector_store %arg6[%swap3A_378, %swap3A_379], %swap3A_382 {strides = array<i32>} : memref<4x128xi32, #tpu.memory_space<vmem>>, vector<1x16xi32>,
    %get3A_383 = arith.constant 2 : i32
    %get3A_384 = arith.index_cast %get3A_383 : i32 to index
    %get3A_385 = arith.constant 0 : index
    %get3A_386 = tpu.vector_load %arg5[%get3A_384, %get3A_385] {strides = array<i32>} : memref<4x128xi32, #tpu.memory_space<vmem>>, vector<1x16xi32>,
    %get3A_387 = vector.shape_cast %get3A_386 : vector<1x16xi32> to vector<16xi32>
    %sub3A_388 = arith.constant 50176 : i32
    %sub3A_389 = vector.broadcast %sub3A_388 : i32 to vector<16xi32>
    %sub3A_390 = arith.subi %get3A_387, %sub3A_389 : vector<16xi32>
    %shift_right_arithmetic3A_391 = arith.constant 31 : i32
    %shift_right_arithmetic3A_392 = vector.broadcast %shift_right_arithmetic3A_391 : i32 to vector<16xi32>
    %shift_right_arithmetic3A_393 = arith.shrsi %sub3A_390, %shift_right_arithmetic3A_392 : vector<16xi32>
    %xor3A_394 = arith.constant -1 : i32
    %xor3A_395 = vector.broadcast %xor3A_394 : i32 to vector<16xi32>
    %xor3A_396 = arith.xori %shift_right_arithmetic3A_393, %xor3A_395 : vector<16xi32>
    %and3A_397 = arith.constant 50176 : i32
    %and3A_398 = vector.broadcast %and3A_397 : i32 to vector<16xi32>
    %and3A_399 = arith.andi %xor3A_396, %and3A_398 : vector<16xi32>
    %sub3A_400 = arith.subi %get3A_387, %and3A_399 : vector<16xi32>
    %swap3A_401 = arith.constant 2 : i32
    %swap3A_402 = arith.index_cast %swap3A_401 : i32 to index
    %swap3A_403 = arith.constant 0 : index
    %swap3A_404 = tpu.vector_load %arg6[%swap3A_402, %swap3A_403] {strides = array<i32>} : memref<4x128xi32, #tpu.memory_space<vmem>>, vector<1x16xi32>,
    %swap3A_405 = vector.shape_cast %swap3A_404 : vector<1x16xi32> to vector<16xi32>
    %swap3A_406 = vector.shape_cast %sub3A_400 : vector<16xi32> to vector<1x16xi32>
    tpu.vector_store %arg6[%swap3A_402, %swap3A_403], %swap3A_406 {strides = array<i32>} : memref<4x128xi32, #tpu.memory_space<vmem>>, vector<1x16xi32>,
    %get3A_407 = arith.constant 2 : i32
    %get3A_408 = arith.index_cast %get3A_407 : i32 to index
    %get3A_409 = arith.constant 16 : index
    %get3A_410 = tpu.vector_load %arg5[%get3A_408, %get3A_409] {strides = array<i32>} : memref<4x128xi32, #tpu.memory_space<vmem>>, vector<1x16xi32>,
    %get3A_411 = vector.shape_cast %get3A_410 : vector<1x16xi32> to vector<16xi32>
    %sub3A_412 = arith.constant 50176 : i32
    %sub3A_413 = vector.broadcast %sub3A_412 : i32 to vector<16xi32>
    %sub3A_414 = arith.subi %get3A_411, %sub3A_413 : vector<16xi32>
    %shift_right_arithmetic3A_415 = arith.constant 31 : i32
    %shift_right_arithmetic3A_416 = vector.broadcast %shift_right_arithmetic3A_415 : i32 to vector<16xi32>
    %shift_right_arithmetic3A_417 = arith.shrsi %sub3A_414, %shift_right_arithmetic3A_416 : vector<16xi32>
    %xor3A_418 = arith.constant -1 : i32
    %xor3A_419 = vector.broadcast %xor3A_418 : i32 to vector<16xi32>
    %xor3A_420 = arith.xori %shift_right_arithmetic3A_417, %xor3A_419 : vector<16xi32>
    %and3A_421 = arith.constant 50176 : i32
    %and3A_422 = vector.broadcast %and3A_421 : i32 to vector<16xi32>
    %and3A_423 = arith.andi %xor3A_420, %and3A_422 : vector<16xi32>
    %sub3A_424 = arith.subi %get3A_411, %and3A_423 : vector<16xi32>
    %swap3A_425 = arith.constant 2 : i32
    %swap3A_426 = arith.index_cast %swap3A_425 : i32 to index
    %swap3A_427 = arith.constant 16 : index
    %swap3A_428 = tpu.vector_load %arg6[%swap3A_426, %swap3A_427] {strides = array<i32>} : memref<4x128xi32, #tpu.memory_space<vmem>>, vector<1x16xi32>,
    %swap3A_429 = vector.shape_cast %swap3A_428 : vector<1x16xi32> to vector<16xi32>
    %swap3A_430 = vector.shape_cast %sub3A_424 : vector<16xi32> to vector<1x16xi32>
    tpu.vector_store %arg6[%swap3A_426, %swap3A_427], %swap3A_430 {strides = array<i32>} : memref<4x128xi32, #tpu.memory_space<vmem>>, vector<1x16xi32>,
    %get3A_431 = arith.constant 2 : i32
    %get3A_432 = arith.index_cast %get3A_431 : i32 to index
    %get3A_433 = arith.constant 32 : index
    %get3A_434 = tpu.vector_load %arg5[%get3A_432, %get3A_433] {strides = array<i32>} : memref<4x128xi32, #tpu.memory_space<vmem>>, vector<1x16xi32>,
    %get3A_435 = vector.shape_cast %get3A_434 : vector<1x16xi32> to vector<16xi32>
    %sub3A_436 = arith.constant 50176 : i32
    %sub3A_437 = vector.broadcast %sub3A_436 : i32 to vector<16xi32>
    %sub3A_438 = arith.subi %get3A_435, %sub3A_437 : vector<16xi32>
    %shift_right_arithmetic3A_439 = arith.constant 31 : i32
    %shift_right_arithmetic3A_440 = vector.broadcast %shift_right_arithmetic3A_439 : i32 to vector<16xi32>
    %shift_right_arithmetic3A_441 = arith.shrsi %sub3A_438, %shift_right_arithmetic3A_440 : vector<16xi32>
    %xor3A_442 = arith.constant -1 : i32
    %xor3A_443 = vector.broadcast %xor3A_442 : i32 to vector<16xi32>
    %xor3A_444 = arith.xori %shift_right_arithmetic3A_441, %xor3A_443 : vector<16xi32>
    %and3A_445 = arith.constant 50176 : i32
    %and3A_446 = vector.broadcast %and3A_445 : i32 to vector<16xi32>
    %and3A_447 = arith.andi %xor3A_444, %and3A_446 : vector<16xi32>
    %sub3A_448 = arith.subi %get3A_435, %and3A_447 : vector<16xi32>
    %swap3A_449 = arith.constant 2 : i32
    %swap3A_450 = arith.index_cast %swap3A_449 : i32 to index
    %swap3A_451 = arith.constant 32 : index
    %swap3A_452 = tpu.vector_load %arg6[%swap3A_450, %swap3A_451] {strides = array<i32>} : memref<4x128xi32, #tpu.memory_space<vmem>>, vector<1x16xi32>,
    %swap3A_453 = vector.shape_cast %swap3A_452 : vector<1x16xi32> to vector<16xi32>
    %swap3A_454 = vector.shape_cast %sub3A_448 : vector<16xi32> to vector<1x16xi32>
    tpu.vector_store %arg6[%swap3A_450, %swap3A_451], %swap3A_454 {strides = array<i32>} : memref<4x128xi32, #tpu.memory_space<vmem>>, vector<1x16xi32>,
    %get3A_455 = arith.constant 2 : i32
    %get3A_456 = arith.index_cast %get3A_455 : i32 to index
    %get3A_457 = arith.constant 48 : index
    %get3A_458 = tpu.vector_load %arg5[%get3A_456, %get3A_457] {strides = array<i32>} : memref<4x128xi32, #tpu.memory_space<vmem>>, vector<1x16xi32>,
    %get3A_459 = vector.shape_cast %get3A_458 : vector<1x16xi32> to vector<16xi32>
    %sub3A_460 = arith.constant 50176 : i32
    %sub3A_461 = vector.broadcast %sub3A_460 : i32 to vector<16xi32>
    %sub3A_462 = arith.subi %get3A_459, %sub3A_461 : vector<16xi32>
    %shift_right_arithmetic3A_463 = arith.constant 31 : i32
    %shift_right_arithmetic3A_464 = vector.broadcast %shift_right_arithmetic3A_463 : i32 to vector<16xi32>
    %shift_right_arithmetic3A_465 = arith.shrsi %sub3A_462, %shift_right_arithmetic3A_464 : vector<16xi32>
    %xor3A_466 = arith.constant -1 : i32
    %xor3A_467 = vector.broadcast %xor3A_466 : i32 to vector<16xi32>
    %xor3A_468 = arith.xori %shift_right_arithmetic3A_465, %xor3A_467 : vector<16xi32>
    %and3A_469 = arith.constant 50176 : i32
    %and3A_470 = vector.broadcast %and3A_469 : i32 to vector<16xi32>
    %and3A_471 = arith.andi %xor3A_468, %and3A_470 : vector<16xi32>
    %sub3A_472 = arith.subi %get3A_459, %and3A_471 : vector<16xi32>
    %swap3A_473 = arith.constant 2 : i32
    %swap3A_474 = arith.index_cast %swap3A_473 : i32 to index
    %swap3A_475 = arith.constant 48 : index
    %swap3A_476 = tpu.vector_load %arg6[%swap3A_474, %swap3A_475] {strides = array<i32>} : memref<4x128xi32, #tpu.memory_space<vmem>>, vector<1x16xi32>,
    %swap3A_477 = vector.shape_cast %swap3A_476 : vector<1x16xi32> to vector<16xi32>
    %swap3A_478 = vector.shape_cast %sub3A_472 : vector<16xi32> to vector<1x16xi32>
    tpu.vector_store %arg6[%swap3A_474, %swap3A_475], %swap3A_478 {strides = array<i32>} : memref<4x128xi32, #tpu.memory_space<vmem>>, vector<1x16xi32>,
    %get3A_479 = arith.constant 2 : i32
    %get3A_480 = arith.index_cast %get3A_479 : i32 to index
    %get3A_481 = arith.constant 64 : index
    %get3A_482 = tpu.vector_load %arg5[%get3A_480, %get3A_481] {strides = array<i32>} : memref<4x128xi32, #tpu.memory_space<vmem>>, vector<1x16xi32>,
    %get3A_483 = vector.shape_cast %get3A_482 : vector<1x16xi32> to vector<16xi32>
    %sub3A_484 = arith.constant 50176 : i32
    %sub3A_485 = vector.broadcast %sub3A_484 : i32 to vector<16xi32>
    %sub3A_486 = arith.subi %get3A_483, %sub3A_485 : vector<16xi32>
    %shift_right_arithmetic3A_487 = arith.constant 31 : i32
    %shift_right_arithmetic3A_488 = vector.broadcast %shift_right_arithmetic3A_487 : i32 to vector<16xi32>
    %shift_right_arithmetic3A_489 = arith.shrsi %sub3A_486, %shift_right_arithmetic3A_488 : vector<16xi32>
    %xor3A_490 = arith.constant -1 : i32
    %xor3A_491 = vector.broadcast %xor3A_490 : i32 to vector<16xi32>
    %xor3A_492 = arith.xori %shift_right_arithmetic3A_489, %xor3A_491 : vector<16xi32>
    %and3A_493 = arith.constant 50176 : i32
    %and3A_494 = vector.broadcast %and3A_493 : i32 to vector<16xi32>
    %and3A_495 = arith.andi %xor3A_492, %and3A_494 : vector<16xi32>
    %sub3A_496 = arith.subi %get3A_483, %and3A_495 : vector<16xi32>
    %swap3A_497 = arith.constant 2 : i32
    %swap3A_498 = arith.index_cast %swap3A_497 : i32 to index
    %swap3A_499 = arith.constant 64 : index
    %swap3A_500 = tpu.vector_load %arg6[%swap3A_498, %swap3A_499] {strides = array<i32>} : memref<4x128xi32, #tpu.memory_space<vmem>>, vector<1x16xi32>,
    %swap3A_501 = vector.shape_cast %swap3A_500 : vector<1x16xi32> to vector<16xi32>
    %swap3A_502 = vector.shape_cast %sub3A_496 : vector<16xi32> to vector<1x16xi32>
    tpu.vector_store %arg6[%swap3A_498, %swap3A_499], %swap3A_502 {strides = array<i32>} : memref<4x128xi32, #tpu.memory_space<vmem>>, vector<1x16xi32>,
    %get3A_503 = arith.constant 2 : i32
    %get3A_504 = arith.index_cast %get3A_503 : i32 to index
    %get3A_505 = arith.constant 80 : index
    %get3A_506 = tpu.vector_load %arg5[%get3A_504, %get3A_505] {strides = array<i32>} : memref<4x128xi32, #tpu.memory_space<vmem>>, vector<1x16xi32>,
    %get3A_507 = vector.shape_cast %get3A_506 : vector<1x16xi32> to vector<16xi32>
    %sub3A_508 = arith.constant 50176 : i32
    %sub3A_509 = vector.broadcast %sub3A_508 : i32 to vector<16xi32>
    %sub3A_510 = arith.subi %get3A_507, %sub3A_509 : vector<16xi32>
    %shift_right_arithmetic3A_511 = arith.constant 31 : i32
    %shift_right_arithmetic3A_512 = vector.broadcast %shift_right_arithmetic3A_511 : i32 to vector<16xi32>
    %shift_right_arithmetic3A_513 = arith.shrsi %sub3A_510, %shift_right_arithmetic3A_512 : vector<16xi32>
    %xor3A_514 = arith.constant -1 : i32
    %xor3A_515 = vector.broadcast %xor3A_514 : i32 to vector<16xi32>
    %xor3A_516 = arith.xori %shift_right_arithmetic3A_513, %xor3A_515 : vector<16xi32>
    %and3A_517 = arith.constant 50176 : i32
    %and3A_518 = vector.broadcast %and3A_517 : i32 to vector<16xi32>
    %and3A_519 = arith.andi %xor3A_516, %and3A_518 : vector<16xi32>
    %sub3A_520 = arith.subi %get3A_507, %and3A_519 : vector<16xi32>
    %swap3A_521 = arith.constant 2 : i32
    %swap3A_522 = arith.index_cast %swap3A_521 : i32 to index
    %swap3A_523 = arith.constant 80 : index
    %swap3A_524 = tpu.vector_load %arg6[%swap3A_522, %swap3A_523] {strides = array<i32>} : memref<4x128xi32, #tpu.memory_space<vmem>>, vector<1x16xi32>,
    %swap3A_525 = vector.shape_cast %swap3A_524 : vector<1x16xi32> to vector<16xi32>
    %swap3A_526 = vector.shape_cast %sub3A_520 : vector<16xi32> to vector<1x16xi32>
    tpu.vector_store %arg6[%swap3A_522, %swap3A_523], %swap3A_526 {strides = array<i32>} : memref<4x128xi32, #tpu.memory_space<vmem>>, vector<1x16xi32>,
    %get3A_527 = arith.constant 2 : i32
    %get3A_528 = arith.index_cast %get3A_527 : i32 to index
    %get3A_529 = arith.constant 96 : index
    %get3A_530 = tpu.vector_load %arg5[%get3A_528, %get3A_529] {strides = array<i32>} : memref<4x128xi32, #tpu.memory_space<vmem>>, vector<1x16xi32>,
    %get3A_531 = vector.shape_cast %get3A_530 : vector<1x16xi32> to vector<16xi32>
    %sub3A_532 = arith.constant 50176 : i32
    %sub3A_533 = vector.broadcast %sub3A_532 : i32 to vector<16xi32>
    %sub3A_534 = arith.subi %get3A_531, %sub3A_533 : vector<16xi32>
    %shift_right_arithmetic3A_535 = arith.constant 31 : i32
    %shift_right_arithmetic3A_536 = vector.broadcast %shift_right_arithmetic3A_535 : i32 to vector<16xi32>
    %shift_right_arithmetic3A_537 = arith.shrsi %sub3A_534, %shift_right_arithmetic3A_536 : vector<16xi32>
    %xor3A_538 = arith.constant -1 : i32
    %xor3A_539 = vector.broadcast %xor3A_538 : i32 to vector<16xi32>
    %xor3A_540 = arith.xori %shift_right_arithmetic3A_537, %xor3A_539 : vector<16xi32>
    %and3A_541 = arith.constant 50176 : i32
    %and3A_542 = vector.broadcast %and3A_541 : i32 to vector<16xi32>
    %and3A_543 = arith.andi %xor3A_540, %and3A_542 : vector<16xi32>
    %sub3A_544 = arith.subi %get3A_531, %and3A_543 : vector<16xi32>
    %swap3A_545 = arith.constant 2 : i32
    %swap3A_546 = arith.index_cast %swap3A_545 : i32 to index
    %swap3A_547 = arith.constant 96 : index
    %swap3A_548 = tpu.vector_load %arg6[%swap3A_546, %swap3A_547] {strides = array<i32>} : memref<4x128xi32, #tpu.memory_space<vmem>>, vector<1x16xi32>,
    %swap3A_549 = vector.shape_cast %swap3A_548 : vector<1x16xi32> to vector<16xi32>
    %swap3A_550 = vector.shape_cast %sub3A_544 : vector<16xi32> to vector<1x16xi32>
    tpu.vector_store %arg6[%swap3A_546, %swap3A_547], %swap3A_550 {strides = array<i32>} : memref<4x128xi32, #tpu.memory_space<vmem>>, vector<1x16xi32>,
    %get3A_551 = arith.constant 2 : i32
    %get3A_552 = arith.index_cast %get3A_551 : i32 to index
    %get3A_553 = arith.constant 112 : index
    %get3A_554 = tpu.vector_load %arg5[%get3A_552, %get3A_553] {strides = array<i32>} : memref<4x128xi32, #tpu.memory_space<vmem>>, vector<1x16xi32>,
    %get3A_555 = vector.shape_cast %get3A_554 : vector<1x16xi32> to vector<16xi32>
    %sub3A_556 = arith.constant 50176 : i32
    %sub3A_557 = vector.broadcast %sub3A_556 : i32 to vector<16xi32>
    %sub3A_558 = arith.subi %get3A_555, %sub3A_557 : vector<16xi32>
    %shift_right_arithmetic3A_559 = arith.constant 31 : i32
    %shift_right_arithmetic3A_560 = vector.broadcast %shift_right_arithmetic3A_559 : i32 to vector<16xi32>
    %shift_right_arithmetic3A_561 = arith.shrsi %sub3A_558, %shift_right_arithmetic3A_560 : vector<16xi32>
    %xor3A_562 = arith.constant -1 : i32
    %xor3A_563 = vector.broadcast %xor3A_562 : i32 to vector<16xi32>
    %xor3A_564 = arith.xori %shift_right_arithmetic3A_561, %xor3A_563 : vector<16xi32>
    %and3A_565 = arith.constant 50176 : i32
    %and3A_566 = vector.broadcast %and3A_565 : i32 to vector<16xi32>
    %and3A_567 = arith.andi %xor3A_564, %and3A_566 : vector<16xi32>
    %sub3A_568 = arith.subi %get3A_555, %and3A_567 : vector<16xi32>
    %swap3A_569 = arith.constant 2 : i32
    %swap3A_570 = arith.index_cast %swap3A_569 : i32 to index
    %swap3A_571 = arith.constant 112 : index
    %swap3A_572 = tpu.vector_load %arg6[%swap3A_570, %swap3A_571] {strides = array<i32>} : memref<4x128xi32, #tpu.memory_space<vmem>>, vector<1x16xi32>,
    %swap3A_573 = vector.shape_cast %swap3A_572 : vector<1x16xi32> to vector<16xi32>
    %swap3A_574 = vector.shape_cast %sub3A_568 : vector<16xi32> to vector<1x16xi32>
    tpu.vector_store %arg6[%swap3A_570, %swap3A_571], %swap3A_574 {strides = array<i32>} : memref<4x128xi32, #tpu.memory_space<vmem>>, vector<1x16xi32>,
    %get3A_575 = arith.constant 3 : i32
    %get3A_576 = arith.index_cast %get3A_575 : i32 to index
    %get3A_577 = arith.constant 0 : index
    %get3A_578 = tpu.vector_load %arg5[%get3A_576, %get3A_577] {strides = array<i32>} : memref<4x128xi32, #tpu.memory_space<vmem>>, vector<1x16xi32>,
    %get3A_579 = vector.shape_cast %get3A_578 : vector<1x16xi32> to vector<16xi32>
    %sub3A_580 = arith.constant 50176 : i32
    %sub3A_581 = vector.broadcast %sub3A_580 : i32 to vector<16xi32>
    %sub3A_582 = arith.subi %get3A_579, %sub3A_581 : vector<16xi32>
    %shift_right_arithmetic3A_583 = arith.constant 31 : i32
    %shift_right_arithmetic3A_584 = vector.broadcast %shift_right_arithmetic3A_583 : i32 to vector<16xi32>
    %shift_right_arithmetic3A_585 = arith.shrsi %sub3A_582, %shift_right_arithmetic3A_584 : vector<16xi32>
    %xor3A_586 = arith.constant -1 : i32
    %xor3A_587 = vector.broadcast %xor3A_586 : i32 to vector<16xi32>
    %xor3A_588 = arith.xori %shift_right_arithmetic3A_585, %xor3A_587 : vector<16xi32>
    %and3A_589 = arith.constant 50176 : i32
    %and3A_590 = vector.broadcast %and3A_589 : i32 to vector<16xi32>
    %and3A_591 = arith.andi %xor3A_588, %and3A_590 : vector<16xi32>
    %sub3A_592 = arith.subi %get3A_579, %and3A_591 : vector<16xi32>
    %swap3A_593 = arith.constant 3 : i32
    %swap3A_594 = arith.index_cast %swap3A_593 : i32 to index
    %swap3A_595 = arith.constant 0 : index
    %swap3A_596 = tpu.vector_load %arg6[%swap3A_594, %swap3A_595] {strides = array<i32>} : memref<4x128xi32, #tpu.memory_space<vmem>>, vector<1x16xi32>,
    %swap3A_597 = vector.shape_cast %swap3A_596 : vector<1x16xi32> to vector<16xi32>
    %swap3A_598 = vector.shape_cast %sub3A_592 : vector<16xi32> to vector<1x16xi32>
    tpu.vector_store %arg6[%swap3A_594, %swap3A_595], %swap3A_598 {strides = array<i32>} : memref<4x128xi32, #tpu.memory_space<vmem>>, vector<1x16xi32>,
    %get3A_599 = arith.constant 3 : i32
    %get3A_600 = arith.index_cast %get3A_599 : i32 to index
    %get3A_601 = arith.constant 16 : index
    %get3A_602 = tpu.vector_load %arg5[%get3A_600, %get3A_601] {strides = array<i32>} : memref<4x128xi32, #tpu.memory_space<vmem>>, vector<1x16xi32>,
    %get3A_603 = vector.shape_cast %get3A_602 : vector<1x16xi32> to vector<16xi32>
    %sub3A_604 = arith.constant 50176 : i32
    %sub3A_605 = vector.broadcast %sub3A_604 : i32 to vector<16xi32>
    %sub3A_606 = arith.subi %get3A_603, %sub3A_605 : vector<16xi32>
    %shift_right_arithmetic3A_607 = arith.constant 31 : i32
    %shift_right_arithmetic3A_608 = vector.broadcast %shift_right_arithmetic3A_607 : i32 to vector<16xi32>
    %shift_right_arithmetic3A_609 = arith.shrsi %sub3A_606, %shift_right_arithmetic3A_608 : vector<16xi32>
    %xor3A_610 = arith.constant -1 : i32
    %xor3A_611 = vector.broadcast %xor3A_610 : i32 to vector<16xi32>
    %xor3A_612 = arith.xori %shift_right_arithmetic3A_609, %xor3A_611 : vector<16xi32>
    %and3A_613 = arith.constant 50176 : i32
    %and3A_614 = vector.broadcast %and3A_613 : i32 to vector<16xi32>
    %and3A_615 = arith.andi %xor3A_612, %and3A_614 : vector<16xi32>
    %sub3A_616 = arith.subi %get3A_603, %and3A_615 : vector<16xi32>
    %swap3A_617 = arith.constant 3 : i32
    %swap3A_618 = arith.index_cast %swap3A_617 : i32 to index
    %swap3A_619 = arith.constant 16 : index
    %swap3A_620 = tpu.vector_load %arg6[%swap3A_618, %swap3A_619] {strides = array<i32>} : memref<4x128xi32, #tpu.memory_space<vmem>>, vector<1x16xi32>,
    %swap3A_621 = vector.shape_cast %swap3A_620 : vector<1x16xi32> to vector<16xi32>
    %swap3A_622 = vector.shape_cast %sub3A_616 : vector<16xi32> to vector<1x16xi32>
    tpu.vector_store %arg6[%swap3A_618, %swap3A_619], %swap3A_622 {strides = array<i32>} : memref<4x128xi32, #tpu.memory_space<vmem>>, vector<1x16xi32>,
    %get3A_623 = arith.constant 3 : i32
    %get3A_624 = arith.index_cast %get3A_623 : i32 to index
    %get3A_625 = arith.constant 32 : index
    %get3A_626 = tpu.vector_load %arg5[%get3A_624, %get3A_625] {strides = array<i32>} : memref<4x128xi32, #tpu.memory_space<vmem>>, vector<1x16xi32>,
    %get3A_627 = vector.shape_cast %get3A_626 : vector<1x16xi32> to vector<16xi32>
    %sub3A_628 = arith.constant 50176 : i32
    %sub3A_629 = vector.broadcast %sub3A_628 : i32 to vector<16xi32>
    %sub3A_630 = arith.subi %get3A_627, %sub3A_629 : vector<16xi32>
    %shift_right_arithmetic3A_631 = arith.constant 31 : i32
    %shift_right_arithmetic3A_632 = vector.broadcast %shift_right_arithmetic3A_631 : i32 to vector<16xi32>
    %shift_right_arithmetic3A_633 = arith.shrsi %sub3A_630, %shift_right_arithmetic3A_632 : vector<16xi32>
    %xor3A_634 = arith.constant -1 : i32
    %xor3A_635 = vector.broadcast %xor3A_634 : i32 to vector<16xi32>
    %xor3A_636 = arith.xori %shift_right_arithmetic3A_633, %xor3A_635 : vector<16xi32>
    %and3A_637 = arith.constant 50176 : i32
    %and3A_638 = vector.broadcast %and3A_637 : i32 to vector<16xi32>
    %and3A_639 = arith.andi %xor3A_636, %and3A_638 : vector<16xi32>
    %sub3A_640 = arith.subi %get3A_627, %and3A_639 : vector<16xi32>
    %swap3A_641 = arith.constant 3 : i32
    %swap3A_642 = arith.index_cast %swap3A_641 : i32 to index
    %swap3A_643 = arith.constant 32 : index
    %swap3A_644 = tpu.vector_load %arg6[%swap3A_642, %swap3A_643] {strides = array<i32>} : memref<4x128xi32, #tpu.memory_space<vmem>>, vector<1x16xi32>,
    %swap3A_645 = vector.shape_cast %swap3A_644 : vector<1x16xi32> to vector<16xi32>
    %swap3A_646 = vector.shape_cast %sub3A_640 : vector<16xi32> to vector<1x16xi32>
    tpu.vector_store %arg6[%swap3A_642, %swap3A_643], %swap3A_646 {strides = array<i32>} : memref<4x128xi32, #tpu.memory_space<vmem>>, vector<1x16xi32>,
    %get3A_647 = arith.constant 3 : i32
    %get3A_648 = arith.index_cast %get3A_647 : i32 to index
    %get3A_649 = arith.constant 48 : index
    %get3A_650 = tpu.vector_load %arg5[%get3A_648, %get3A_649] {strides = array<i32>} : memref<4x128xi32, #tpu.memory_space<vmem>>, vector<1x16xi32>,
    %get3A_651 = vector.shape_cast %get3A_650 : vector<1x16xi32> to vector<16xi32>
    %sub3A_652 = arith.constant 50176 : i32
    %sub3A_653 = vector.broadcast %sub3A_652 : i32 to vector<16xi32>
    %sub3A_654 = arith.subi %get3A_651, %sub3A_653 : vector<16xi32>
    %shift_right_arithmetic3A_655 = arith.constant 31 : i32
    %shift_right_arithmetic3A_656 = vector.broadcast %shift_right_arithmetic3A_655 : i32 to vector<16xi32>
    %shift_right_arithmetic3A_657 = arith.shrsi %sub3A_654, %shift_right_arithmetic3A_656 : vector<16xi32>
    %xor3A_658 = arith.constant -1 : i32
    %xor3A_659 = vector.broadcast %xor3A_658 : i32 to vector<16xi32>
    %xor3A_660 = arith.xori %shift_right_arithmetic3A_657, %xor3A_659 : vector<16xi32>
    %and3A_661 = arith.constant 50176 : i32
    %and3A_662 = vector.broadcast %and3A_661 : i32 to vector<16xi32>
    %and3A_663 = arith.andi %xor3A_660, %and3A_662 : vector<16xi32>
    %sub3A_664 = arith.subi %get3A_651, %and3A_663 : vector<16xi32>
    %swap3A_665 = arith.constant 3 : i32
    %swap3A_666 = arith.index_cast %swap3A_665 : i32 to index
    %swap3A_667 = arith.constant 48 : index
    %swap3A_668 = tpu.vector_load %arg6[%swap3A_666, %swap3A_667] {strides = array<i32>} : memref<4x128xi32, #tpu.memory_space<vmem>>, vector<1x16xi32>,
    %swap3A_669 = vector.shape_cast %swap3A_668 : vector<1x16xi32> to vector<16xi32>
    %swap3A_670 = vector.shape_cast %sub3A_664 : vector<16xi32> to vector<1x16xi32>
    tpu.vector_store %arg6[%swap3A_666, %swap3A_667], %swap3A_670 {strides = array<i32>} : memref<4x128xi32, #tpu.memory_space<vmem>>, vector<1x16xi32>,
    %get3A_671 = arith.constant 3 : i32
    %get3A_672 = arith.index_cast %get3A_671 : i32 to index
    %get3A_673 = arith.constant 64 : index
    %get3A_674 = tpu.vector_load %arg5[%get3A_672, %get3A_673] {strides = array<i32>} : memref<4x128xi32, #tpu.memory_space<vmem>>, vector<1x16xi32>,
    %get3A_675 = vector.shape_cast %get3A_674 : vector<1x16xi32> to vector<16xi32>
    %sub3A_676 = arith.constant 50176 : i32
    %sub3A_677 = vector.broadcast %sub3A_676 : i32 to vector<16xi32>
    %sub3A_678 = arith.subi %get3A_675, %sub3A_677 : vector<16xi32>
    %shift_right_arithmetic3A_679 = arith.constant 31 : i32
    %shift_right_arithmetic3A_680 = vector.broadcast %shift_right_arithmetic3A_679 : i32 to vector<16xi32>
    %shift_right_arithmetic3A_681 = arith.shrsi %sub3A_678, %shift_right_arithmetic3A_680 : vector<16xi32>
    %xor3A_682 = arith.constant -1 : i32
    %xor3A_683 = vector.broadcast %xor3A_682 : i32 to vector<16xi32>
    %xor3A_684 = arith.xori %shift_right_arithmetic3A_681, %xor3A_683 : vector<16xi32>
    %and3A_685 = arith.constant 50176 : i32
    %and3A_686 = vector.broadcast %and3A_685 : i32 to vector<16xi32>
    %and3A_687 = arith.andi %xor3A_684, %and3A_686 : vector<16xi32>
    %sub3A_688 = arith.subi %get3A_675, %and3A_687 : vector<16xi32>
    %swap3A_689 = arith.constant 3 : i32
    %swap3A_690 = arith.index_cast %swap3A_689 : i32 to index
    %swap3A_691 = arith.constant 64 : index
    %swap3A_692 = tpu.vector_load %arg6[%swap3A_690, %swap3A_691] {strides = array<i32>} : memref<4x128xi32, #tpu.memory_space<vmem>>, vector<1x16xi32>,
    %swap3A_693 = vector.shape_cast %swap3A_692 : vector<1x16xi32> to vector<16xi32>
    %swap3A_694 = vector.shape_cast %sub3A_688 : vector<16xi32> to vector<1x16xi32>
    tpu.vector_store %arg6[%swap3A_690, %swap3A_691], %swap3A_694 {strides = array<i32>} : memref<4x128xi32, #tpu.memory_space<vmem>>, vector<1x16xi32>,
    %get3A_695 = arith.constant 3 : i32
    %get3A_696 = arith.index_cast %get3A_695 : i32 to index
    %get3A_697 = arith.constant 80 : index
    %get3A_698 = tpu.vector_load %arg5[%get3A_696, %get3A_697] {strides = array<i32>} : memref<4x128xi32, #tpu.memory_space<vmem>>, vector<1x16xi32>,
    %get3A_699 = vector.shape_cast %get3A_698 : vector<1x16xi32> to vector<16xi32>
    %sub3A_700 = arith.constant 50176 : i32
    %sub3A_701 = vector.broadcast %sub3A_700 : i32 to vector<16xi32>
    %sub3A_702 = arith.subi %get3A_699, %sub3A_701 : vector<16xi32>
    %shift_right_arithmetic3A_703 = arith.constant 31 : i32
    %shift_right_arithmetic3A_704 = vector.broadcast %shift_right_arithmetic3A_703 : i32 to vector<16xi32>
    %shift_right_arithmetic3A_705 = arith.shrsi %sub3A_702, %shift_right_arithmetic3A_704 : vector<16xi32>
    %xor3A_706 = arith.constant -1 : i32
    %xor3A_707 = vector.broadcast %xor3A_706 : i32 to vector<16xi32>
    %xor3A_708 = arith.xori %shift_right_arithmetic3A_705, %xor3A_707 : vector<16xi32>
    %and3A_709 = arith.constant 50176 : i32
    %and3A_710 = vector.broadcast %and3A_709 : i32 to vector<16xi32>
    %and3A_711 = arith.andi %xor3A_708, %and3A_710 : vector<16xi32>
    %sub3A_712 = arith.subi %get3A_699, %and3A_711 : vector<16xi32>
    %swap3A_713 = arith.constant 3 : i32
    %swap3A_714 = arith.index_cast %swap3A_713 : i32 to index
    %swap3A_715 = arith.constant 80 : index
    %swap3A_716 = tpu.vector_load %arg6[%swap3A_714, %swap3A_715] {strides = array<i32>} : memref<4x128xi32, #tpu.memory_space<vmem>>, vector<1x16xi32>,
    %swap3A_717 = vector.shape_cast %swap3A_716 : vector<1x16xi32> to vector<16xi32>
    %swap3A_718 = vector.shape_cast %sub3A_712 : vector<16xi32> to vector<1x16xi32>
    tpu.vector_store %arg6[%swap3A_714, %swap3A_715], %swap3A_718 {strides = array<i32>} : memref<4x128xi32, #tpu.memory_space<vmem>>, vector<1x16xi32>,
    %get3A_719 = arith.constant 3 : i32
    %get3A_720 = arith.index_cast %get3A_719 : i32 to index
    %get3A_721 = arith.constant 96 : index
    %get3A_722 = tpu.vector_load %arg5[%get3A_720, %get3A_721] {strides = array<i32>} : memref<4x128xi32, #tpu.memory_space<vmem>>, vector<1x16xi32>,
    %get3A_723 = vector.shape_cast %get3A_722 : vector<1x16xi32> to vector<16xi32>
    %sub3A_724 = arith.constant 50176 : i32
    %sub3A_725 = vector.broadcast %sub3A_724 : i32 to vector<16xi32>
    %sub3A_726 = arith.subi %get3A_723, %sub3A_725 : vector<16xi32>
    %shift_right_arithmetic3A_727 = arith.constant 31 : i32
    %shift_right_arithmetic3A_728 = vector.broadcast %shift_right_arithmetic3A_727 : i32 to vector<16xi32>
    %shift_right_arithmetic3A_729 = arith.shrsi %sub3A_726, %shift_right_arithmetic3A_728 : vector<16xi32>
    %xor3A_730 = arith.constant -1 : i32
    %xor3A_731 = vector.broadcast %xor3A_730 : i32 to vector<16xi32>
    %xor3A_732 = arith.xori %shift_right_arithmetic3A_729, %xor3A_731 : vector<16xi32>
    %and3A_733 = arith.constant 50176 : i32
    %and3A_734 = vector.broadcast %and3A_733 : i32 to vector<16xi32>
    %and3A_735 = arith.andi %xor3A_732, %and3A_734 : vector<16xi32>
    %sub3A_736 = arith.subi %get3A_723, %and3A_735 : vector<16xi32>
    %swap3A_737 = arith.constant 3 : i32
    %swap3A_738 = arith.index_cast %swap3A_737 : i32 to index
    %swap3A_739 = arith.constant 96 : index
    %swap3A_740 = tpu.vector_load %arg6[%swap3A_738, %swap3A_739] {strides = array<i32>} : memref<4x128xi32, #tpu.memory_space<vmem>>, vector<1x16xi32>,
    %swap3A_741 = vector.shape_cast %swap3A_740 : vector<1x16xi32> to vector<16xi32>
    %swap3A_742 = vector.shape_cast %sub3A_736 : vector<16xi32> to vector<1x16xi32>
    tpu.vector_store %arg6[%swap3A_738, %swap3A_739], %swap3A_742 {strides = array<i32>} : memref<4x128xi32, #tpu.memory_space<vmem>>, vector<1x16xi32>,
    %get3A_743 = arith.constant 3 : i32
    %get3A_744 = arith.index_cast %get3A_743 : i32 to index
    %get3A_745 = arith.constant 112 : index
    %get3A_746 = tpu.vector_load %arg5[%get3A_744, %get3A_745] {strides = array<i32>} : memref<4x128xi32, #tpu.memory_space<vmem>>, vector<1x16xi32>,
    %get3A_747 = vector.shape_cast %get3A_746 : vector<1x16xi32> to vector<16xi32>
    %sub3A_748 = arith.constant 50176 : i32
    %sub3A_749 = vector.broadcast %sub3A_748 : i32 to vector<16xi32>
    %sub3A_750 = arith.subi %get3A_747, %sub3A_749 : vector<16xi32>
    %shift_right_arithmetic3A_751 = arith.constant 31 : i32
    %shift_right_arithmetic3A_752 = vector.broadcast %shift_right_arithmetic3A_751 : i32 to vector<16xi32>
    %shift_right_arithmetic3A_753 = arith.shrsi %sub3A_750, %shift_right_arithmetic3A_752 : vector<16xi32>
    %xor3A_754 = arith.constant -1 : i32
    %xor3A_755 = vector.broadcast %xor3A_754 : i32 to vector<16xi32>
    %xor3A_756 = arith.xori %shift_right_arithmetic3A_753, %xor3A_755 : vector<16xi32>
    %and3A_757 = arith.constant 50176 : i32
    %and3A_758 = vector.broadcast %and3A_757 : i32 to vector<16xi32>
    %and3A_759 = arith.andi %xor3A_756, %and3A_758 : vector<16xi32>
    %sub3A_760 = arith.subi %get3A_747, %and3A_759 : vector<16xi32>
    %swap3A_761 = arith.constant 3 : i32
    %swap3A_762 = arith.index_cast %swap3A_761 : i32 to index
    %swap3A_763 = arith.constant 112 : index
    %swap3A_764 = tpu.vector_load %arg6[%swap3A_762, %swap3A_763] {strides = array<i32>} : memref<4x128xi32, #tpu.memory_space<vmem>>, vector<1x16xi32>,
    %swap3A_765 = vector.shape_cast %swap3A_764 : vector<1x16xi32> to vector<16xi32>
    %swap3A_766 = vector.shape_cast %sub3A_760 : vector<16xi32> to vector<1x16xi32>
    tpu.vector_store %arg6[%swap3A_762, %swap3A_763], %swap3A_766 {strides = array<i32>} : memref<4x128xi32, #tpu.memory_space<vmem>>, vector<1x16xi32>,
    %dma_start3A = arith.constant 0 : i32
    %dma_start3A_767 = arith.constant 0 : i32
    %dma_start3A_768 = arith.constant 0 : i32
    %dma_start3A_769 = tpu.memref_slice %arg7[%dma_start3A_767, %dma_start3A_768] : memref<512x128xf32, #tpu.memory_space<vmem>> -> memref<128x128xf32, #tpu.memory_space<vmem>>
    %dma_start3A_770 = arith.constant 0 : i32
    %dma_start3A_771 = tpu.memref_slice %arg6[%dma_start3A, %dma_start3A_770] : memref<4x128xi32, #tpu.memory_space<vmem>> -> memref<1x128xi32, #tpu.memory_space<vmem>>
    %dma_start3A_772 = tpu.memref_squeeze %dma_start3A_771 : memref<1x128xi32, #tpu.memory_space<vmem>> -> memref<128xi32, #tpu.memory_space<vmem>>
    %dma_start3A_773 = arith.constant 0 : i32
    %dma_start3A_774 = arith.constant 0 : i32
    %dma_start3A_775 = tpu.memref_slice %arg3[%dma_start3A_773, %dma_start3A_774] : memref<50176x128xf32, #tpu.memory_space<hbm>> -> memref<50176x128xf32, #tpu.memory_space<hbm>>
    tpu.enqueue_indirect_dma source(%dma_start3A_775 : memref<50176x128xf32, #tpu.memory_space<hbm>>) target(%dma_start3A_769 : memref<128x128xf32, #tpu.memory_space<vmem>>) offsets(%dma_start3A_772 : memref<128xi32, #tpu.memory_space<vmem>>) semaphore(%arg8 : memref<!tpu.dma_semaphore, #tpu.memory_space<semaphore_mem>>)
    %dma_start3A_776 = arith.constant 1 : i32
    %dma_start3A_777 = arith.constant 128 : i32
    %dma_start3A_778 = arith.constant 0 : i32
    %dma_start3A_779 = tpu.memref_slice %arg7[%dma_start3A_777, %dma_start3A_778] : memref<512x128xf32, #tpu.memory_space<vmem>> -> memref<128x128xf32, #tpu.memory_space<vmem>>
    %dma_start3A_780 = arith.constant 0 : i32
    %dma_start3A_781 = tpu.memref_slice %arg6[%dma_start3A_776, %dma_start3A_780] : memref<4x128xi32, #tpu.memory_space<vmem>> -> memref<1x128xi32, #tpu.memory_space<vmem>>
    %dma_start3A_782 = tpu.memref_squeeze %dma_start3A_781 : memref<1x128xi32, #tpu.memory_space<vmem>> -> memref<128xi32, #tpu.memory_space<vmem>>
    %dma_start3A_783 = arith.constant 0 : i32
    %dma_start3A_784 = arith.constant 0 : i32
    %dma_start3A_785 = tpu.memref_slice %arg3[%dma_start3A_783, %dma_start3A_784] : memref<50176x128xf32, #tpu.memory_space<hbm>> -> memref<50176x128xf32, #tpu.memory_space<hbm>>
    tpu.enqueue_indirect_dma source(%dma_start3A_785 : memref<50176x128xf32, #tpu.memory_space<hbm>>) target(%dma_start3A_779 : memref<128x128xf32, #tpu.memory_space<vmem>>) offsets(%dma_start3A_782 : memref<128xi32, #tpu.memory_space<vmem>>) semaphore(%arg8 : memref<!tpu.dma_semaphore, #tpu.memory_space<semaphore_mem>>)
    %dma_start3A_786 = arith.constant 2 : i32
    %dma_start3A_787 = arith.constant 256 : i32
    %dma_start3A_788 = arith.constant 0 : i32
    %dma_start3A_789 = tpu.memref_slice %arg7[%dma_start3A_787, %dma_start3A_788] : memref<512x128xf32, #tpu.memory_space<vmem>> -> memref<128x128xf32, #tpu.memory_space<vmem>>
    %dma_start3A_790 = arith.constant 0 : i32
    %dma_start3A_791 = tpu.memref_slice %arg6[%dma_start3A_786, %dma_start3A_790] : memref<4x128xi32, #tpu.memory_space<vmem>> -> memref<1x128xi32, #tpu.memory_space<vmem>>
    %dma_start3A_792 = tpu.memref_squeeze %dma_start3A_791 : memref<1x128xi32, #tpu.memory_space<vmem>> -> memref<128xi32, #tpu.memory_space<vmem>>
    %dma_start3A_793 = arith.constant 0 : i32
    %dma_start3A_794 = arith.constant 0 : i32
    %dma_start3A_795 = tpu.memref_slice %arg3[%dma_start3A_793, %dma_start3A_794] : memref<50176x128xf32, #tpu.memory_space<hbm>> -> memref<50176x128xf32, #tpu.memory_space<hbm>>
    tpu.enqueue_indirect_dma source(%dma_start3A_795 : memref<50176x128xf32, #tpu.memory_space<hbm>>) target(%dma_start3A_789 : memref<128x128xf32, #tpu.memory_space<vmem>>) offsets(%dma_start3A_792 : memref<128xi32, #tpu.memory_space<vmem>>) semaphore(%arg8 : memref<!tpu.dma_semaphore, #tpu.memory_space<semaphore_mem>>)
    %dma_start3A_796 = arith.constant 3 : i32
    %dma_start3A_797 = arith.constant 384 : i32
    %dma_start3A_798 = arith.constant 0 : i32
    %dma_start3A_799 = tpu.memref_slice %arg7[%dma_start3A_797, %dma_start3A_798] : memref<512x128xf32, #tpu.memory_space<vmem>> -> memref<128x128xf32, #tpu.memory_space<vmem>>
    %dma_start3A_800 = arith.constant 0 : i32
    %dma_start3A_801 = tpu.memref_slice %arg6[%dma_start3A_796, %dma_start3A_800] : memref<4x128xi32, #tpu.memory_space<vmem>> -> memref<1x128xi32, #tpu.memory_space<vmem>>
    %dma_start3A_802 = tpu.memref_squeeze %dma_start3A_801 : memref<1x128xi32, #tpu.memory_space<vmem>> -> memref<128xi32, #tpu.memory_space<vmem>>
    %dma_start3A_803 = arith.constant 0 : i32
    %dma_start3A_804 = arith.constant 0 : i32
    %dma_start3A_805 = tpu.memref_slice %arg3[%dma_start3A_803, %dma_start3A_804] : memref<50176x128xf32, #tpu.memory_space<hbm>> -> memref<50176x128xf32, #tpu.memory_space<hbm>>
    tpu.enqueue_indirect_dma source(%dma_start3A_805 : memref<50176x128xf32, #tpu.memory_space<hbm>>) target(%dma_start3A_799 : memref<128x128xf32, #tpu.memory_space<vmem>>) offsets(%dma_start3A_802 : memref<128xi32, #tpu.memory_space<vmem>>) semaphore(%arg8 : memref<!tpu.dma_semaphore, #tpu.memory_space<semaphore_mem>>)
    %dma_wait3A = arith.constant 0 : i32
    %dma_wait3A_806 = arith.constant 0 : i32
    %dma_wait3A_807 = arith.constant 0 : i32
    %dma_wait3A_808 = tpu.memref_slice %arg7[%dma_wait3A_806, %dma_wait3A_807] : memref<512x128xf32, #tpu.memory_space<vmem>> -> memref<128x128xf32, #tpu.memory_space<vmem>>
    %dma_wait3A_809 = arith.constant 0 : i32
    %dma_wait3A_810 = tpu.memref_slice %arg6[%dma_wait3A, %dma_wait3A_809] : memref<4x128xi32, #tpu.memory_space<vmem>> -> memref<1x128xi32, #tpu.memory_space<vmem>>
    %dma_wait3A_811 = tpu.memref_squeeze %dma_wait3A_810 : memref<1x128xi32, #tpu.memory_space<vmem>> -> memref<128xi32, #tpu.memory_space<vmem>>
    %dma_wait3A_812 = arith.constant 0 : i32
    %dma_wait3A_813 = arith.constant 0 : i32
    %dma_wait3A_814 = tpu.memref_slice %arg3[%dma_wait3A_812, %dma_wait3A_813] : memref<50176x128xf32, #tpu.memory_space<hbm>> -> memref<50176x128xf32, #tpu.memory_space<hbm>>
    tpu.wait_indirect_dma semaphore(%arg8 : memref<!tpu.dma_semaphore, #tpu.memory_space<semaphore_mem>>) src(%dma_wait3A_814 : memref<50176x128xf32, #tpu.memory_space<hbm>>) dst(%dma_wait3A_808 : memref<128x128xf32, #tpu.memory_space<vmem>>)
    %add3A_815 = arith.constant 0 : i32
    %add3A_816 = arith.addi %mul3A_2, %add3A_815 : i32
    "tpu.region"() ({
      %run_scoped3A = tpu.sem_alloc : memref<!tpu.dma_semaphore, #tpu.memory_space<semaphore_mem>>
      %dma_start3A_853 = arith.constant 0 : i32
      %dma_start3A_854 = arith.constant 0 : i32
      %dma_start3A_855 = tpu.memref_slice %arg7[%dma_start3A_853, %dma_start3A_854] : memref<512x128xf32, #tpu.memory_space<vmem>> -> memref<128x128xf32, #tpu.memory_space<vmem>>
      %dma_start3A_856 = arith.constant 0 : i32
      %dma_start3A_857 = tpu.memref_slice %arg4[%add3A_816, %dma_start3A_856] : memref<16384x128xf32, #tpu.memory_space<hbm>> -> memref<128x128xf32, #tpu.memory_space<hbm>>
      %dma_start3A_858 = arith.constant 0 : i32
      %dma_start3A_859 = tpu.memref_slice %arg4[%add3A_816, %dma_start3A_858] : memref<16384x128xf32, #tpu.memory_space<hbm>> -> memref<128x128xf32, #tpu.memory_space<hbm>>
      %dma_start3A_860 = arith.constant 0 : i32
      %dma_start3A_861 = arith.constant 0 : i32
      %dma_start3A_862 = tpu.memref_slice %arg7[%dma_start3A_860, %dma_start3A_861] : memref<512x128xf32, #tpu.memory_space<vmem>> -> memref<128x128xf32, #tpu.memory_space<vmem>>
      tpu.enqueue_dma source(%dma_start3A_862 : memref<128x128xf32, #tpu.memory_space<vmem>>) target(%dma_start3A_859 : memref<128x128xf32, #tpu.memory_space<hbm>>) target_semaphore(%run_scoped3A : memref<!tpu.dma_semaphore, #tpu.memory_space<semaphore_mem>>)
      %dma_wait3A_863 = arith.constant 0 : i32
      %dma_wait3A_864 = arith.constant 0 : i32
      %dma_wait3A_865 = tpu.memref_slice %arg7[%dma_wait3A_863, %dma_wait3A_864] : memref<512x128xf32, #tpu.memory_space<vmem>> -> memref<128x128xf32, #tpu.memory_space<vmem>>
      %dma_wait3A_866 = arith.constant 0 : i32
      %dma_wait3A_867 = tpu.memref_slice %arg4[%add3A_816, %dma_wait3A_866] : memref<16384x128xf32, #tpu.memory_space<hbm>> -> memref<128x128xf32, #tpu.memory_space<hbm>>
      %dma_wait3A_868 = arith.constant 0 : i32
      %dma_wait3A_869 = tpu.memref_slice %arg4[%add3A_816, %dma_wait3A_868] : memref<16384x128xf32, #tpu.memory_space<hbm>> -> memref<128x128xf32, #tpu.memory_space<hbm>>
      %dma_wait3A_870 = arith.constant 0 : i32
      %dma_wait3A_871 = arith.constant 0 : i32
      %dma_wait3A_872 = tpu.memref_slice %arg7[%dma_wait3A_870, %dma_wait3A_871] : memref<512x128xf32, #tpu.memory_space<vmem>> -> memref<128x128xf32, #tpu.memory_space<vmem>>
      tpu.wait_dma2 semaphore(%run_scoped3A : memref<!tpu.dma_semaphore, #tpu.memory_space<semaphore_mem>>) src(%dma_wait3A_872 : memref<128x128xf32, #tpu.memory_space<vmem>>) dst(%dma_wait3A_869 : memref<128x128xf32, #tpu.memory_space<hbm>>)
      tpu.yield
    }) : () -> ()
    %dma_wait3A_817 = arith.constant 1 : i32
    %dma_wait3A_818 = arith.constant 128 : i32
    %dma_wait3A_819 = arith.constant 0 : i32
    %dma_wait3A_820 = tpu.memref_slice %arg7[%dma_wait3A_818, %dma_wait3A_819] : memref<512x128xf32, #tpu.memory_space<vmem>> -> memref<128x128xf32, #tpu.memory_space<vmem>>
    %dma_wait3A_821 = arith.constant 0 : i32
    %dma_wait3A_822 = tpu.memref_slice %arg6[%dma_wait3A_817, %dma_wait3A_821] : memref<4x128xi32, #tpu.memory_space<vmem>> -> memref<1x128xi32, #tpu.memory_space<vmem>>
    %dma_wait3A_823 = tpu.memref_squeeze %dma_wait3A_822 : memref<1x128xi32, #tpu.memory_space<vmem>> -> memref<128xi32, #tpu.memory_space<vmem>>
    %dma_wait3A_824 = arith.constant 0 : i32
    %dma_wait3A_825 = arith.constant 0 : i32
    %dma_wait3A_826 = tpu.memref_slice %arg3[%dma_wait3A_824, %dma_wait3A_825] : memref<50176x128xf32, #tpu.memory_space<hbm>> -> memref<50176x128xf32, #tpu.memory_space<hbm>>
    tpu.wait_indirect_dma semaphore(%arg8 : memref<!tpu.dma_semaphore, #tpu.memory_space<semaphore_mem>>) src(%dma_wait3A_826 : memref<50176x128xf32, #tpu.memory_space<hbm>>) dst(%dma_wait3A_820 : memref<128x128xf32, #tpu.memory_space<vmem>>)
    %add3A_827 = arith.constant 128 : i32
    %add3A_828 = arith.addi %mul3A_2, %add3A_827 : i32
    "tpu.region"() ({
      %run_scoped3A = tpu.sem_alloc : memref<!tpu.dma_semaphore, #tpu.memory_space<semaphore_mem>>
      %dma_start3A_853 = arith.constant 128 : i32
      %dma_start3A_854 = arith.constant 0 : i32
      %dma_start3A_855 = tpu.memref_slice %arg7[%dma_start3A_853, %dma_start3A_854] : memref<512x128xf32, #tpu.memory_space<vmem>> -> memref<128x128xf32, #tpu.memory_space<vmem>>
      %dma_start3A_856 = arith.constant 0 : i32
      %dma_start3A_857 = tpu.memref_slice %arg4[%add3A_828, %dma_start3A_856] : memref<16384x128xf32, #tpu.memory_space<hbm>> -> memref<128x128xf32, #tpu.memory_space<hbm>>
      %dma_start3A_858 = arith.constant 0 : i32
      %dma_start3A_859 = tpu.memref_slice %arg4[%add3A_828, %dma_start3A_858] : memref<16384x128xf32, #tpu.memory_space<hbm>> -> memref<128x128xf32, #tpu.memory_space<hbm>>
      %dma_start3A_860 = arith.constant 128 : i32
      %dma_start3A_861 = arith.constant 0 : i32
      %dma_start3A_862 = tpu.memref_slice %arg7[%dma_start3A_860, %dma_start3A_861] : memref<512x128xf32, #tpu.memory_space<vmem>> -> memref<128x128xf32, #tpu.memory_space<vmem>>
      tpu.enqueue_dma source(%dma_start3A_862 : memref<128x128xf32, #tpu.memory_space<vmem>>) target(%dma_start3A_859 : memref<128x128xf32, #tpu.memory_space<hbm>>) target_semaphore(%run_scoped3A : memref<!tpu.dma_semaphore, #tpu.memory_space<semaphore_mem>>)
      %dma_wait3A_863 = arith.constant 128 : i32
      %dma_wait3A_864 = arith.constant 0 : i32
      %dma_wait3A_865 = tpu.memref_slice %arg7[%dma_wait3A_863, %dma_wait3A_864] : memref<512x128xf32, #tpu.memory_space<vmem>> -> memref<128x128xf32, #tpu.memory_space<vmem>>
      %dma_wait3A_866 = arith.constant 0 : i32
      %dma_wait3A_867 = tpu.memref_slice %arg4[%add3A_828, %dma_wait3A_866] : memref<16384x128xf32, #tpu.memory_space<hbm>> -> memref<128x128xf32, #tpu.memory_space<hbm>>
      %dma_wait3A_868 = arith.constant 0 : i32
      %dma_wait3A_869 = tpu.memref_slice %arg4[%add3A_828, %dma_wait3A_868] : memref<16384x128xf32, #tpu.memory_space<hbm>> -> memref<128x128xf32, #tpu.memory_space<hbm>>
      %dma_wait3A_870 = arith.constant 128 : i32
      %dma_wait3A_871 = arith.constant 0 : i32
      %dma_wait3A_872 = tpu.memref_slice %arg7[%dma_wait3A_870, %dma_wait3A_871] : memref<512x128xf32, #tpu.memory_space<vmem>> -> memref<128x128xf32, #tpu.memory_space<vmem>>
      tpu.wait_dma2 semaphore(%run_scoped3A : memref<!tpu.dma_semaphore, #tpu.memory_space<semaphore_mem>>) src(%dma_wait3A_872 : memref<128x128xf32, #tpu.memory_space<vmem>>) dst(%dma_wait3A_869 : memref<128x128xf32, #tpu.memory_space<hbm>>)
      tpu.yield
    }) : () -> ()
    %dma_wait3A_829 = arith.constant 2 : i32
    %dma_wait3A_830 = arith.constant 256 : i32
    %dma_wait3A_831 = arith.constant 0 : i32
    %dma_wait3A_832 = tpu.memref_slice %arg7[%dma_wait3A_830, %dma_wait3A_831] : memref<512x128xf32, #tpu.memory_space<vmem>> -> memref<128x128xf32, #tpu.memory_space<vmem>>
    %dma_wait3A_833 = arith.constant 0 : i32
    %dma_wait3A_834 = tpu.memref_slice %arg6[%dma_wait3A_829, %dma_wait3A_833] : memref<4x128xi32, #tpu.memory_space<vmem>> -> memref<1x128xi32, #tpu.memory_space<vmem>>
    %dma_wait3A_835 = tpu.memref_squeeze %dma_wait3A_834 : memref<1x128xi32, #tpu.memory_space<vmem>> -> memref<128xi32, #tpu.memory_space<vmem>>
    %dma_wait3A_836 = arith.constant 0 : i32
    %dma_wait3A_837 = arith.constant 0 : i32
    %dma_wait3A_838 = tpu.memref_slice %arg3[%dma_wait3A_836, %dma_wait3A_837] : memref<50176x128xf32, #tpu.memory_space<hbm>> -> memref<50176x128xf32, #tpu.memory_space<hbm>>
    tpu.wait_indirect_dma semaphore(%arg8 : memref<!tpu.dma_semaphore, #tpu.memory_space<semaphore_mem>>) src(%dma_wait3A_838 : memref<50176x128xf32, #tpu.memory_space<hbm>>) dst(%dma_wait3A_832 : memref<128x128xf32, #tpu.memory_space<vmem>>)
    %add3A_839 = arith.constant 256 : i32
    %add3A_840 = arith.addi %mul3A_2, %add3A_839 : i32
    "tpu.region"() ({
      %run_scoped3A = tpu.sem_alloc : memref<!tpu.dma_semaphore, #tpu.memory_space<semaphore_mem>>
      %dma_start3A_853 = arith.constant 256 : i32
      %dma_start3A_854 = arith.constant 0 : i32
      %dma_start3A_855 = tpu.memref_slice %arg7[%dma_start3A_853, %dma_start3A_854] : memref<512x128xf32, #tpu.memory_space<vmem>> -> memref<128x128xf32, #tpu.memory_space<vmem>>
      %dma_start3A_856 = arith.constant 0 : i32
      %dma_start3A_857 = tpu.memref_slice %arg4[%add3A_840, %dma_start3A_856] : memref<16384x128xf32, #tpu.memory_space<hbm>> -> memref<128x128xf32, #tpu.memory_space<hbm>>
      %dma_start3A_858 = arith.constant 0 : i32
      %dma_start3A_859 = tpu.memref_slice %arg4[%add3A_840, %dma_start3A_858] : memref<16384x128xf32, #tpu.memory_space<hbm>> -> memref<128x128xf32, #tpu.memory_space<hbm>>
      %dma_start3A_860 = arith.constant 256 : i32
      %dma_start3A_861 = arith.constant 0 : i32
      %dma_start3A_862 = tpu.memref_slice %arg7[%dma_start3A_860, %dma_start3A_861] : memref<512x128xf32, #tpu.memory_space<vmem>> -> memref<128x128xf32, #tpu.memory_space<vmem>>
      tpu.enqueue_dma source(%dma_start3A_862 : memref<128x128xf32, #tpu.memory_space<vmem>>) target(%dma_start3A_859 : memref<128x128xf32, #tpu.memory_space<hbm>>) target_semaphore(%run_scoped3A : memref<!tpu.dma_semaphore, #tpu.memory_space<semaphore_mem>>)
      %dma_wait3A_863 = arith.constant 256 : i32
      %dma_wait3A_864 = arith.constant 0 : i32
      %dma_wait3A_865 = tpu.memref_slice %arg7[%dma_wait3A_863, %dma_wait3A_864] : memref<512x128xf32, #tpu.memory_space<vmem>> -> memref<128x128xf32, #tpu.memory_space<vmem>>
      %dma_wait3A_866 = arith.constant 0 : i32
      %dma_wait3A_867 = tpu.memref_slice %arg4[%add3A_840, %dma_wait3A_866] : memref<16384x128xf32, #tpu.memory_space<hbm>> -> memref<128x128xf32, #tpu.memory_space<hbm>>
      %dma_wait3A_868 = arith.constant 0 : i32
      %dma_wait3A_869 = tpu.memref_slice %arg4[%add3A_840, %dma_wait3A_868] : memref<16384x128xf32, #tpu.memory_space<hbm>> -> memref<128x128xf32, #tpu.memory_space<hbm>>
      %dma_wait3A_870 = arith.constant 256 : i32
      %dma_wait3A_871 = arith.constant 0 : i32
      %dma_wait3A_872 = tpu.memref_slice %arg7[%dma_wait3A_870, %dma_wait3A_871] : memref<512x128xf32, #tpu.memory_space<vmem>> -> memref<128x128xf32, #tpu.memory_space<vmem>>
      tpu.wait_dma2 semaphore(%run_scoped3A : memref<!tpu.dma_semaphore, #tpu.memory_space<semaphore_mem>>) src(%dma_wait3A_872 : memref<128x128xf32, #tpu.memory_space<vmem>>) dst(%dma_wait3A_869 : memref<128x128xf32, #tpu.memory_space<hbm>>)
      tpu.yield
    }) : () -> ()
    %dma_wait3A_841 = arith.constant 3 : i32
    %dma_wait3A_842 = arith.constant 384 : i32
    %dma_wait3A_843 = arith.constant 0 : i32
    %dma_wait3A_844 = tpu.memref_slice %arg7[%dma_wait3A_842, %dma_wait3A_843] : memref<512x128xf32, #tpu.memory_space<vmem>> -> memref<128x128xf32, #tpu.memory_space<vmem>>
    %dma_wait3A_845 = arith.constant 0 : i32
    %dma_wait3A_846 = tpu.memref_slice %arg6[%dma_wait3A_841, %dma_wait3A_845] : memref<4x128xi32, #tpu.memory_space<vmem>> -> memref<1x128xi32, #tpu.memory_space<vmem>>
    %dma_wait3A_847 = tpu.memref_squeeze %dma_wait3A_846 : memref<1x128xi32, #tpu.memory_space<vmem>> -> memref<128xi32, #tpu.memory_space<vmem>>
    %dma_wait3A_848 = arith.constant 0 : i32
    %dma_wait3A_849 = arith.constant 0 : i32
    %dma_wait3A_850 = tpu.memref_slice %arg3[%dma_wait3A_848, %dma_wait3A_849] : memref<50176x128xf32, #tpu.memory_space<hbm>> -> memref<50176x128xf32, #tpu.memory_space<hbm>>
    tpu.wait_indirect_dma semaphore(%arg8 : memref<!tpu.dma_semaphore, #tpu.memory_space<semaphore_mem>>) src(%dma_wait3A_850 : memref<50176x128xf32, #tpu.memory_space<hbm>>) dst(%dma_wait3A_844 : memref<128x128xf32, #tpu.memory_space<vmem>>)
    %add3A_851 = arith.constant 384 : i32
    %add3A_852 = arith.addi %mul3A_2, %add3A_851 : i32
    "tpu.region"() ({
      %run_scoped3A = tpu.sem_alloc : memref<!tpu.dma_semaphore, #tpu.memory_space<semaphore_mem>>
      %dma_start3A_853 = arith.constant 384 : i32
      %dma_start3A_854 = arith.constant 0 : i32
      %dma_start3A_855 = tpu.memref_slice %arg7[%dma_start3A_853, %dma_start3A_854] : memref<512x128xf32, #tpu.memory_space<vmem>> -> memref<128x128xf32, #tpu.memory_space<vmem>>
      %dma_start3A_856 = arith.constant 0 : i32
      %dma_start3A_857 = tpu.memref_slice %arg4[%add3A_852, %dma_start3A_856] : memref<16384x128xf32, #tpu.memory_space<hbm>> -> memref<128x128xf32, #tpu.memory_space<hbm>>
      %dma_start3A_858 = arith.constant 0 : i32
      %dma_start3A_859 = tpu.memref_slice %arg4[%add3A_852, %dma_start3A_858] : memref<16384x128xf32, #tpu.memory_space<hbm>> -> memref<128x128xf32, #tpu.memory_space<hbm>>
      %dma_start3A_860 = arith.constant 384 : i32
      %dma_start3A_861 = arith.constant 0 : i32
      %dma_start3A_862 = tpu.memref_slice %arg7[%dma_start3A_860, %dma_start3A_861] : memref<512x128xf32, #tpu.memory_space<vmem>> -> memref<128x128xf32, #tpu.memory_space<vmem>>
      tpu.enqueue_dma source(%dma_start3A_862 : memref<128x128xf32, #tpu.memory_space<vmem>>) target(%dma_start3A_859 : memref<128x128xf32, #tpu.memory_space<hbm>>) target_semaphore(%run_scoped3A : memref<!tpu.dma_semaphore, #tpu.memory_space<semaphore_mem>>)
      %dma_wait3A_863 = arith.constant 384 : i32
      %dma_wait3A_864 = arith.constant 0 : i32
      %dma_wait3A_865 = tpu.memref_slice %arg7[%dma_wait3A_863, %dma_wait3A_864] : memref<512x128xf32, #tpu.memory_space<vmem>> -> memref<128x128xf32, #tpu.memory_space<vmem>>
      %dma_wait3A_866 = arith.constant 0 : i32
      %dma_wait3A_867 = tpu.memref_slice %arg4[%add3A_852, %dma_wait3A_866] : memref<16384x128xf32, #tpu.memory_space<hbm>> -> memref<128x128xf32, #tpu.memory_space<hbm>>
      %dma_wait3A_868 = arith.constant 0 : i32
      %dma_wait3A_869 = tpu.memref_slice %arg4[%add3A_852, %dma_wait3A_868] : memref<16384x128xf32, #tpu.memory_space<hbm>> -> memref<128x128xf32, #tpu.memory_space<hbm>>
      %dma_wait3A_870 = arith.constant 384 : i32
      %dma_wait3A_871 = arith.constant 0 : i32
      %dma_wait3A_872 = tpu.memref_slice %arg7[%dma_wait3A_870, %dma_wait3A_871] : memref<512x128xf32, #tpu.memory_space<vmem>> -> memref<128x128xf32, #tpu.memory_space<vmem>>
      tpu.wait_dma2 semaphore(%run_scoped3A : memref<!tpu.dma_semaphore, #tpu.memory_space<semaphore_mem>>) src(%dma_wait3A_872 : memref<128x128xf32, #tpu.memory_space<vmem>>) dst(%dma_wait3A_869 : memref<128x128xf32, #tpu.memory_space<hbm>>)
      tpu.yield
    }) : () -> ()
    return
  }
}

module attributes {stable_mosaic.version = 14 : i64} {
  func.func @_tc_loss(%arg0: i32, %arg1: memref<2048x64xf32, #tpu.memory_space<vmem>>, %arg2: memref<2048x128xf32, #tpu.memory_space<vmem>>, %arg3: memref<2048x8xf32, #tpu.memory_space<vmem>>, %arg4: memref<1x1xf32, #tpu.memory_space<vmem>>) attributes {dimension_semantics = [#tpu.dimension_semantics<arbitrary>], iteration_bounds = array<i64: 8>, scalar_prefetch = 0 : i64, scratch_operands = 0 : i64, tpu.core_type = #tpu.core_type<tc>, window_params = [{transform_indices = @transform_0, window_bounds = array<i64: 2048, 64>}, {transform_indices = @transform_1, window_bounds = array<i64: 2048, 128>}, {pipeline_mode = #tpu.pipeline_mode<synchronous>, transform_indices = @transform_2, window_bounds = array<i64: 2048, 8>}, {pipeline_mode = #tpu.pipeline_mode<synchronous>, transform_indices = @transform_3, window_bounds = array<i64: 1, 1>}]} {
    %eq3A = arith.constant 0 : i32
    %eq3A_0 = arith.cmpi eq, %arg0, %eq3A : i32
    %convert_element_type3A = arith.extui %eq3A_0 : i1 to i32
    %cond3A = arith.constant 0 : i32
    %cond3A_1 = arith.cmpi ne, %convert_element_type3A, %cond3A : i32
    scf.if %cond3A_1 {
      %broadcast_in_dim3A_38 = arith.constant 0.000000e+00 : f32
      %broadcast_in_dim3A_39 = vector.broadcast %broadcast_in_dim3A_38 : f32 to vector<1x1xf32>
      %swap3A_40 = arith.constant 0 : index
      %swap3A_41 = arith.constant 0 : index
      %swap3A_42 = vector.load %arg4[%swap3A_40, %swap3A_41] : memref<1x1xf32, #tpu.memory_space<vmem>>, vector<1x1xf32>
      tpu.vector_store %arg4[%swap3A_40, %swap3A_41], %broadcast_in_dim3A_39 {strides = array<i32>} : memref<1x1xf32, #tpu.memory_space<vmem>>, vector<1x1xf32>,
    } else {
    }
    %get3A = arith.constant 0 : index
    %get3A_2 = arith.constant 0 : index
    %get3A_3 = vector.load %arg1[%get3A, %get3A_2] : memref<2048x64xf32, #tpu.memory_space<vmem>>, vector<2048x64xf32>
    %get3A_4 = arith.constant 0 : index
    %get3A_5 = arith.constant 0 : index
    %get3A_6 = vector.load %arg2[%get3A_4, %get3A_5] : memref<2048x128xf32, #tpu.memory_space<vmem>>, vector<2048x128xf32>
    %get3A_7 = arith.constant 0 : index
    %get3A_8 = arith.constant 0 : index
    %get3A_9 = vector.load %arg3[%get3A_7, %get3A_8] : memref<2048x8xf32, #tpu.memory_space<vmem>>, vector<2048x8xf32>
    %iota3A = tpu.iota {dimensions = array<i32: 1>} : vector<2048x8xi32>
    %eq3A_10 = vector.broadcast %arg0 : i32 to vector<2048x8xi32>
    %eq3A_11 = arith.cmpi eq, %iota3A, %eq3A_10 : vector<2048x8xi32>
    %jit3A = arith.constant 0.000000e+00 : f32
    %broadcast_in_dim3A = vector.broadcast %jit3A : f32 to vector<2048x8xf32>
    %select_n3A = arith.select %eq3A_11, %get3A_9, %broadcast_in_dim3A : vector<2048x8xi1>, vector<2048x8xf32>
    %reduce_sum3A = arith.constant dense<0.000000e+00> : vector<2048xf32>
    %reduce_sum3A_12 = vector.multi_reduction <add>, %select_n3A, %reduce_sum3A [1] : vector<2048x8xf32> to vector<2048xf32>
    %broadcast_in_dim3A_13 = vector.shape_cast %reduce_sum3A_12 : vector<2048xf32> to vector<2048x1xf32>
    %slice3A = vector.extract_strided_slice %get3A_6 {offsets = [0, 0], sizes = [2048, 64], strides = [1, 1]} : vector<2048x128xf32> to vector<2048x64xf32>
    %sub3A = arith.subf %get3A_3, %slice3A : vector<2048x64xf32>
    %slice3A_14 = vector.extract_strided_slice %get3A_6 {offsets = [0, 64], sizes = [2048, 64], strides = [1, 1]} : vector<2048x128xf32> to vector<2048x64xf32>
    %sub3A_15 = arith.subf %get3A_3, %slice3A_14 : vector<2048x64xf32>
    %mul3A = arith.mulf %sub3A, %sub3A : vector<2048x64xf32>
    %reduce_sum3A_16 = arith.constant dense<0.000000e+00> : vector<2048xf32>
    %reduce_sum3A_17 = vector.multi_reduction <add>, %mul3A, %reduce_sum3A_16 [1] : vector<2048x64xf32> to vector<2048xf32>
    %broadcast_in_dim3A_18 = vector.shape_cast %reduce_sum3A_17 : vector<2048xf32> to vector<2048x1xf32>
    %mul3A_19 = arith.mulf %sub3A_15, %sub3A_15 : vector<2048x64xf32>
    %reduce_sum3A_20 = arith.constant dense<0.000000e+00> : vector<2048xf32>
    %reduce_sum3A_21 = vector.multi_reduction <add>, %mul3A_19, %reduce_sum3A_20 [1] : vector<2048x64xf32> to vector<2048xf32>
    %broadcast_in_dim3A_22 = vector.shape_cast %reduce_sum3A_21 : vector<2048xf32> to vector<2048x1xf32>
    %lt3A = arith.constant 0.000000e+00 : f32
    %lt3A_23 = vector.broadcast %lt3A : f32 to vector<2048x1xf32>
    %lt3A_24 = arith.cmpf olt, %broadcast_in_dim3A_13, %lt3A_23 : vector<2048x1xf32>
    %select_n3A_25 = arith.select %lt3A_24, %broadcast_in_dim3A_22, %broadcast_in_dim3A_18 : vector<2048x1xi1>, vector<2048x1xf32>
    %get3A_26 = arith.constant 0 : index
    %get3A_27 = arith.constant 0 : index
    %get3A_28 = vector.load %arg4[%get3A_26, %get3A_27] : memref<1x1xf32, #tpu.memory_space<vmem>>, vector<1x1xf32>
    %abs3A = math.absf %broadcast_in_dim3A_13 : vector<2048x1xf32>
    %div3A = arith.divf %select_n3A_25, %abs3A : vector<2048x1xf32>
    %sqrt3A = math.sqrt %div3A : vector<2048x1xf32>
    %reduce_sum3A_29 = vector.shape_cast %sqrt3A : vector<2048x1xf32> to vector<1x2048x1xf32>
    %reduce_sum3A_30 = arith.constant dense<0.000000e+00> : vector<1xf32>
    %reduce_sum3A_31 = vector.multi_reduction <add>, %reduce_sum3A_29, %reduce_sum3A_30 [1, 2] : vector<1x2048x1xf32> to vector<1xf32>
    %reduce_sum3A_32 = vector.shape_cast %reduce_sum3A_31 : vector<1xf32> to vector<1x1x1xf32>
    %reduce_sum3A_33 = vector.extract %reduce_sum3A_32[0, 0, 0] : f32 from vector<1x1x1xf32>
    %mul3A_34 = arith.constant 6.10351563E-5 : f32
    %mul3A_35 = arith.mulf %reduce_sum3A_33, %mul3A_34 : f32
    %reshape3A = vector.broadcast %mul3A_35 : f32 to vector<1x1xf32>
    %add3A = arith.addf %get3A_28, %reshape3A : vector<1x1xf32>
    %swap3A = arith.constant 0 : index
    %swap3A_36 = arith.constant 0 : index
    %swap3A_37 = vector.load %arg4[%swap3A, %swap3A_36] : memref<1x1xf32, #tpu.memory_space<vmem>>, vector<1x1xf32>
    tpu.vector_store %arg4[%swap3A, %swap3A_36], %add3A {strides = array<i32>} : memref<1x1xf32, #tpu.memory_space<vmem>>, vector<1x1xf32>,
    return
  }
  func.func @transform_0(%arg0: i32) -> (i32, i32) {
    %c0_i32 = arith.constant 0 : i32
    %c0_i32_0 = arith.constant 0 : i32
    return %arg0, %c0_i32 : i32, i32
  }
  func.func @transform_1(%arg0: i32) -> (i32, i32) {
    %c0_i32 = arith.constant 0 : i32
    %c0_i32_0 = arith.constant 0 : i32
    return %arg0, %c0_i32 : i32, i32
  }
  func.func @transform_2(%arg0: i32) -> (i32, i32) {
    %c0_i32 = arith.constant 0 : i32
    %c0_i32_0 = arith.constant 0 : i32
    %c0_i32_1 = arith.constant 0 : i32
    return %c0_i32, %c0_i32_0 : i32, i32
  }
  func.func @transform_3(%arg0: i32) -> (i32, i32) {
    %c0_i32 = arith.constant 0 : i32
    %c0_i32_0 = arith.constant 0 : i32
    %c0_i32_1 = arith.constant 0 : i32
    return %c0_i32, %c0_i32_0 : i32, i32
  }
}

module attributes {stable_mosaic.version = 14 : i64} {
  func.func @_tc_repack(%arg0: i32, %arg1: memref<64x12544xf32, #tpu.memory_space<vmem>>, %arg2: memref<64x12544xf32, #tpu.memory_space<vmem>>, %arg3: memref<12544x128xf32, #tpu.memory_space<vmem>>) attributes {dimension_semantics = [#tpu.dimension_semantics<arbitrary>], iteration_bounds = array<i64: 4>, scalar_prefetch = 0 : i64, scratch_operands = 0 : i64, tpu.core_type = #tpu.core_type<tc>, window_params = [{transform_indices = @transform_0, window_bounds = array<i64: 64, 12544>}, {transform_indices = @transform_1, window_bounds = array<i64: 64, 12544>}, {transform_indices = @transform_2, window_bounds = array<i64: 12544, 128>}]} {
    %get3A = arith.constant 0 : index
    %get3A_0 = arith.constant 0 : index
    %get3A_1 = vector.load %arg1[%get3A, %get3A_0] : memref<64x12544xf32, #tpu.memory_space<vmem>>, vector<64x12544xf32>
    %transpose3A = tpu.transpose %get3A_1, [1, 0] : vector<64x12544xf32> -> vector<12544x64xf32>
    %swap3A = arith.constant 0 : index
    %swap3A_2 = arith.constant 0 : index
    %swap3A_3 = vector.load %arg3[%swap3A, %swap3A_2] : memref<12544x128xf32, #tpu.memory_space<vmem>>, vector<12544x64xf32>
    tpu.vector_store %arg3[%swap3A, %swap3A_2], %transpose3A {strides = array<i32>} : memref<12544x128xf32, #tpu.memory_space<vmem>>, vector<12544x64xf32>,
    %get3A_4 = arith.constant 0 : index
    %get3A_5 = arith.constant 0 : index
    %get3A_6 = vector.load %arg2[%get3A_4, %get3A_5] : memref<64x12544xf32, #tpu.memory_space<vmem>>, vector<64x12544xf32>
    %transpose3A_7 = tpu.transpose %get3A_6, [1, 0] : vector<64x12544xf32> -> vector<12544x64xf32>
    %swap3A_8 = arith.constant 0 : index
    %swap3A_9 = arith.constant 64 : index
    %swap3A_10 = vector.load %arg3[%swap3A_8, %swap3A_9] : memref<12544x128xf32, #tpu.memory_space<vmem>>, vector<12544x64xf32>
    tpu.vector_store %arg3[%swap3A_8, %swap3A_9], %transpose3A_7 {strides = array<i32>} : memref<12544x128xf32, #tpu.memory_space<vmem>>, vector<12544x64xf32>,
    return
  }
  func.func @transform_0(%arg0: i32) -> (i32, i32) {
    %c0_i32 = arith.constant 0 : i32
    %c0_i32_0 = arith.constant 0 : i32
    return %c0_i32, %arg0 : i32, i32
  }
  func.func @transform_1(%arg0: i32) -> (i32, i32) {
    %add3A = arith.constant 4 : i32
    %add3A_0 = arith.addi %arg0, %add3A : i32
    %c0_i32 = arith.constant 0 : i32
    %c0_i32_1 = arith.constant 0 : i32
    return %c0_i32, %add3A_0 : i32, i32
  }
  func.func @transform_2(%arg0: i32) -> (i32, i32) {
    %c0_i32 = arith.constant 0 : i32
    %c0_i32_0 = arith.constant 0 : i32
    return %arg0, %c0_i32 : i32, i32
  }
}

</mosaic_0001>

<sc_bundles>
// kernel: kernel.6.cloned.1.call-start
scs
__scs_entry_jumppad:
0x0: {  	(pc) =	sbr.rel $0x88, $3  }
0x1: {  	(tag) =	ssettag $0x0;
	lr =	simm.s32 $0x1  }
0x2: {  	[smem:$0x3F9E] =	sst lr;
	_ =	strace $0xD0000000  }
0x3: {  	_ = 	snop  }
0x4: {  	_ = 	snop  }
0x5: {  	_ = 	snop  }
0x6: {  	_ = 	snop  }
0x7: {  	_ = 	snop  }
__scs_overlays_trampoline_lowered:
0x8: {  	[smem:$0x3FAD] =	sst s0  }
0x9: {  	[smem:$0x3FAE] =	sst s1  }
0xa: {  	[smem:$0x3FAF] =	sst s2  }
0xb: {  	[smem:$0x3FB0] =	sst s3  }
0xc: {  	[smem:$0x3FB1] =	sst s4  }
0xd: {  	[smem:$0x3FB2] =	sst s5  }
0xe: {  	[smem:$0x3FB3] =	sst s6  }
0xf: {  	[smem:$0x3FB4] =	sst s7  }
0x10: {  	[smem:$0x3FB5] =	sst s8  }
0x11: {  	[smem:$0x3FB6] =	sst s9;
	s0 =	simm.s32 @!p0 $0x0  }
0x12: {  	s1 =	sld [smem:$0x3F9C];
	s0 =	simm.s32 @p0 $0x1  }
0x13: {  	[smem:$0x3FB7] =	sst s0;
	s0 =	simm.s32 @!p1 $0x0  }
0x14: {  	s2 =	sld [smem:$0x3F9B];
	s0 =	simm.s32 @p1 $0x1  }
0x15: {  	[smem:$0x3FB8] =	sst s0;
	s0 =	simm.s32 @!p2 $0x0  }
0x16: {  	s3 =	sld [smem:$0x3FDB];
	s0 =	simm.s32 @p2 $0x1  }
0x17: {  	s4 =	simm.s32 $0x1BF5;
	[smem:$0x3FBA] =	sst s0  }
0x18: {  	s0 =	sld [smem:$0x3F9D];
	_ =	swait.ge [sflag:s4], $0x0  }
0x19: {  	s7 =	sld [smem:$0x3F9E]  }
0x1a: {  	s8 =	sadd.s32 $0xFFFFE003, lr  }
0x1b: {  	s9 =	sadd.s32 $0xFFFFFEF7, lr;
	s5 =	simm.s32 $0xFFFFFFFF;
	p2 =	slt.u32 s8, $0xFFFFF086  }
0x1c: {  	p1 =	slt.u32 s9, $0xF7A;
	s5 =	simm.s32 @!p2 $0x0  }
0x1d: {  	s5 =	simm.s32 @p1 $0x1;
	p0 =	seq.s32 s7, s2  }
0x1e: {  	s7 =	smul.u32 @!p0 $0xF7A, s2;
	p2 =	seq.s32 @!p0 s5, $0x0  }
0x1f: {  	s9 =	smul.u32 $0xF7A, s1;
	s8 =	simm.s32 @!p0 $0x1BF5;
	p2 =	por !p2, p0  }
0x20: {  	[sflag:s8] =	ssyncset.s32 @!p0 $0xFFFFF086;
	s6 =	sadd.s32 @!p0 s3, s7;
	s7 =	simm.s32 @!p0 $0x108  }
0x21: {  	s3 =	sadd.s32 s3, s9;
	s6 =	sadd.s32 @!p0 $0x88, s6;
	s7 =	simm.s32 @p2 $0x1082  }
0x22: {  	[simem:s7], [sflag:s8] =	dma.local @!p0 [hbm:s6], $0xF7A  }
0x23: {  	s9 =	sor.u32 $0xD0000000, s2;
	s6 =	simm.s32 $0x108;
	_ =	swait.ge @!p0 [sflag:s8], $0x0  }
0x24: {  	s3 =	sadd.s32 $0x88, s3;
	s6 =	simm.s32 @!p1 $0x1082;
	[sflag:s4] =	ssyncset.s32 $0xFFFFF086  }
0x25: {  	[simem:s6], [sflag:s4] =	dma.local [hbm:s3], $0xF7A  }
0x26: {  	[smem:$0x3F9E] =	sst s1;
	(tag) =	ssettag s2;
	_ =	strace s9  }
0x27: {  	s1 =	sld [smem:$0x3FAE]  }
0x28: {  	s2 =	sld [smem:$0x3FAF]  }
0x29: {  	s4 =	sld [smem:$0x3FB1]  }
0x2a: {  	p0 =	seq.s32 s5, $0x0;
	s5 =	sld [smem:$0x3FB2]  }
0x2b: {  	s6 =	sld [smem:$0x3FB3]  }
0x2c: {  	s7 =	sld [smem:$0x3FB4]  }
0x2d: {  	s3 =	simm.s32 $0x108;
	s8 =	sld [smem:$0x3FB5]  }
0x2e: {  	s3 =	simm.s32 @!p0 $0x1082;
	s9 =	sld [smem:$0x3FB6]  }
0x2f: {  	lr =	sadd.s32 s0, s3;
	s0 =	sld [smem:$0x3FAD]  }
0x30: {  	s3 =	sld [smem:$0x3FB0]  }
0x31: {  	[smem:$0x3FB9] =	sst s10  }
0x32: {  	s10 =	sld [smem:$0x3FB7];
	_ =	sdelay $0x3  }
0x33: {  	p0 =	seq.s32 s10, $0x1;
	s10 =	sld [smem:$0x3FB9];
	_ =	sdelay $0x3  }
0x34: {  	[smem:$0x3FB9] =	sst s10  }
0x35: {  	s10 =	sld [smem:$0x3FB8];
	_ =	sdelay $0x3  }
0x36: {  	p1 =	seq.s32 s10, $0x1;
	s10 =	sld [smem:$0x3FB9];
	_ =	sdelay $0x3  }
0x37: {  	[smem:$0x3FB9] =	sst s10  }
0x38: {  	s10 =	sld [smem:$0x3FBA]  }
0x39: {  	_ = 	snop;
	(pc) =	sbr.ind lr, $3  }
0x3a: {  	_ = 	snop  }
0x3b: {  	_ = 	snop  }
0x3c: {  	p2 =	seq.s32 s10, $0x1;
	s10 =	sld [smem:$0x3FB9]  }
0x3d: {  	_ =	shalt  }
0x3e: {  	_ =	shalt  }
0x3f: {  	_ =	shalt  }
0x40: {  	_ =	shalt  }
0x41: {  	_ =	shalt  }
0x42: {  	_ =	shalt  }
0x43: {  	_ =	shalt  }
0x44: {  	_ =	shalt  }
0x45: {  	_ =	shalt  }
0x46: {  	_ =	shalt  }
0x47: {  	_ =	shalt  }
0x48: {  	_ =	shalt  }
0x49: {  	_ =	shalt  }
0x4a: {  	_ =	shalt  }
0x4b: {  	_ =	shalt  }
0x4c: {  	_ =	shalt  }
0x4d: {  	_ =	shalt  }
0x4e: {  	_ =	shalt  }
0x4f: {  	_ =	shalt  }
0x50: {  	_ =	shalt  }
0x51: {  	_ =	shalt  }
0x52: {  	_ =	shalt  }
0x53: {  	_ =	shalt  }
0x54: {  	_ =	shalt  }
0x55: {  	_ =	shalt  }
0x56: {  	_ =	shalt  }
0x57: {  	_ =	shalt  }
0x58: {  	_ =	shalt  }
0x59: {  	_ =	shalt  }
0x5a: {  	_ =	shalt  }
0x5b: {  	_ =	shalt  }
0x5c: {  	_ =	shalt  }
0x5d: {  	_ =	shalt  }
0x5e: {  	_ =	shalt  }
0x5f: {  	_ =	shalt  }
0x60: {  	_ =	shalt  }
0x61: {  	_ =	shalt  }
0x62: {  	_ =	shalt  }
0x63: {  	_ =	shalt  }
0x64: {  	_ =	shalt  }
0x65: {  	_ =	shalt  }
0x66: {  	_ =	shalt  }
0x67: {  	_ =	shalt  }
0x68: {  	_ =	shalt  }
0x69: {  	_ =	shalt  }
0x6a: {  	_ =	shalt  }
0x6b: {  	_ =	shalt  }
0x6c: {  	_ =	shalt  }
0x6d: {  	_ =	shalt  }
0x6e: {  	_ =	shalt  }
0x6f: {  	_ =	shalt  }
0x70: {  	_ =	shalt  }
0x71: {  	_ =	shalt  }
0x72: {  	_ =	shalt  }
0x73: {  	_ =	shalt  }
0x74: {  	_ =	shalt  }
0x75: {  	_ =	shalt  }
0x76: {  	_ =	shalt  }
0x77: {  	_ =	shalt  }
0x78: {  	_ =	shalt  }
0x79: {  	_ =	shalt  }
0x7a: {  	_ =	shalt  }
0x7b: {  	_ =	shalt  }
0x7c: {  	_ =	shalt  }
0x7d: {  	_ =	shalt  }
0x7e: {  	_ =	shalt  }
0x7f: {  	_ =	shalt  }
0x80: {  	_ =	shalt  }
0x81: {  	_ =	shalt  }
0x82: {  	_ =	shalt  }
0x83: {  	_ =	shalt  }
0x84: {  	_ =	shalt  }
0x85: {  	_ =	shalt  }
0x86: {  	_ =	shalt  }
0x87: {  	_ =	shalt  }
.Lfunc_end0:
.L_simem_size_0:
called_computation_lowered:
.L_overlay_start_0:
0x88: {  	s2 =	sld [smem:$0x3FD9]  }
0x89: {  	s3 =	sld [smem:$0x3FFE];
	_ =	sdelay $0x1  }
0x8a: {  	s1 =	srdreg.scid  }
0x8b: {  	s0 =	sand.u32 $0x1, s1  }
0x8c: {  	s17 =	sshll.u32 s0, $0xA;
	s2 =	sadd.s32 s3, s2  }
0x8d: {  	s2 =	sadd.s32 s2, s17  }
0x8e: {  	[smem:$0x3FC5] =	sst s2  }
0x8f: {  	_ = 	snop  }
0x90: {  	s2 =	sld [smem:$0x3FC8];
	(tm) =	ssettm $0x1  }
0x91: {  	s18 =	sld [smem:$0x3FFB];
	_ =	sdelay $0x3  }
0x92: {  	_ =	strace s18  }
0x93: {  	s3 =	sld [smem:$0x3FFC];
	_ =	sdelay $0x3  }
0x94: {  	_ =	strace s3  }
0x95: {  	s3 =	sld [smem:$0x3FFD];
	_ =	sdelay $0x3  }
0x96: {  	_ =	strace s3  }
0x97: {  	_ =	strace $0x8FFFFFFF  }
0x98: {  	s19 =	sld [smem:$0x3FDB];
	_ =	sdelay $0x1  }
0x99: {  	s4 =	simm.s32 $_scs_section_size  }
0x9a: {  	s5 =	simm.s32 $_size__tile_overlayer_lowered;
	s6 =	simm.s32 $_tile_overlayer_lowered  }
0x9b: {  	s22 =	simm.s32 $0x1BFF;
	s21 =	sshll.u32 s6, $0x1;
	s3 =	sadd.s32 s4, s19  }
0x9c: {  	s7 =	simm.s32 $0x0;
	s20 =	sshll.u32 s5, $0x1;
	s5 =	sadd.s32 s21, s3  }
0x9d: {  	[timem:s7], [sflag:s22] =	dma.local [hbm:s5], s20  }
0x9e: {  	_ =	swait.ge [sflag:s22], s20  }
0x9f: {  	s4 =	ssub.s32 $0x0, s20;
	[sflag:s22] =	ssyncset.done $0x0  }
0xa0: {  	[sflag:s22] =	ssyncadd.s32 s4;
	_ =	sdelay $0x1  }
0xa1: {  	s23 =	simm.s32 $0x1B8B  }
0xa2: {  	_ =	swait.ge [sflag:s23], $0x1  }
0xa3: {  	[sflag:s23] =	ssyncset.done $0x0  }
0xa4: {  	s25 =	simm.s32 $0x1B8E;
	s24 =	sld [smem:$0x3FFE];
	[sflag:s23] =	ssyncadd.s32 $0xFFFFFFFF  }
0xa5: {  	s26 =	simm.s32 $execute0_lowered;
	[smem:$0x3FD2] =	sst s25  }
0xa6: {  	s5 =	sshll.u32 s26, $0x1;
	_ =	strace $0x80000046;
	[dreg:$0x1] =	wrdreg $0xFFFFFFFF  }
0xa7: {  	s28 =	simm.s32 $_size_execute0_lowered;
	s3 =	sadd.s32 s3, s5;
	[dreg:$0x0] =	wrdreg $0x0  }
0xa8: {  	s5 =	sshll.u32 s28, $0x1;
	[dreg:$0x2] =	wrdreg s3  }
0xa9: {  	[dreg:$0x3] =	wrdreg s5  }
0xaa: {  	[dreg:$0x4] =	wrdreg $0xC0  }
0xab: {  	_ =	task [dreg:s7], $0x5FFFF  }
0xac: {  	[dreg:$0x1] =	wrdreg $0xFFFFFFFF  }
0xad: {  	[dreg:$0x0] =	wrdreg $0x60  }
0xae: {  	[dreg:$0x2] =	wrdreg s2  }
0xaf: {  	[dreg:$0x3] =	wrdreg s24  }
0xb0: {  	[dreg:$0x4] =	wrdreg $0x9000  }
0xb1: {  	[dreg:$0x5] =	wrdreg $0x9  }
0xb2: {  	_ =	task.clear_ibuf [dreg:s7], $0x6FFFF;
	_ =	strace $0x90000046  }
0xb3: {  	s29 =	simm.s32 $0x9;
	_ =	strace $0x80000048  }
0xb4: {  	_ =	swait.ge [sflag:s29], $0x1  }
0xb5: {  	[sflag:s29] =	ssyncadd.s32 $0xFFFFFFFF  }
0xb6: {  	_ =	strace $0x90000048  }
0xb7: {  	_ =	sfence  }
0xb8: {  	s30 =	sld [smem:$0x0];
	_ =	sdelay $0x2  }
0xb9: {  	s31 =	sshll.u32 s1, $0xD;
	s1 =	sshrl.u32 s1, $0x2  }
0xba: {  	s3 =	sand.u32 $0x4000, s31;
	s1 =	sadd.s32 s1, s30  }
0xbb: {  	s0 =	sor.u32 s3, s0;
	s1 =	sshll.u32 s1, $0x11  }
0xbc: {  	s0 =	sor.u32 s1, s0  }
0xbd: {  	s0 =	sadd.s32 $0x8F2B, s0  }
0xbe: {  	[sflag:s0] =	ssyncadd.remote.s32 $0x1  }
0xbf: {  	_ =	sfence.sel $0xFFFF  }
0xc0: {  	[dreg:$0x0] =	wrdreg $0xFFFFFFFF;
	(pc) =	sbr.abs _section_cstart, $3  }
0xc1: {  	[dreg:$0x1] =	wrdreg $0xFFFFFFFF  }
0xc2: {  	_ =	task.clear_ibuf [dreg:s7], $0x2FFFF;
	_ =	strace $0x9FFFFFFF  }
0xc3: {  	(tm) =	ssettm $0x7FFFFFFF  }
tec
execute0_lowered:
.L_overlay_start_1:
0x0: {  	(tag) =	ssettag $0x1  }
0x1: {  	s5 =	rddreg [dreg:$0x0]  }
0x2: {  	s3 =	rddreg [dreg:$0x1]  }
0x3: {  	s1 =	rddreg [dreg:$0x2]  }
0x4: {  	s0 =	rddreg [dreg:$0x3]  }
0x5: {  	s2 =	simm.s32 $0x0;
	s4 =	srdreg.scid;
	s10 =	simm.s32 $0x80  }
0x6: {  	s11 =	simm.s32 $0x800;
	s12 =	simm.s32 $0x280;
	s13 =	simm.s32 $0x300  }
0x7: {  	s14 =	simm.s32 $0x380;
	s15 =	simm.s32 $0x400;
	s16 =	simm.s32 $0x480  }
0x8: {  	s17 =	simm.s32 $0x500;
	s18 =	simm.s32 $0x580;
	s19 =	simm.s32 $0x880  }
0x9: {  	s20 =	simm.s32 $0x600;
	s21 =	simm.s32 $0x680;
	s22 =	simm.s32 $0x100  }
0xa: {  	s23 =	simm.s32 $0x700;
	s24 =	simm.s32 $0x180;
	s4 =	sand.u32 $0x1, s4  }
0xb: {  	s25 =	simm.s32 $0x780;
	[smem:$0x7FF] =	sst s2;
	s6 =	sshll.u32 s4, $0x6  }
0xc: {  	s4 =	ssub.s32 $0x2, s4;
	s7 =	sadd.s32 s6, s3;
	s3 =	stileid.u32  }
0xd: {  	s8 =	sshrl.u32 s4, $0x1;
	s6 =	sadd.s32 s5, s6;
	s9 =	sshll.u32 s3, $0x7  }
0xe: {  	_ =	strace $0x80000047;
	s8 =	ssub.s32 s4, s8;
	s4 =	sadd.s32 s9, s6  }
0xf: {  	s31 =	sadd.s32 s9, s7;
	s5 =	sadd.s32 s5, s9;
	s7 =	smax.u32 s8, $0x1  }
0x10: {  	v0 =	vimm.f32 $0.0e+00;
	v1 =	vimm.f32 $1.000000000e+00;
	s8 =	simm.s32 $0x1;
	s9 =	simm.s32 $0x200;
	s6 =	sadd.s32 $0xC00, s31  }
.LBB2_1:
0x11: {  	[tilespmem:s2], [sflag:$0x1] =	stream.linear.gather [hbm4b:s4+s2], $0x200, $0x38;
	[tilespmem:$0x2180] =	vst v63  }
0x12: {  	_ =	swait.ge [sflag:s8], $0x200  }
0x13: {  	[sflag:s8] =	ssyncset.done $0x0  }
0x14: {  	[sflag:s8] =	ssyncadd.s32 $0xFFFFFE00  }
0x15: {  	[tilespmem:s9], [sflag:$0x1] =	stream.linear.gather [hbm4b:s5+s2], $0x400, $0x38;
	[tilespmem:$0x2180] =	vst v63  }
0x16: {  	_ =	swait.ge [sflag:s8], $0x400  }
0x17: {  	[sflag:s8] =	ssyncset.done $0x0  }
0x18: {  	[sflag:s8] =	ssyncadd.s32 $0xFFFFFC00  }
0x19: {  	[tilespmem:$0x800] =	vst v0  }
0x1a: {  	[tilespmem:$0x880] =	vst v1  }
0x1b: {  	[tilespmem:$0x810] =	vst v0  }
0x1c: {  	[tilespmem:$0x890] =	vst v1  }
0x1d: {  	[tilespmem:$0x820] =	vst v0  }
0x1e: {  	[tilespmem:$0x8A0] =	vst v1  }
0x1f: {  	[tilespmem:$0x830] =	vst v0  }
0x20: {  	[tilespmem:$0x8B0] =	vst v1  }
0x21: {  	[tilespmem:$0x840] =	vst v0  }
0x22: {  	[tilespmem:$0x8C0] =	vst v1  }
0x23: {  	[tilespmem:$0x850] =	vst v0  }
0x24: {  	[tilespmem:$0x8D0] =	vst v1  }
0x25: {  	[tilespmem:$0x860] =	vst v0  }
0x26: {  	[tilespmem:$0x8E0] =	vst v1  }
0x27: {  	[tilespmem:$0x870] =	vst v0  }
0x28: {  	[tilespmem:$0x8F0] =	vst v1  }
0x29: {  	[spmem:s1] =	stream.indirect.scatter [tilespmem:s11], [sflag:$0x1], $0x1, s9, s10, $0xb8;
	[tilespmem:$0x2180] =	vst v63  }
0x2a: {  	_ =	swait.ge [sflag:s8], $0x80  }
0x2b: {  	[sflag:s8] =	ssyncset.done $0x0  }
0x2c: {  	[sflag:s8] =	ssyncadd.s32 $0xFFFFFF80  }
0x2d: {  	[spmem:s1] =	stream.indirect.scatter [tilespmem:s11], [sflag:$0x1], $0x1, s12, s10, $0xb8;
	[tilespmem:$0x2180] =	vst v63  }
0x2e: {  	_ =	swait.ge [sflag:s8], $0x80  }
0x2f: {  	[sflag:s8] =	ssyncset.done $0x0  }
0x30: {  	[sflag:s8] =	ssyncadd.s32 $0xFFFFFF80  }
0x31: {  	[spmem:s1] =	stream.indirect.scatter [tilespmem:s11], [sflag:$0x1], $0x1, s13, s10, $0xb8;
	[tilespmem:$0x2180] =	vst v63  }
0x32: {  	_ =	swait.ge [sflag:s8], $0x80  }
0x33: {  	[sflag:s8] =	ssyncset.done $0x0  }
0x34: {  	[sflag:s8] =	ssyncadd.s32 $0xFFFFFF80  }
0x35: {  	[spmem:s1] =	stream.indirect.scatter [tilespmem:s11], [sflag:$0x1], $0x1, s14, s10, $0xb8;
	[tilespmem:$0x2180] =	vst v63  }
0x36: {  	_ =	swait.ge [sflag:s8], $0x80  }
0x37: {  	[sflag:s8] =	ssyncset.done $0x0  }
0x38: {  	[sflag:s8] =	ssyncadd.s32 $0xFFFFFF80  }
0x39: {  	[spmem:s1] =	stream.indirect.scatter [tilespmem:s11], [sflag:$0x1], $0x1, s15, s10, $0xb8;
	[tilespmem:$0x2180] =	vst v63  }
0x3a: {  	_ =	swait.ge [sflag:s8], $0x80  }
0x3b: {  	[sflag:s8] =	ssyncset.done $0x0  }
0x3c: {  	[sflag:s8] =	ssyncadd.s32 $0xFFFFFF80  }
0x3d: {  	[spmem:s1] =	stream.indirect.scatter [tilespmem:s11], [sflag:$0x1], $0x1, s16, s10, $0xb8;
	[tilespmem:$0x2180] =	vst v63  }
0x3e: {  	_ =	swait.ge [sflag:s8], $0x80  }
0x3f: {  	[sflag:s8] =	ssyncset.done $0x0  }
0x40: {  	[sflag:s8] =	ssyncadd.s32 $0xFFFFFF80  }
0x41: {  	[spmem:s1] =	stream.indirect.scatter [tilespmem:s11], [sflag:$0x1], $0x1, s17, s10, $0xb8;
	[tilespmem:$0x2180] =	vst v63  }
0x42: {  	_ =	swait.ge [sflag:s8], $0x80  }
0x43: {  	[sflag:s8] =	ssyncset.done $0x0  }
0x44: {  	[sflag:s8] =	ssyncadd.s32 $0xFFFFFF80  }
0x45: {  	[spmem:s1] =	stream.indirect.scatter [tilespmem:s11], [sflag:$0x1], $0x1, s18, s10, $0xb8;
	[tilespmem:$0x2180] =	vst v63  }
0x46: {  	_ =	swait.ge [sflag:s8], $0x80  }
0x47: {  	[sflag:s8] =	ssyncset.done $0x0  }
0x48: {  	[sflag:s8] =	ssyncadd.s32 $0xFFFFFF80  }
0x49: {  	[bflag:$0x0] =	sbarrier.arrive $0xFFFF  }
0x4a: {  	[spmem:s1] =	stream.indirect.scatter.add.f32 [tilespmem:s19], [sflag:$0x1], $0x1, s9, s10, $0xb8;
	[tilespmem:$0x2180] =	vst v63  }
0x4b: {  	_ =	swait.ge [sflag:s8], $0x80  }
0x4c: {  	[sflag:s8] =	ssyncset.done $0x0  }
0x4d: {  	[sflag:s8] =	ssyncadd.s32 $0xFFFFFF80  }
0x4e: {  	[spmem:s1] =	stream.indirect.scatter.add.f32 [tilespmem:s19], [sflag:$0x1], $0x1, s12, s10, $0xb8;
	[tilespmem:$0x2180] =	vst v63  }
0x4f: {  	_ =	swait.ge [sflag:s8], $0x80  }
0x50: {  	[sflag:s8] =	ssyncset.done $0x0  }
0x51: {  	[sflag:s8] =	ssyncadd.s32 $0xFFFFFF80  }
0x52: {  	[spmem:s1] =	stream.indirect.scatter.add.f32 [tilespmem:s19], [sflag:$0x1], $0x1, s13, s10, $0xb8;
	[tilespmem:$0x2180] =	vst v63  }
0x53: {  	_ =	swait.ge [sflag:s8], $0x80  }
0x54: {  	[sflag:s8] =	ssyncset.done $0x0  }
0x55: {  	[sflag:s8] =	ssyncadd.s32 $0xFFFFFF80  }
0x56: {  	[spmem:s1] =	stream.indirect.scatter.add.f32 [tilespmem:s19], [sflag:$0x1], $0x1, s14, s10, $0xb8;
	[tilespmem:$0x2180] =	vst v63  }
0x57: {  	_ =	swait.ge [sflag:s8], $0x80  }
0x58: {  	[sflag:s8] =	ssyncset.done $0x0  }
0x59: {  	[sflag:s8] =	ssyncadd.s32 $0xFFFFFF80  }
0x5a: {  	[spmem:s1] =	stream.indirect.scatter.add.f32 [tilespmem:s19], [sflag:$0x1], $0x1, s15, s10, $0xb8;
	[tilespmem:$0x2180] =	vst v63  }
0x5b: {  	_ =	swait.ge [sflag:s8], $0x80  }
0x5c: {  	[sflag:s8] =	ssyncset.done $0x0  }
0x5d: {  	[sflag:s8] =	ssyncadd.s32 $0xFFFFFF80  }
0x5e: {  	[spmem:s1] =	stream.indirect.scatter.add.f32 [tilespmem:s19], [sflag:$0x1], $0x1, s16, s10, $0xb8;
	[tilespmem:$0x2180] =	vst v63  }
0x5f: {  	_ =	swait.ge [sflag:s8], $0x80  }
0x60: {  	[sflag:s8] =	ssyncset.done $0x0  }
0x61: {  	[sflag:s8] =	ssyncadd.s32 $0xFFFFFF80  }
0x62: {  	[spmem:s1] =	stream.indirect.scatter.add.f32 [tilespmem:s19], [sflag:$0x1], $0x1, s17, s10, $0xb8;
	[tilespmem:$0x2180] =	vst v63  }
0x63: {  	_ =	swait.ge [sflag:s8], $0x80  }
0x64: {  	[sflag:s8] =	ssyncset.done $0x0  }
0x65: {  	[sflag:s8] =	ssyncadd.s32 $0xFFFFFF80  }
0x66: {  	[spmem:s1] =	stream.indirect.scatter.add.f32 [tilespmem:s19], [sflag:$0x1], $0x1, s18, s10, $0xb8;
	[tilespmem:$0x2180] =	vst v63  }
0x67: {  	_ =	swait.ge [sflag:s8], $0x80  }
0x68: {  	[sflag:s8] =	ssyncset.done $0x0  }
0x69: {  	[sflag:s8] =	ssyncadd.s32 $0xFFFFFF80  }
0x6a: {  	[bflag:$0x0] =	sbarrier.arrive $0xFFFF  }
0x6b: {  	[tilespmem:s20], [sflag:$0x1] =	stream.indirect.gather [spmem:s1], $0x1, s2, s10, $0xb8;
	[tilespmem:$0x2180] =	vst v63  }
0x6c: {  	_ =	swait.ge [sflag:s8], $0x80  }
0x6d: {  	[sflag:s8] =	ssyncset.done $0x0  }
0x6e: {  	[sflag:s8] =	ssyncadd.s32 $0xFFFFFF80  }
0x6f: {  	[tilespmem:s21], [sflag:$0x1] =	stream.indirect.gather [spmem:s1], $0x1, s10, s10, $0xb8;
	[tilespmem:$0x2180] =	vst v63  }
0x70: {  	_ =	swait.ge [sflag:s8], $0x80  }
0x71: {  	[sflag:s8] =	ssyncset.done $0x0  }
0x72: {  	[sflag:s8] =	ssyncadd.s32 $0xFFFFFF80  }
0x73: {  	[tilespmem:s23], [sflag:$0x1] =	stream.indirect.gather [spmem:s1], $0x1, s22, s10, $0xb8;
	[tilespmem:$0x2180] =	vst v63  }
0x74: {  	_ =	swait.ge [sflag:s8], $0x80  }
0x75: {  	[sflag:s8] =	ssyncset.done $0x0  }
0x76: {  	[sflag:s8] =	ssyncadd.s32 $0xFFFFFF80  }
0x77: {  	[tilespmem:s25], [sflag:$0x1] =	stream.indirect.gather [spmem:s1], $0x1, s24, s10, $0xb8;
	[tilespmem:$0x2180] =	vst v63  }
0x78: {  	_ =	swait.ge [sflag:s8], $0x80  }
0x79: {  	[sflag:s8] =	ssyncset.done $0x0  }
0x7a: {  	[sflag:s8] =	ssyncadd.s32 $0xFFFFFF80  }
0x7b: {  	v2 =	vld [tilespmem:$0x0]  }
0x7c: {  	v3 =	vld [tilespmem:$0x10]  }
0x7d: {  	v4 =	vld [tilespmem:$0x20]  }
0x7e: {  	v5 =	vld [tilespmem:$0x30]  }
0x7f: {  	v6 =	vld [tilespmem:$0x40]  }
0x80: {  	v9 =	vld [tilespmem:$0x50]  }
0x81: {  	v12 =	vld [tilespmem:$0x60]  }
0x82: {  	v13 =	vld [tilespmem:$0x80]  }
0x83: {  	v16 =	vld [tilespmem:$0xB0]  }
0x84: {  	v17 =	vld [tilespmem:$0xC0]  }
0x85: {  	v19 =	vld [tilespmem:$0xF0]  }
0x86: {  	v22 =	vld [tilespmem:$0x100]  }
0x87: {  	v44 =	vld [tilespmem:$0x130]  }
0x88: {  	v46 =	vld [tilespmem:$0x150]  }
0x89: {  	v51 =	vld [tilespmem:$0x160]  }
0x8a: {  	v2 =	vadd.s32 $0xFFFF3C00, v2;
	v3 =	vadd.s32 $0xFFFF3C00, v3;
	v4 =	vadd.s32 $0xFFFF3C00, v4  }
0x8b: {  	v5 =	vadd.s32 $0xFFFF3C00, v5;
	v6 =	vadd.s32 $0xFFFF3C00, v6;
	v9 =	vadd.s32 $0xFFFF3C00, v9  }
0x8c: {  	v12 =	vadd.s32 $0xFFFF3C00, v12;
	v13 =	vadd.s32 $0xFFFF3C00, v13;
	v16 =	vadd.s32 $0xFFFF3C00, v16  }
0x8d: {  	v17 =	vadd.s32 $0xFFFF3C00, v17;
	v19 =	vadd.s32 $0xFFFF3C00, v19;
	v43 =	vadd.s32 $0xFFFF3C00, v22  }
0x8e: {  	v22 =	vadd.s32 $0xFFFF3C00, v44;
	v50 =	vadd.s32 $0xFFFF3C00, v46;
	v62 =	vadd.s32 $0xFFFF3C00, v51  }
0x8f: {  	v2 =	vshrl.u32 v2, $0x1F;
	v3 =	vshrl.u32 v3, $0x1F;
	v4 =	vshrl.u32 v4, $0x1F  }
0x90: {  	v5 =	vshrl.u32 v5, $0x1F;
	v6 =	vshrl.u32 v6, $0x1F;
	v9 =	vshrl.u32 v9, $0x1F  }
0x91: {  	v12 =	vshrl.u32 v12, $0x1F;
	v13 =	vshrl.u32 v13, $0x1F;
	v16 =	vshrl.u32 v16, $0x1F  }
0x92: {  	v7 =	vld [tilespmem:$0x600];
	v17 =	vshrl.u32 v17, $0x1F;
	v2 =	vcvt.s32.f32 v2;
	v3 =	vcvt.s32.f32 v3  }
0x93: {  	v8 =	vld [tilespmem:$0x610];
	v19 =	vshrl.u32 v19, $0x1F;
	v4 =	vcvt.s32.f32 v4;
	v5 =	vcvt.s32.f32 v5  }
0x94: {  	v10 =	vld [tilespmem:$0x620];
	v22 =	vshrl.u32 v22, $0x1F;
	v6 =	vcvt.s32.f32 v6;
	v9 =	vcvt.s32.f32 v9  }
0x95: {  	v35 =	vld [tilespmem:$0xA0];
	v13 =	vcvt.s32.f32 v13;
	v16 =	vcvt.s32.f32 v16;
	v2 =	vadd.f32 v2, v2  }
0x96: {  	v11 =	vld [tilespmem:$0x630];
	v17 =	vcvt.s32.f32 v17;
	v3 =	vadd.f32 v3, v3;
	v4 =	vadd.f32 v4, v4  }
0x97: {  	v30 =	vld [tilespmem:$0x70];
	v19 =	vcvt.s32.f32 v19;
	v5 =	vadd.f32 v5, v5;
	v6 =	vadd.f32 v6, v6  }
0x98: {  	v31 =	vld [tilespmem:$0x640];
	v48 =	vcvt.s32.f32 v22;
	v9 =	vadd.f32 v9, v9;
	v13 =	vadd.f32 v13, v13  }
0x99: {  	v32 =	vld [tilespmem:$0x90];
	v34 =	vcvt.s32.f32 v12;
	v16 =	vadd.f32 v16, v16;
	v17 =	vadd.f32 v17, v17  }
0x9a: {  	v33 =	vld [tilespmem:$0x650];
	v12 =	vadd.s32 $0xFFFF3C00, v35;
	v19 =	vadd.f32 v19, v19;
	v52 =	vadd.f32 v48, v48  }
0x9b: {  	v36 =	vld [tilespmem:$0x680];
	v12 =	vshrl.u32 v12, $0x1F;
	v2 =	vadd.f32 $-1.000000000e+00, v2;
	v3 =	vadd.f32 $-1.000000000e+00, v3  }
0x9c: {  	v21 =	vld [tilespmem:$0x6B0];
	v12 =	vcvt.s32.f32 v12;
	v4 =	vadd.f32 $-1.000000000e+00, v4;
	v5 =	vadd.f32 $-1.000000000e+00, v5  }
0x9d: {  	v39 =	vld [tilespmem:$0x6C0];
	v53 =	vshrl.u32 v50, $0x1F;
	v6 =	vadd.f32 $-1.000000000e+00, v6;
	v9 =	vadd.f32 $-1.000000000e+00, v9  }
0x9e: {  	v24 =	vld [tilespmem:$0x6F0];
	v63 =	vshrl.u32 v62, $0x1F;
	v13 =	vadd.f32 $-1.000000000e+00, v13;
	v12 =	vadd.f32 v12, v12  }
0x9f: {  	v42 =	vld [tilespmem:$0x120];
	v55 =	vcvt.s32.f32 v53;
	v16 =	vadd.f32 $-1.000000000e+00, v16;
	v17 =	vadd.f32 $-1.000000000e+00, v17  }
0xa0: {  	v54 =	vld [tilespmem:$0x170];
	v19 =	vadd.f32 $-1.000000000e+00, v19;
	v2 =	vmul.f32 v2, v7;
	v3 =	vmul.f32 v3, v8  }
0xa1: {  	v14 =	vld [tilespmem:$0x660];
	v4 =	vmul.f32 v4, v10;
	v5 =	vmul.f32 v5, v11;
	v7 =	vadd.s32 $0xFFFF3C00, v30  }
0xa2: {  	v20 =	vld [tilespmem:$0x6A0];
	v6 =	vmul.f32 v6, v31;
	v8 =	vadd.f32 v34, v34;
	v10 =	vadd.s32 $0xFFFF3C00, v32  }
0xa3: {  	v41 =	vld [tilespmem:$0x110];
	v9 =	vmul.f32 v9, v33;
	v11 =	vmul.f32 v13, v36;
	v12 =	vadd.f32 $-1.000000000e+00, v12  }
0xa4: {  	v15 =	vld [tilespmem:$0x670];
	v16 =	vmul.f32 v16, v21;
	v13 =	vmul.f32 v17, v39;
	v17 =	vshrl.u32 v43, $0x1F  }
0xa5: {  	v60 =	vld [tilespmem:$0x190];
	v19 =	vmul.f32 v19, v24;
	v21 =	vadd.s32 $0xFFFF3C00, v42;
	v24 =	vadd.s32 $0xFFFF3C00, v54  }
0xa6: {  	v18 =	vld [tilespmem:$0x690];
	v7 =	vshrl.u32 v7, $0x1F;
	v10 =	vshrl.u32 v10, $0x1F;
	v17 =	vcvt.s32.f32 v17  }
0xa7: {  	v37 =	vld [tilespmem:$0xD0];
	v21 =	vshrl.u32 v21, $0x1F;
	v7 =	vcvt.s32.f32 v7;
	v8 =	vadd.f32 $-1.000000000e+00, v8  }
0xa8: {  	v27 =	vld [tilespmem:$0x730];
	v10 =	vcvt.s32.f32 v10;
	v12 =	vmul.f32 v12, v20;
	v20 =	vadd.s32 $0xFFFF3C00, v41;
	[tilespmem:$0x620] =	vst v4  }
0xa9: {  	v38 =	vld [tilespmem:$0xE0];
	v21 =	vcvt.s32.f32 v21;
	[tilespmem:$0x630] =	vst v5;
	v4 =	vadd.f32 $-1.000000000e+00, v52;
	v5 =	vadd.f32 v55, v55  }
0xaa: {  	v43 =	vld [tilespmem:$0x1F0];
	[tilespmem:$0x650] =	vst v9;
	v9 =	vadd.s32 $0xFFFF3C00, v60;
	v17 =	vadd.f32 v17, v17;
	v20 =	vshrl.u32 v20, $0x1F  }
0xab: {  	v25 =	vld [tilespmem:$0x700];
	v9 =	vshrl.u32 v9, $0x1F;
	v7 =	vadd.f32 v7, v7;
	v8 =	vmul.f32 v8, v14  }
0xac: {  	v56 =	vld [tilespmem:$0x750];
	v10 =	vadd.f32 v10, v10;
	v14 =	vadd.s32 $0xFFFF3C00, v37;
	v20 =	vcvt.s32.f32 v20  }
0xad: {  	v45 =	vld [tilespmem:$0x140];
	[tilespmem:$0x610] =	vst v3;
	v3 =	vadd.f32 v21, v21;
	v4 =	vmul.f32 v4, v27;
	v5 =	vadd.f32 $-1.000000000e+00, v5  }
0xae: {  	v26 =	vld [tilespmem:$0x720];
	v9 =	vcvt.s32.f32 v9;
	v14 =	vshrl.u32 v14, $0x1F;
	v17 =	vadd.f32 $-1.000000000e+00, v17  }
0xaf: {  	v35 =	vld [tilespmem:$0x1C0];
	v51 =	vadd.s32 $0xFFFF3C00, v43;
	v7 =	vadd.f32 $-1.000000000e+00, v7;
	v10 =	vadd.f32 $-1.000000000e+00, v10  }
0xb0: {  	v30 =	vld [tilespmem:$0x1B0];
	[tilespmem:$0x600] =	vst v2;
	v14 =	vcvt.s32.f32 v14;
	v2 =	vadd.f32 v20, v20;
	v3 =	vadd.f32 $-1.000000000e+00, v3  }
0xb1: {  	v5 =	vmul.f32 v5, v56;
	v9 =	vadd.f32 v9, v9;
	v57 =	vmul.f32 v17, v25  }
0xb2: {  	v47 =	vld [tilespmem:$0x710];
	v17 =	vshrl.u32 v24, $0x1F;
	v7 =	vmul.f32 v7, v15;
	v10 =	vmul.f32 v10, v18  }
0xb3: {  	v40 =	vld [tilespmem:$0x6D0];
	[tilespmem:$0x640] =	vst v6;
	v15 =	vadd.s32 $0xFFFF3C00, v38;
	v14 =	vadd.f32 v14, v14;
	v18 =	vadd.s32 $0xFFFF3C00, v45  }
0xb4: {  	[tilespmem:$0x680] =	vst v11;
	v37 =	vld [tilespmem:$0x1D0];
	v2 =	vadd.f32 $-1.000000000e+00, v2;
	v3 =	vmul.f32 v3, v26;
	v27 =	vcvt.s32.f32 v17  }
0xb5: {  	v59 =	vld [tilespmem:$0x180];
	[tilespmem:$0x6B0] =	vst v16;
	v38 =	vadd.s32 $0xFFFF3C00, v30;
	v45 =	vadd.s32 $0xFFFF3C00, v35;
	v15 =	vshrl.u32 v15, $0x1F  }
0xb6: {  	[tilespmem:$0x6C0] =	vst v13;
	v25 =	vld [tilespmem:$0x1A0];
	v18 =	vshrl.u32 v18, $0x1F;
	v42 =	vshrl.u32 v38, $0x1F;
	v15 =	vcvt.s32.f32 v15  }
0xb7: {  	v14 =	vadd.f32 $-1.000000000e+00, v14;
	v18 =	vcvt.s32.f32 v18;
	v2 =	vmul.f32 v2, v47;
	[tilespmem:$0x670] =	vst v7  }
0xb8: {  	v23 =	vld [tilespmem:$0x6E0];
	v7 =	vcvt.s32.f32 v63;
	[tilespmem:$0x690] =	vst v10;
	v10 =	vadd.f32 v27, v27;
	v11 =	vcvt.s32.f32 v42  }
0xb9: {  	v49 =	vld [tilespmem:$0x740];
	[tilespmem:$0x6F0] =	vst v19;
	v47 =	vadd.s32 $0xFFFF3C00, v37;
	v15 =	vadd.f32 v15, v15;
	v14 =	vmul.f32 v14, v40  }
0xba: {  	v28 =	vld [tilespmem:$0x770];
	[tilespmem:$0x6A0] =	vst v12;
	v58 =	vadd.f32 v18, v18;
	v18 =	vadd.s32 $0xFFFF3C00, v59;
	v7 =	vadd.f32 v7, v7  }
0xbb: {  	v32 =	vld [tilespmem:$0x790];
	[tilespmem:$0x660] =	vst v8;
	v33 =	vadd.s32 $0xFFFF3C00, v25;
	v10 =	vadd.f32 $-1.000000000e+00, v10;
	v29 =	vshrl.u32 v18, $0x1F  }
0xbc: {  	v31 =	vld [tilespmem:$0x780];
	[tilespmem:$0x730] =	vst v4;
	v40 =	vadd.f32 $-1.000000000e+00, v9;
	v11 =	vadd.f32 v11, v11;
	v12 =	vcvt.s32.f32 v29  }
0xbd: {  	v39 =	vld [tilespmem:$0x1E0];
	[tilespmem:$0x750] =	vst v5;
	v9 =	vshrl.u32 v45, $0x1F;
	v34 =	vshrl.u32 v33, $0x1F;
	v15 =	vadd.f32 $-1.000000000e+00, v15  }
0xbe: {  	[tilespmem:$0x700] =	vst v57;
	v9 =	vcvt.s32.f32 v9;
	v61 =	vadd.f32 $-1.000000000e+00, v58;
	v12 =	vadd.f32 v12, v12  }
0xbf: {  	[tilespmem:$0x720] =	vst v3;
	v7 =	vadd.f32 $-1.000000000e+00, v7;
	v36 =	vcvt.s32.f32 v34;
	v10 =	vmul.f32 v10, v28  }
0xc0: {  	v26 =	vld [tilespmem:$0x760];
	[tilespmem:$0x6D0] =	vst v14;
	v3 =	vmul.f32 v40, v32;
	v14 =	vshrl.u32 v51, $0x1F;
	v12 =	vadd.f32 $-1.000000000e+00, v12  }
0xc1: {  	v46 =	vld [tilespmem:$0x7A0];
	[tilespmem:$0x710] =	vst v2;
	v15 =	vmul.f32 v15, v23;
	v8 =	vmul.f32 v61, v49;
	v41 =	vadd.f32 v36, v36  }
0xc2: {  	v48 =	vld [tilespmem:$0x7B0];
	v49 =	vadd.s32 $0xFFFF3C00, v39;
	[tilespmem:$0x770] =	vst v10;
	v2 =	vmul.f32 v12, v31;
	v12 =	vshrl.u32 v47, $0x1F  }
0xc3: {  	v50 =	vld [tilespmem:$0x7C0];
	v54 =	vadd.f32 $-1.000000000e+00, v11;
	[tilespmem:$0x790] =	vst v3;
	v13 =	vshrl.u32 v49, $0x1F;
	v12 =	vcvt.s32.f32 v12  }
0xc4: {  	v53 =	vld [tilespmem:$0x7D0];
	v52 =	vadd.f32 v9, v9;
	[tilespmem:$0x6E0] =	vst v15;
	v44 =	vadd.f32 $-1.000000000e+00, v41;
	v13 =	vcvt.s32.f32 v13  }
0xc5: {  	v56 =	vld [tilespmem:$0x7E0];
	v14 =	vcvt.s32.f32 v14;
	v7 =	vmul.f32 v7, v26;
	[tilespmem:$0x740] =	vst v8;
	v55 =	vadd.f32 v12, v12  }
0xc6: {  	v59 =	vld [tilespmem:$0x7F0];
	v57 =	vadd.f32 $-1.000000000e+00, v52;
	v58 =	vadd.f32 v13, v13;
	[tilespmem:$0x780] =	vst v2;
	v2 =	vmul.f32 v44, v46  }
0xc7: {  	v3 =	vmul.f32 v54, v48;
	v61 =	vadd.f32 v14, v14;
	[tilespmem:$0x760] =	vst v7;
	v60 =	vadd.f32 $-1.000000000e+00, v55  }
0xc8: {  	v62 =	vadd.f32 $-1.000000000e+00, v58;
	[tilespmem:$0x7A0] =	vst v2;
	v2 =	vmul.f32 v57, v50  }
0xc9: {  	[tilespmem:$0x7B0] =	vst v3;
	v63 =	vadd.f32 $-1.000000000e+00, v61;
	v3 =	vmul.f32 v60, v53  }
0xca: {  	[tilespmem:$0x7C0] =	vst v2;
	v2 =	vmul.f32 v62, v56  }
0xcb: {  	[tilespmem:$0x7D0] =	vst v3;
	v3 =	vmul.f32 v63, v59  }
0xcc: {  	p0 =	sne.s32 s7, $0x1;
	[tilespmem:$0x7E0] =	vst v2  }
.Ltmp0:
0xcd: {  	[tilespmem:$0x7F0] =	vst v3;
	(pc) =	sbr.rel @p0 .LBB2_1-.Ltmp0, $4  }
0xce: {  	[hbm4b:s6+s2] =	stream.linear.scatter [tilespmem:s20], [sflag:$0x1], $0x200, $0x38;
	[tilespmem:$0x2180] =	vst v63  }
0xcf: {  	_ =	swait.ge [sflag:s8], $0x200  }
0xd0: {  	[sflag:s8] =	ssyncset.done $0x0  }
0xd1: {  	s7 =	sadd.s32 $0xFFFFFFFF, s7;
	[sflag:s8] =	ssyncadd.s32 $0xFFFFFE00  }
0xd2: {  	_ =	sfence.sel $0x180000  }
0xd3: {  	[bflag:$0x0] =	sbarrier.arrive $0xFFFF  }
0xd4: {  	p0 =	sne.s32 s3, $0x0;
	_ =	strace $0x90000047  }
0xd5: {  	s0 =	sadd.s32 @!p0 $0x100000, s0;
	[bflag:$0x2] =	sbarrier.arrive $0xFFFF  }
0xd6: {  	[sflag:s0] =	ssyncadd.tile.s32 @!p0 $0x1;
	_ =	shalt  }
.Lfunc_end2:
_tile_overlayer_lowered:
.L_overlay_start_2:
0xd7: {  	(tag) =	ssettag $0x2  }
0xd8: {  	s0 =	rddreg [dreg:$0x0];
	s2 =	stileid.u32  }
0xd9: {  	s1 =	rddreg [dreg:$0x1];
	p0 =	sne.s32 s2, $0x0  }
0xda: {  	s3 =	rddreg [dreg:$0x2];
	[bflag:$0x3] =	sbarrier.arrive $0xFFFF;
	s2 =	simm.s32 @!p0 $0x1C01  }
0xdb: {  	[timem:s3], [sflag:s2] =	dma.local @!p0 [hbm:s0], s1  }
0xdc: {  	s0 =	simm.s32 @!p0 $0x1  }
0xdd: {  	_ =	swait.ge @!p0 [sflag:s0], s1  }
0xde: {  	s1 =	ssub.s32 @!p0 $0x0, s1;
	[sflag:s0] =	ssyncset.done @!p0 $0x0  }
0xdf: {  	[sflag:s0] =	ssyncadd.s32 @!p0 s1  }
0xe0: {  	[bflag:$0x3] =	sbarrier.arrive $0xFFFF  }
0xe1: {  	_ =	shalt  }

// kernel: kernel.9.cloned.1.call-start
scs
__scs_entry_jumppad:
0x0: {  	(pc) =	sbr.rel $0x88, $3  }
0x1: {  	(tag) =	ssettag $0x0;
	lr =	simm.s32 $0x1  }
0x2: {  	[smem:$0x3F9E] =	sst lr;
	_ =	strace $0xD0000000  }
0x3: {  	_ = 	snop  }
0x4: {  	_ = 	snop  }
0x5: {  	_ = 	snop  }
0x6: {  	_ = 	snop  }
0x7: {  	_ = 	snop  }
__scs_overlays_trampoline_lowered:
0x8: {  	[smem:$0x3FAD] =	sst s0  }
0x9: {  	[smem:$0x3FAE] =	sst s1  }
0xa: {  	[smem:$0x3FAF] =	sst s2  }
0xb: {  	[smem:$0x3FB0] =	sst s3  }
0xc: {  	[smem:$0x3FB1] =	sst s4  }
0xd: {  	[smem:$0x3FB2] =	sst s5  }
0xe: {  	[smem:$0x3FB3] =	sst s6  }
0xf: {  	[smem:$0x3FB4] =	sst s7  }
0x10: {  	[smem:$0x3FB5] =	sst s8  }
0x11: {  	[smem:$0x3FB6] =	sst s9;
	s0 =	simm.s32 @!p0 $0x0  }
0x12: {  	s1 =	sld [smem:$0x3F9C];
	s0 =	simm.s32 @p0 $0x1  }
0x13: {  	[smem:$0x3FB7] =	sst s0;
	s0 =	simm.s32 @!p1 $0x0  }
0x14: {  	s2 =	sld [smem:$0x3F9B];
	s0 =	simm.s32 @p1 $0x1  }
0x15: {  	[smem:$0x3FB8] =	sst s0;
	s0 =	simm.s32 @!p2 $0x0  }
0x16: {  	s3 =	sld [smem:$0x3FDB];
	s0 =	simm.s32 @p2 $0x1  }
0x17: {  	s4 =	simm.s32 $0x1BF5;
	[smem:$0x3FBA] =	sst s0  }
0x18: {  	s0 =	sld [smem:$0x3F9D];
	_ =	swait.ge [sflag:s4], $0x0  }
0x19: {  	s7 =	sld [smem:$0x3F9E]  }
0x1a: {  	s8 =	sadd.s32 $0xFFFFE003, lr  }
0x1b: {  	s9 =	sadd.s32 $0xFFFFFEF7, lr;
	s5 =	simm.s32 $0xFFFFFFFF;
	p2 =	slt.u32 s8, $0xFFFFF086  }
0x1c: {  	p1 =	slt.u32 s9, $0xF7A;
	s5 =	simm.s32 @!p2 $0x0  }
0x1d: {  	s5 =	simm.s32 @p1 $0x1;
	p0 =	seq.s32 s7, s2  }
0x1e: {  	s7 =	smul.u32 @!p0 $0xF7A, s2;
	p2 =	seq.s32 @!p0 s5, $0x0  }
0x1f: {  	s9 =	smul.u32 $0xF7A, s1;
	s8 =	simm.s32 @!p0 $0x1BF5;
	p2 =	por !p2, p0  }
0x20: {  	[sflag:s8] =	ssyncset.s32 @!p0 $0xFFFFF086;
	s6 =	sadd.s32 @!p0 s3, s7;
	s7 =	simm.s32 @!p0 $0x108  }
0x21: {  	s3 =	sadd.s32 s3, s9;
	s6 =	sadd.s32 @!p0 $0x88, s6;
	s7 =	simm.s32 @p2 $0x1082  }
0x22: {  	[simem:s7], [sflag:s8] =	dma.local @!p0 [hbm:s6], $0xF7A  }
0x23: {  	s9 =	sor.u32 $0xD0000000, s2;
	s6 =	simm.s32 $0x108;
	_ =	swait.ge @!p0 [sflag:s8], $0x0  }
0x24: {  	s3 =	sadd.s32 $0x88, s3;
	s6 =	simm.s32 @!p1 $0x1082;
	[sflag:s4] =	ssyncset.s32 $0xFFFFF086  }
0x25: {  	[simem:s6], [sflag:s4] =	dma.local [hbm:s3], $0xF7A  }
0x26: {  	[smem:$0x3F9E] =	sst s1;
	(tag) =	ssettag s2;
	_ =	strace s9  }
0x27: {  	s1 =	sld [smem:$0x3FAE]  }
0x28: {  	s2 =	sld [smem:$0x3FAF]  }
0x29: {  	s4 =	sld [smem:$0x3FB1]  }
0x2a: {  	p0 =	seq.s32 s5, $0x0;
	s5 =	sld [smem:$0x3FB2]  }
0x2b: {  	s6 =	sld [smem:$0x3FB3]  }
0x2c: {  	s7 =	sld [smem:$0x3FB4]  }
0x2d: {  	s3 =	simm.s32 $0x108;
	s8 =	sld [smem:$0x3FB5]  }
0x2e: {  	s3 =	simm.s32 @!p0 $0x1082;
	s9 =	sld [smem:$0x3FB6]  }
0x2f: {  	lr =	sadd.s32 s0, s3;
	s0 =	sld [smem:$0x3FAD]  }
0x30: {  	s3 =	sld [smem:$0x3FB0]  }
0x31: {  	[smem:$0x3FB9] =	sst s10  }
0x32: {  	s10 =	sld [smem:$0x3FB7];
	_ =	sdelay $0x3  }
0x33: {  	p0 =	seq.s32 s10, $0x1;
	s10 =	sld [smem:$0x3FB9];
	_ =	sdelay $0x3  }
0x34: {  	[smem:$0x3FB9] =	sst s10  }
0x35: {  	s10 =	sld [smem:$0x3FB8];
	_ =	sdelay $0x3  }
0x36: {  	p1 =	seq.s32 s10, $0x1;
	s10 =	sld [smem:$0x3FB9];
	_ =	sdelay $0x3  }
0x37: {  	[smem:$0x3FB9] =	sst s10  }
0x38: {  	s10 =	sld [smem:$0x3FBA]  }
0x39: {  	_ = 	snop;
	(pc) =	sbr.ind lr, $3  }
0x3a: {  	_ = 	snop  }
0x3b: {  	_ = 	snop  }
0x3c: {  	p2 =	seq.s32 s10, $0x1;
	s10 =	sld [smem:$0x3FB9]  }
0x3d: {  	_ =	shalt  }
0x3e: {  	_ =	shalt  }
0x3f: {  	_ =	shalt  }
0x40: {  	_ =	shalt  }
0x41: {  	_ =	shalt  }
0x42: {  	_ =	shalt  }
0x43: {  	_ =	shalt  }
0x44: {  	_ =	shalt  }
0x45: {  	_ =	shalt  }
0x46: {  	_ =	shalt  }
0x47: {  	_ =	shalt  }
0x48: {  	_ =	shalt  }
0x49: {  	_ =	shalt  }
0x4a: {  	_ =	shalt  }
0x4b: {  	_ =	shalt  }
0x4c: {  	_ =	shalt  }
0x4d: {  	_ =	shalt  }
0x4e: {  	_ =	shalt  }
0x4f: {  	_ =	shalt  }
0x50: {  	_ =	shalt  }
0x51: {  	_ =	shalt  }
0x52: {  	_ =	shalt  }
0x53: {  	_ =	shalt  }
0x54: {  	_ =	shalt  }
0x55: {  	_ =	shalt  }
0x56: {  	_ =	shalt  }
0x57: {  	_ =	shalt  }
0x58: {  	_ =	shalt  }
0x59: {  	_ =	shalt  }
0x5a: {  	_ =	shalt  }
0x5b: {  	_ =	shalt  }
0x5c: {  	_ =	shalt  }
0x5d: {  	_ =	shalt  }
0x5e: {  	_ =	shalt  }
0x5f: {  	_ =	shalt  }
0x60: {  	_ =	shalt  }
0x61: {  	_ =	shalt  }
0x62: {  	_ =	shalt  }
0x63: {  	_ =	shalt  }
0x64: {  	_ =	shalt  }
0x65: {  	_ =	shalt  }
0x66: {  	_ =	shalt  }
0x67: {  	_ =	shalt  }
0x68: {  	_ =	shalt  }
0x69: {  	_ =	shalt  }
0x6a: {  	_ =	shalt  }
0x6b: {  	_ =	shalt  }
0x6c: {  	_ =	shalt  }
0x6d: {  	_ =	shalt  }
0x6e: {  	_ =	shalt  }
0x6f: {  	_ =	shalt  }
0x70: {  	_ =	shalt  }
0x71: {  	_ =	shalt  }
0x72: {  	_ =	shalt  }
0x73: {  	_ =	shalt  }
0x74: {  	_ =	shalt  }
0x75: {  	_ =	shalt  }
0x76: {  	_ =	shalt  }
0x77: {  	_ =	shalt  }
0x78: {  	_ =	shalt  }
0x79: {  	_ =	shalt  }
0x7a: {  	_ =	shalt  }
0x7b: {  	_ =	shalt  }
0x7c: {  	_ =	shalt  }
0x7d: {  	_ =	shalt  }
0x7e: {  	_ =	shalt  }
0x7f: {  	_ =	shalt  }
0x80: {  	_ =	shalt  }
0x81: {  	_ =	shalt  }
0x82: {  	_ =	shalt  }
0x83: {  	_ =	shalt  }
0x84: {  	_ =	shalt  }
0x85: {  	_ =	shalt  }
0x86: {  	_ =	shalt  }
0x87: {  	_ =	shalt  }
.Lfunc_end0:
.L_simem_size_0:
called_computation.1_lowered:
.L_overlay_start_0:
0x88: {  	s2 =	sld [smem:$0x3FD9]  }
0x89: {  	s3 =	sld [smem:$0x3FFE];
	_ =	sdelay $0x1  }
0x8a: {  	s1 =	srdreg.scid  }
0x8b: {  	s0 =	sand.u32 $0x1, s1  }
0x8c: {  	s17 =	sshll.u32 s0, $0xA;
	s2 =	sadd.s32 s3, s2  }
0x8d: {  	s2 =	sadd.s32 s2, s17  }
0x8e: {  	[smem:$0x3FC5] =	sst s2  }
0x8f: {  	_ = 	snop  }
0x90: {  	s18 =	sld [smem:$0x3FC8];
	(tm) =	ssettm $0x1  }
0x91: {  	s19 =	sld [smem:$0x3FFB];
	_ =	sdelay $0x3  }
0x92: {  	_ =	strace s19  }
0x93: {  	s2 =	sld [smem:$0x3FFC];
	_ =	sdelay $0x3  }
0x94: {  	_ =	strace s2  }
0x95: {  	s2 =	sld [smem:$0x3FFD];
	_ =	sdelay $0x3  }
0x96: {  	_ =	strace s2  }
0x97: {  	_ =	strace $0x8FFFFFFF  }
0x98: {  	s20 =	sld [smem:$0x3FDB];
	_ =	sdelay $0x1  }
0x99: {  	s4 =	simm.s32 $_scs_section_size  }
0x9a: {  	s5 =	simm.s32 $_size__tile_overlayer_lowered;
	s6 =	simm.s32 $_tile_overlayer_lowered  }
0x9b: {  	s7 =	simm.s32 $0x1BFF;
	s21 =	sshll.u32 s6, $0x1;
	s4 =	sadd.s32 s4, s20  }
0x9c: {  	s22 =	simm.s32 $0x0;
	s5 =	sshll.u32 s5, $0x1;
	s6 =	sadd.s32 s21, s4  }
0x9d: {  	[timem:s22], [sflag:s7] =	dma.local [hbm:s6], s5  }
0x9e: {  	_ =	swait.ge [sflag:s7], s5  }
0x9f: {  	s5 =	ssub.s32 $0x0, s5;
	[sflag:s7] =	ssyncset.done $0x0  }
0xa0: {  	[sflag:s7] =	ssyncadd.s32 s5;
	_ =	sdelay $0x1  }
0xa1: {  	s23 =	simm.s32 $0x1B8B  }
0xa2: {  	_ =	swait.ge [sflag:s23], $0x1  }
0xa3: {  	[sflag:s23] =	ssyncset.done $0x0  }
0xa4: {  	[sflag:s23] =	ssyncadd.s32 $0xFFFFFFFF  }
0xa5: {  	s5 =	sld [smem:$0x0]  }
0xa6: {  	s6 =	sand.u32 $0xFFFFFFFE, s1  }
0xa7: {  	p0 =	sne.s32 s1, s6  }
0xa8: {  	s6 =	sshll.u32 @p0 s6, $0xE  }
0xa9: {  	s6 =	sadd.s32 @p0 $0x11B8D, s6;
	s7 =	sshll.u32 @p0 s5, $0x11  }
0xaa: {  	s6 =	sor.u32 @p0 s7, s6  }
0xab: {  	[sflag:s6] =	ssyncadd.remote.s32 @p0 $0x1;
	_ =	sdelay $0x1  }
0xac: {  	s6 =	simm.s32 @p0 $0x1B8D  }
0xad: {  	_ =	swait.eq @p0 [sflag:s6], $0x1  }
0xae: {  	[sflag:s6] =	ssyncadd.s32 @p0 $0xFFFFFFFF  }
0xaf: {  	s7 =	sshll.u32 @!p0 s1, $0xE  }
0xb0: {  	s7 =	sor.u32 @!p0 $0x4000, s7;
	s6 =	simm.s32 @!p0 $0x1B8D  }
0xb1: {  	s5 =	sshll.u32 @!p0 s5, $0x11;
	s7 =	sadd.s32 @!p0 $0x11B8D, s7;
	_ =	swait.eq @!p0 [sflag:s6], $0x1  }
0xb2: {  	s5 =	sor.u32 @!p0 s5, s7;
	[sflag:s6] =	ssyncadd.s32 @!p0 $0xFFFFFFFF  }
0xb3: {  	s25 =	simm.s32 $0x1B8E;
	s24 =	sld [smem:$0x3FFE];
	[sflag:s5] =	ssyncadd.remote.s32 @!p0 $0x1  }
0xb4: {  	s26 =	simm.s32 $execute0_lowered;
	[smem:$0x3FD2] =	sst s25  }
0xb5: {  	s6 =	sshll.u32 s26, $0x1;
	_ =	strace $0x80000049;
	[dreg:$0x1] =	wrdreg $0xFFFFFFFF  }
0xb6: {  	s28 =	simm.s32 $_size_execute0_lowered;
	s4 =	sadd.s32 s4, s6;
	[dreg:$0x0] =	wrdreg $0x0  }
0xb7: {  	s6 =	sshll.u32 s28, $0x1;
	[dreg:$0x2] =	wrdreg s4  }
0xb8: {  	[dreg:$0x3] =	wrdreg s6  }
0xb9: {  	[dreg:$0x4] =	wrdreg $0xC0  }
0xba: {  	_ =	task [dreg:s22], $0x5FFFF  }
0xbb: {  	[dreg:$0x1] =	wrdreg $0xFFFFFFFF  }
0xbc: {  	[dreg:$0x0] =	wrdreg $0x60  }
0xbd: {  	[dreg:$0x2] =	wrdreg s18  }
0xbe: {  	[dreg:$0x3] =	wrdreg s24  }
0xbf: {  	[dreg:$0x4] =	wrdreg $0xA  }
0xc0: {  	_ =	task.clear_ibuf [dreg:s22], $0x5FFFF;
	_ =	strace $0x90000049  }
0xc1: {  	s29 =	simm.s32 $0xA;
	_ =	strace $0x8000004B  }
0xc2: {  	_ =	swait.ge [sflag:s29], $0x1  }
0xc3: {  	[sflag:s29] =	ssyncadd.s32 $0xFFFFFFFF  }
0xc4: {  	_ =	strace $0x9000004B  }
0xc5: {  	_ =	sfence  }
0xc6: {  	s30 =	sld [smem:$0x0];
	_ =	sdelay $0x2  }
0xc7: {  	s31 =	sshll.u32 s1, $0xD;
	s1 =	sshrl.u32 s1, $0x2  }
0xc8: {  	s4 =	sand.u32 $0x4000, s31;
	s1 =	sadd.s32 s1, s30  }
0xc9: {  	s0 =	sor.u32 s4, s0;
	s1 =	sshll.u32 s1, $0x11  }
0xca: {  	s0 =	sor.u32 s1, s0  }
0xcb: {  	s0 =	sadd.s32 $0x8F2B, s0  }
0xcc: {  	[sflag:s0] =	ssyncadd.remote.s32 $0x1  }
0xcd: {  	_ =	sfence.sel $0xFFFF  }
0xce: {  	[dreg:$0x0] =	wrdreg $0xFFFFFFFF;
	(pc) =	sbr.abs _section_cstart, $3  }
0xcf: {  	[dreg:$0x1] =	wrdreg $0xFFFFFFFF  }
0xd0: {  	_ =	task.clear_ibuf [dreg:s22], $0x2FFFF;
	_ =	strace $0x9FFFFFFF  }
0xd1: {  	(tm) =	ssettm $0x7FFFFFFF  }
tec
execute0_lowered:
.L_overlay_start_1:
0x0: {  	(tag) =	ssettag $0x1  }
0x1: {  	s3 =	rddreg [dreg:$0x0]  }
0x2: {  	s4 =	rddreg [dreg:$0x1]  }
0x3: {  	s0 =	rddreg [dreg:$0x2];
	s2 =	simm.s32 $0x0  }
0x4: {  	s5 =	srdreg.scid;
	s1 =	stileid.u32;
	s14 =	simm.s32 $0x80  }
0x5: {  	s15 =	simm.s32 $0x200;
	s13 =	simm.s32 $0x400;
	s16 =	simm.s32 $0x280  }
0x6: {  	s12 =	simm.s32 $0x4400;
	s17 =	simm.s32 $0x300;
	s5 =	sand.u32 $0x1, s5  }
0x7: {  	s18 =	simm.s32 $0x380;
	[smem:$0x7FF] =	sst s2;
	s31 =	ssub.s32 $0x2, s5  }
0x8: {  	s8 =	sshll.u32 s5, $0xD;
	s5 =	sshll.u32 s5, $0x6;
	s9 =	sshrl.u32 s31, $0x1  }
0x9: {  	s10 =	sshll.u32 s1, $0x7;
	s3 =	sadd.s32 s3, s5;
	s9 =	ssub.s32 s31, s9  }
0xa: {  	_ =	strace $0x8000004A;
	s19 =	sadd.s32 s10, s3;
	s20 =	smax.u32 s9, $0x1  }
0xb: {  	[tilespmem:s2], [sflag:$0x2] =	stream.linear.gather [hbm4b:s19+s2], $0x200, $0x38;
	[tilespmem:$0x10400] =	vst v63  }
0xc: {  	s11 =	simm.s32 $0x1;
	s3 =	simm.s32 $0x2;
	p0 =	sne.s32 s20, $0x1  }
.Ltmp0:
0xd: {  	s7 =	sshll.u32 s1, $0xE;
	_ =	swait.ge [sflag:s3], $0x200;
	(pc) =	sbr.rel @!p0 .LBB2_2-.Ltmp0, $4  }
0xe: {  	s6 =	sadd.s32 $0x1400, s4;
	s7 =	sor.u32 s8, s7;
	[sflag:s3] =	ssyncset.done $0x0  }
0xf: {  	s4 =	sadd.s32 s7, s4;
	s10 =	simm.s32 $0x8400;
	[sflag:s3] =	ssyncadd.s32 $0xFFFFFE00  }
0x10: {  	s8 =	sadd.s32 $0xC5400, s4;
	s7 =	sadd.s32 $0xC5C00, s4;
	s5 =	sadd.s32 $0xC6400, s4;
	v2 =	vld [tilespmem:$0x1C0]  }
0x11: {  	v0 =	vimm.s32 $0xFFFF3C00;
	s4 =	sadd.s32 $0xC6C00, s4;
	s9 =	simm.s32 $0xC400;
	s20 =	sadd.s32 $0xFFFFFFFF, s20;
	v1 =	vld [tilespmem:$0x1D0]  }
.LBB2_1:
0x12: {  	_ = 	snop  }
0x13: {  	p0 =	sne.s32 s20, $0x1;
	s20 =	sadd.s32 $0xFFFFFFFF, s20;
	v3 =	vld [tilespmem:$0x1B0]  }
0x14: {  	v4 =	vld [tilespmem:$0x50]  }
0x15: {  	v5 =	vld [tilespmem:$0x10];
	v6 =	vadd.s32 $0xFFFF3C00, v2  }
0x16: {  	vm0 =	vlt.s32 v6, $0x0;
	v6 =	vld [tilespmem:$0x1E0]  }
0x17: {  	v7 =	vld [tilespmem:$0xB0];
	v8 =	vsel vm0, $0x0, v0  }
0x18: {  	v10 =	vadd.s32 $0xFFFF3C00, v3;
	v9 =	vld [tilespmem:$0x40];
	v2 =	vadd.s32 v2, v8;
	v8 =	vadd.s32 $0xFFFF3C00, v1  }
0x19: {  	v11 =	vadd.s32 $0xFFFF3C00, v4;
	vm0 =	vlt.s32 v10, $0x0;
	v12 =	vld [tilespmem:$0x80]  }
0x1a: {  	v10 =	vadd.s32 $0xFFFF3C00, v5;
	v14 =	vsel vm0, $0x0, v0;
	vm0 =	vlt.s32 v8, $0x0;
	v13 =	vld [tilespmem:$0x30]  }
0x1b: {  	vm2 =	vlt.s32 v11, $0x0;
	vm1 =	vlt.s32 v10, $0x0;
	v8 =	vadd.s32 $0xFFFF3C00, v6  }
0x1c: {  	v11 =	vsel vm2, $0x0, v0;
	v10 =	vsel vm1, $0x0, v0;
	vm1 =	vlt.s32 v8, $0x0  }
0x1d: {  	v4 =	vadd.s32 v4, v11;
	v5 =	vadd.s32 v5, v10;
	v8 =	vld [tilespmem:$0x0];
	[tilespmem:$0x3C0] =	vst v2;
	v2 =	vsel vm0, $0x0, v0  }
0x1e: {  	v3 =	vadd.s32 v3, v14;
	v10 =	vadd.s32 $0xFFFF3C00, v9;
	v14 =	vsel vm1, $0x0, v0;
	v11 =	vld [tilespmem:$0x70]  }
0x1f: {  	v16 =	vadd.s32 $0xFFFF3C00, v7;
	vm0 =	vlt.s32 v10, $0x0;
	v15 =	vadd.s32 $0xFFFF3C00, v13;
	v10 =	vld [tilespmem:$0x60];
	[tilespmem:$0x3B0] =	vst v3  }
0x20: {  	v17 =	vsel vm0, $0x0, v0;
	vm0 =	vlt.s32 v16, $0x0;
	v3 =	vld [tilespmem:$0x20];
	[tilespmem:$0x250] =	vst v4;
	v4 =	vadd.s32 $0xFFFF3C00, v12  }
0x21: {  	vm1 =	vlt.s32 v15, $0x0;
	v9 =	vadd.s32 v9, v17;
	vm2 =	vlt.s32 v4, $0x0;
	v4 =	vld [tilespmem:$0xF0]  }
0x22: {  	v16 =	vsel vm1, $0x0, v0;
	v15 =	vadd.s32 $0xFFFF3C00, v8;
	[tilespmem:$0x240] =	vst v9;
	v9 =	vsel vm2, $0x0, v0;
	v17 =	vld [tilespmem:$0xE0]  }
0x23: {  	[tilespmem:$0x210] =	vst v5;
	v5 =	vadd.s32 v13, v16;
	v13 =	vadd.s32 $0xFFFF3C00, v11;
	v9 =	vadd.s32 v12, v9;
	v12 =	vld [tilespmem:$0xA0]  }
0x24: {  	v1 =	vadd.s32 v1, v2;
	v2 =	vadd.s32 v6, v14;
	v16 =	vadd.s32 $0xFFFF3C00, v10;
	[tilespmem:$0x280] =	vst v9  }
0x25: {  	v9 =	vsel vm0, $0x0, v0;
	v6 =	vadd.s32 $0xFFFF3C00, v3;
	vm1 =	vlt.s32 v16, $0x0;
	v14 =	vld [tilespmem:$0x140];
	[tilespmem:$0x3D0] =	vst v1  }
0x26: {  	v1 =	vadd.s32 v7, v9;
	vm0 =	vlt.s32 v6, $0x0;
	[tilespmem:$0x230] =	vst v5;
	v5 =	vld [tilespmem:$0xC0];
	v6 =	vadd.s32 $0xFFFF3C00, v4  }
0x27: {  	v9 =	vsel vm1, $0x0, v0;
	v7 =	vsel vm0, $0x0, v0;
	[tilespmem:$0x2B0] =	vst v1;
	v1 =	vld [tilespmem:$0xD0];
	vm0 =	vlt.s32 v6, $0x0  }
0x28: {  	vm1 =	vlt.s32 v13, $0x0;
	v6 =	vadd.s32 v10, v9;
	v3 =	vadd.s32 v3, v7;
	v7 =	vld [tilespmem:$0x90];
	[tilespmem:$0x3E0] =	vst v2  }
0x29: {  	vm2 =	vlt.s32 v15, $0x0;
	v9 =	vadd.s32 $0xFFFF3C00, v17;
	v2 =	vsel vm1, $0x0, v0  }
0x2a: {  	v10 =	vsel vm2, $0x0, v0;
	vm1 =	vlt.s32 v9, $0x0;
	[tilespmem:$0x260] =	vst v6;
	v6 =	vadd.s32 $0xFFFF3C00, v12  }
0x2b: {  	v8 =	vadd.s32 v8, v10;
	v10 =	vadd.s32 $0xFFFF3C00, v14;
	[tilespmem:$0x220] =	vst v3;
	v3 =	vsel vm1, $0x0, v0;
	v9 =	vld [tilespmem:$0x120]  }
0x2c: {  	v2 =	vadd.s32 v11, v2;
	vm1 =	vlt.s32 v10, $0x0;
	[tilespmem:$0x200] =	vst v8;
	v3 =	vadd.s32 v17, v3;
	v8 =	vld [tilespmem:$0x110]  }
0x2d: {  	vm2 =	vlt.s32 v6, $0x0;
	v10 =	vsel vm1, $0x0, v0;
	[tilespmem:$0x270] =	vst v2;
	v2 =	vsel vm0, $0x0, v0;
	v6 =	vld [tilespmem:$0x100]  }
0x2e: {  	v11 =	vadd.s32 $0xFFFF3C00, v5;
	v13 =	vadd.s32 $0xFFFF3C00, v1;
	[tilespmem:$0x2E0] =	vst v3;
	v2 =	vadd.s32 v4, v2;
	v3 =	vld [tilespmem:$0x190]  }
0x2f: {  	vm0 =	vlt.s32 v11, $0x0;
	vm1 =	vlt.s32 v13, $0x0;
	v4 =	vsel vm2, $0x0, v0;
	[tilespmem:$0x2F0] =	vst v2;
	v2 =	vld [tilespmem:$0x180]  }
0x30: {  	v11 =	vsel vm0, $0x0, v0;
	v13 =	vsel vm1, $0x0, v0;
	v15 =	vadd.s32 $0xFFFF3C00, v9;
	v16 =	vld [tilespmem:$0x130]  }
0x31: {  	v5 =	vadd.s32 v5, v11;
	v1 =	vadd.s32 v1, v13;
	vm0 =	vlt.s32 v15, $0x0  }
0x32: {  	v11 =	vadd.s32 $0xFFFF3C00, v7;
	v4 =	vadd.s32 v12, v4;
	[tilespmem:$0x2D0] =	vst v1;
	v1 =	vadd.s32 $0xFFFF3C00, v6  }
0x33: {  	[tilespmem:$0x2A0] =	vst v4;
	vm1 =	vlt.s32 v1, $0x0;
	v1 =	vadd.s32 v14, v10;
	v4 =	vadd.s32 $0xFFFF3C00, v3;
	v10 =	vld [tilespmem:$0x1A0]  }
0x34: {  	v13 =	vsel vm0, $0x0, v0;
	v12 =	vsel vm1, $0x0, v0;
	[tilespmem:$0x340] =	vst v1;
	v1 =	vld [tilespmem:$0x170];
	vm0 =	vlt.s32 v4, $0x0  }
0x35: {  	vm1 =	vlt.s32 v11, $0x0;
	[tilespmem:$0x2C0] =	vst v5;
	v4 =	vadd.s32 v6, v12;
	v5 =	vadd.s32 v9, v13;
	v6 =	vld [tilespmem:$0x160]  }
0x36: {  	v9 =	vsel vm1, $0x0, v0;
	v12 =	vadd.s32 $0xFFFF3C00, v2;
	[tilespmem:$0x320] =	vst v5;
	v5 =	vadd.s32 $0xFFFF3C00, v16;
	v11 =	vld [tilespmem:$0x150]  }
0x37: {  	v7 =	vadd.s32 v7, v9;
	vm2 =	vlt.s32 v12, $0x0;
	[tilespmem:$0x300] =	vst v4;
	vm1 =	vlt.s32 v5, $0x0  }
0x38: {  	v5 =	vsel vm2, $0x0, v0;
	[tilespmem:$0x290] =	vst v7;
	v4 =	vsel vm1, $0x0, v0;
	v7 =	vadd.s32 $0xFFFF3C00, v10;
	v9 =	vld [tilespmem:$0x1F0]  }
0x39: {  	v12 =	vadd.s32 $0xFFFF3C00, v8;
	v2 =	vadd.s32 v2, v5;
	v4 =	vadd.s32 v16, v4  }
0x3a: {  	vm1 =	vlt.s32 v12, $0x0;
	[tilespmem:$0x330] =	vst v4;
	v4 =	vsel vm0, $0x0, v0;
	vm0 =	vlt.s32 v7, $0x0  }
0x3b: {  	v5 =	vadd.s32 $0xFFFF3C00, v6;
	v7 =	vadd.s32 $0xFFFF3C00, v1;
	[tilespmem:$0x380] =	vst v2;
	v2 =	vadd.s32 v3, v4  }
0x3c: {  	vm2 =	vlt.s32 v5, $0x0;
	vm3 =	vlt.s32 v7, $0x0;
	[tilespmem:$0x390] =	vst v2;
	v2 =	vsel vm0, $0x0, v0  }
0x3d: {  	v3 =	vsel vm1, $0x0, v0;
	v4 =	vsel vm3, $0x0, v0;
	v2 =	vadd.s32 v10, v2  }
0x3e: {  	v5 =	vadd.s32 $0xFFFF3C00, v11;
	v1 =	vadd.s32 v1, v4;
	[tilespmem:$0x3A0] =	vst v2;
	v2 =	vadd.s32 $0xFFFF3C00, v9  }
0x3f: {  	v3 =	vadd.s32 v8, v3;
	vm0 =	vlt.s32 v5, $0x0;
	v4 =	vsel vm2, $0x0, v0;
	[tilespmem:$0x370] =	vst v1  }
0x40: {  	v1 =	vsel vm0, $0x0, v0;
	vm0 =	vlt.s32 v2, $0x0;
	[tilespmem:$0x310] =	vst v3;
	v3 =	vadd.s32 v6, v4  }
0x41: {  	v1 =	vadd.s32 v11, v1;
	v2 =	vsel vm0, $0x0, v0;
	[tilespmem:$0x360] =	vst v3  }
0x42: {  	[tilespmem:$0x350] =	vst v1;
	v1 =	vadd.s32 v9, v2  }
0x43: {  	[tilespmem:$0x3F0] =	vst v1  }
0x44: {  	[tilespmem:s13], [sflag:$0x1] =	stream.indirect.gather [hbm4b:s6+s14], $0x80, s15, s14, $0xb8;
	[tilespmem:$0x10400] =	vst v63  }
0x45: {  	_ = 	snop  }
0x46: {  	[tilespmem:s12], [sflag:$0x1] =	stream.indirect.gather [hbm4b:s6+s14], $0x80, s16, s14, $0xb8;
	[tilespmem:$0x10400] =	vst v63  }
0x47: {  	_ = 	snop  }
0x48: {  	[tilespmem:s10], [sflag:$0x1] =	stream.indirect.gather [hbm4b:s6+s14], $0x80, s17, s14, $0xb8;
	[tilespmem:$0x10400] =	vst v63  }
0x49: {  	_ = 	snop  }
0x4a: {  	[tilespmem:s9], [sflag:$0x1] =	stream.indirect.gather [hbm4b:s6+s14], $0x80, s18, s14, $0xb8;
	[tilespmem:$0x10400] =	vst v63  }
0x4b: {  	_ =	swait.ge [sflag:s11], $0x4000  }
0x4c: {  	[sflag:s11] =	ssyncset.done $0x0  }
0x4d: {  	[sflag:s11] =	ssyncadd.s32 $0xFFFFC000  }
0x4e: {  	[hbm4b:s8+s2] =	stream.linear.scatter [tilespmem:s13], [sflag:$0x2], $0x4000, $0x38;
	[tilespmem:$0x10400] =	vst v63  }
0x4f: {  	_ =	swait.ge [sflag:s3], $0x4000  }
0x50: {  	[sflag:s3] =	ssyncset.done $0x0  }
0x51: {  	[sflag:s3] =	ssyncadd.s32 $0xFFFFC000  }
0x52: {  	_ =	swait.ge [sflag:s11], $0x4000  }
0x53: {  	[sflag:s11] =	ssyncset.done $0x0  }
0x54: {  	[sflag:s11] =	ssyncadd.s32 $0xFFFFC000  }
0x55: {  	[hbm4b:s7+s2] =	stream.linear.scatter [tilespmem:s12], [sflag:$0x2], $0x4000, $0x38;
	[tilespmem:$0x10400] =	vst v63  }
0x56: {  	_ =	swait.ge [sflag:s3], $0x4000  }
0x57: {  	[sflag:s3] =	ssyncset.done $0x0  }
0x58: {  	[sflag:s3] =	ssyncadd.s32 $0xFFFFC000  }
0x59: {  	_ =	swait.ge [sflag:s11], $0x4000  }
0x5a: {  	[sflag:s11] =	ssyncset.done $0x0  }
0x5b: {  	[sflag:s11] =	ssyncadd.s32 $0xFFFFC000  }
0x5c: {  	[hbm4b:s5+s2] =	stream.linear.scatter [tilespmem:s10], [sflag:$0x2], $0x4000, $0x38;
	[tilespmem:$0x10400] =	vst v63  }
0x5d: {  	_ =	swait.ge [sflag:s3], $0x4000  }
0x5e: {  	[sflag:s3] =	ssyncset.done $0x0  }
0x5f: {  	[sflag:s3] =	ssyncadd.s32 $0xFFFFC000  }
0x60: {  	_ =	swait.ge [sflag:s11], $0x4000  }
0x61: {  	[sflag:s11] =	ssyncset.done $0x0  }
0x62: {  	[sflag:s11] =	ssyncadd.s32 $0xFFFFC000  }
0x63: {  	[hbm4b:s4+s2] =	stream.linear.scatter [tilespmem:s9], [sflag:$0x2], $0x4000, $0x38;
	[tilespmem:$0x10400] =	vst v63  }
0x64: {  	_ =	swait.ge [sflag:s3], $0x4000  }
0x65: {  	[sflag:s3] =	ssyncset.done $0x0  }
0x66: {  	[sflag:s3] =	ssyncadd.s32 $0xFFFFC000  }
0x67: {  	[tilespmem:s2], [sflag:$0x2] =	stream.linear.gather [hbm4b:s19+s2], $0x200, $0x38;
	[tilespmem:$0x10400] =	vst v63  }
.Ltmp1:
0x68: {  	_ =	swait.ge [sflag:s3], $0x200;
	(pc) =	sbr.rel @p0 .LBB2_1-.Ltmp1, $4  }
0x69: {  	[sflag:s3] =	ssyncset.done $0x0  }
0x6a: {  	[sflag:s3] =	ssyncadd.s32 $0xFFFFFE00  }
0x6b: {  	v2 =	vld [tilespmem:$0x1C0]  }
0x6c: {  	v1 =	vld [tilespmem:$0x1D0]  }
.LBB2_2:
0x6d: {  	v3 =	vld [tilespmem:$0x1B0]  }
0x6e: {  	v4 =	vld [tilespmem:$0x50]  }
0x6f: {  	v5 =	vld [tilespmem:$0x10]  }
0x70: {  	v27 =	vld [tilespmem:$0x1E0]  }
0x71: {  	v8 =	vld [tilespmem:$0xB0]  }
0x72: {  	v29 =	vld [tilespmem:$0x40]  }
0x73: {  	v12 =	vld [tilespmem:$0x30]  }
0x74: {  	v31 =	vld [tilespmem:$0x80]  }
0x75: {  	v34 =	vld [tilespmem:$0x0]  }
0x76: {  	v15 =	vld [tilespmem:$0x70]  }
0x77: {  	v38 =	vld [tilespmem:$0x60]  }
0x78: {  	v18 =	vld [tilespmem:$0x20]  }
0x79: {  	v40 =	vld [tilespmem:$0xF0]  }
0x7a: {  	v45 =	vld [tilespmem:$0xE0]  }
0x7b: {  	v48 =	vld [tilespmem:$0xA0];
	v6 =	vadd.s32 $0xFFFF3C00, v2  }
0x7c: {  	v51 =	vld [tilespmem:$0x140];
	vm0 =	vlt.s32 v6, $0x0  }
0x7d: {  	v56 =	vld [tilespmem:$0xC0];
	v10 =	vadd.s32 $0xFFFF3C00, v1;
	v7 =	vsel vm0, $0x0, v0;
	v9 =	vadd.s32 $0xFFFF3C00, v3  }
0x7e: {  	v57 =	vld [tilespmem:$0xD0];
	v11 =	vadd.s32 $0xFFFF3C00, v4;
	v30 =	vadd.s32 $0xFFFF3C00, v5;
	vm13 =	vlt.s32 v10, $0x0  }
0x7f: {  	v32 =	vadd.s32 $0xFFFF3C00, v27;
	v36 =	vadd.s32 $0xFFFF3C00, v29;
	v16 =	vadd.s32 $0xFFFF3C00, v12  }
0x80: {  	v17 =	vadd.s32 $0xFFFF3C00, v8;
	v39 =	vadd.s32 $0xFFFF3C00, v31;
	v43 =	vadd.s32 $0xFFFF3C00, v34  }
0x81: {  	v44 =	vadd.s32 $0xFFFF3C00, v15;
	v47 =	vadd.s32 $0xFFFF3C00, v38;
	v49 =	vadd.s32 $0xFFFF3C00, v18  }
0x82: {  	v52 =	vadd.s32 $0xFFFF3C00, v40;
	v59 =	vadd.s32 $0xFFFF3C00, v45;
	v61 =	vadd.s32 $0xFFFF3C00, v48  }
0x83: {  	v20 =	vadd.s32 $0xFFFF3C00, v51;
	v24 =	vadd.s32 $0xFFFF3C00, v56;
	v25 =	vadd.s32 $0xFFFF3C00, v57  }
0x84: {  	v28 =	vadd.s32 v2, v7;
	vm12 =	vlt.s32 v9, $0x0;
	vm1 =	vlt.s32 v30, $0x0  }
0x85: {  	v23 =	vld [tilespmem:$0x100];
	vm2 =	vlt.s32 v11, $0x0;
	vm14 =	vlt.s32 v32, $0x0;
	v35 =	vsel vm13, $0x0, v0  }
0x86: {  	vm15 =	vlt.s32 v36, $0x0;
	vm4 =	vlt.s32 v16, $0x0;
	vm5 =	vlt.s32 v39, $0x0  }
0x87: {  	vm6 =	vlt.s32 v17, $0x0;
	vm7 =	vlt.s32 v47, $0x0;
	vm8 =	vlt.s32 v49, $0x0  }
0x88: {  	vm9 =	vlt.s32 v52, $0x0;
	vm10 =	vlt.s32 v44, $0x0;
	vm11 =	vlt.s32 v43, $0x0  }
0x89: {  	vm13 =	vlt.s32 v20, $0x0;
	v13 =	vsel vm12, $0x0, v0;
	[tilespmem:$0x3C0] =	vst v28;
	v46 =	vadd.s32 v1, v35  }
0x8a: {  	v32 =	vadd.s32 $0xFFFF3C00, v23;
	v14 =	vsel vm2, $0x0, v0;
	v3 =	vadd.s32 v3, v13;
	[tilespmem:$0x3D0] =	vst v46  }
0x8b: {  	v33 =	vsel vm1, $0x0, v0;
	v19 =	vsel vm15, $0x0, v0;
	v4 =	vadd.s32 v4, v14;
	[tilespmem:$0x3B0] =	vst v3  }
0x8c: {  	v37 =	vsel vm14, $0x0, v0;
	v41 =	vsel vm4, $0x0, v0;
	v7 =	vadd.s32 v29, v19;
	[tilespmem:$0x250] =	vst v4  }
0x8d: {  	v42 =	vsel vm5, $0x0, v0;
	v50 =	vsel vm6, $0x0, v0;
	v5 =	vadd.s32 v5, v33;
	[tilespmem:$0x240] =	vst v7  }
0x8e: {  	v53 =	vsel vm8, $0x0, v0;
	v54 =	vsel vm7, $0x0, v0;
	v10 =	vadd.s32 v31, v42;
	[tilespmem:$0x210] =	vst v5  }
0x8f: {  	v63 =	vld [tilespmem:$0x120];
	v58 =	vsel vm10, $0x0, v0;
	v60 =	vsel vm11, $0x0, v0;
	v12 =	vadd.s32 v12, v41;
	[tilespmem:$0x280] =	vst v10  }
0x90: {  	v21 =	vld [tilespmem:$0x90];
	vm12 =	vlt.s32 v59, $0x0;
	vm14 =	vlt.s32 v61, $0x0;
	v8 =	vadd.s32 v8, v50;
	[tilespmem:$0x230] =	vst v12  }
0x91: {  	v26 =	vld [tilespmem:$0x190];
	v22 =	vsel vm9, $0x0, v0;
	vm15 =	vlt.s32 v24, $0x0;
	v6 =	vadd.s32 v27, v37;
	[tilespmem:$0x2B0] =	vst v8  }
0x92: {  	vm4 =	vlt.s32 v25, $0x0;
	vm6 =	vlt.s32 v32, $0x0;
	v11 =	vadd.s32 v38, v54;
	[tilespmem:$0x3E0] =	vst v6  }
0x93: {  	v55 =	vadd.s32 v18, v53;
	v1 =	vadd.s32 v34, v60;
	v62 =	vsel vm12, $0x0, v0;
	[tilespmem:$0x260] =	vst v11  }
0x94: {  	v30 =	vld [tilespmem:$0x130];
	v13 =	vadd.s32 v15, v58;
	v14 =	vsel vm13, $0x0, v0;
	v27 =	vsel vm14, $0x0, v0;
	[tilespmem:$0x220] =	vst v55  }
0x95: {  	v28 =	vld [tilespmem:$0x180];
	v15 =	vsel vm4, $0x0, v0;
	v29 =	vadd.s32 $0xFFFF3C00, v63;
	v31 =	vadd.s32 $0xFFFF3C00, v21;
	[tilespmem:$0x200] =	vst v1  }
0x96: {  	v35 =	vld [tilespmem:$0x110];
	v33 =	vadd.s32 $0xFFFF3C00, v26;
	v36 =	vsel vm6, $0x0, v0;
	v2 =	vadd.s32 v45, v62;
	[tilespmem:$0x270] =	vst v13  }
0x97: {  	v34 =	vld [tilespmem:$0x1A0];
	v6 =	vadd.s32 v40, v22;
	v11 =	vsel vm15, $0x0, v0;
	v10 =	vadd.s32 v57, v15;
	[tilespmem:$0x2E0] =	vst v2  }
0x98: {  	v38 =	vld [tilespmem:$0x170];
	vm5 =	vlt.s32 v29, $0x0;
	v3 =	vadd.s32 v48, v27;
	v4 =	vadd.s32 v51, v14;
	[tilespmem:$0x2F0] =	vst v6  }
0x99: {  	v41 =	vld [tilespmem:$0x160];
	vm7 =	vlt.s32 v33, $0x0;
	vm8 =	vlt.s32 v31, $0x0;
	v39 =	vadd.s32 v23, v36;
	[tilespmem:$0x2D0] =	vst v10  }
0x9a: {  	v46 =	vld [tilespmem:$0x150];
	v7 =	vadd.s32 v56, v11;
	v37 =	vsel vm5, $0x0, v0;
	[tilespmem:$0x2A0] =	vst v3;
	v42 =	vsel vm8, $0x0, v0  }
0x9b: {  	v50 =	vld [tilespmem:$0x1F0];
	[tilespmem:$0x340] =	vst v4;
	v52 =	vsel vm7, $0x0, v0;
	v40 =	vadd.s32 v63, v37;
	v43 =	vadd.s32 $0xFFFF3C00, v30  }
0x9c: {  	[tilespmem:$0x2C0] =	vst v7;
	v45 =	vadd.s32 v21, v42;
	v7 =	vadd.s32 v26, v52;
	v44 =	vadd.s32 $0xFFFF3C00, v28  }
0x9d: {  	[tilespmem:$0x300] =	vst v39;
	vm9 =	vlt.s32 v43, $0x0;
	v51 =	vadd.s32 $0xFFFF3C00, v35;
	vm10 =	vlt.s32 v44, $0x0  }
0x9e: {  	[tilespmem:$0x320] =	vst v40;
	v47 =	vsel vm9, $0x0, v0;
	v49 =	vadd.s32 $0xFFFF3C00, v34;
	vm11 =	vlt.s32 v51, $0x0  }
0x9f: {  	[tilespmem:$0x290] =	vst v45;
	v53 =	vadd.s32 $0xFFFF3C00, v41;
	v54 =	vadd.s32 $0xFFFF3C00, v38;
	v58 =	vadd.s32 $0xFFFF3C00, v46  }
0xa0: {  	[tilespmem:$0x390] =	vst v7;
	v59 =	vadd.s32 $0xFFFF3C00, v50;
	v48 =	vsel vm10, $0x0, v0;
	v8 =	vadd.s32 v30, v47  }
0xa1: {  	vm12 =	vlt.s32 v49, $0x0;
	v56 =	vsel vm11, $0x0, v0;
	v1 =	vadd.s32 v28, v48;
	[tilespmem:$0x330] =	vst v8  }
0xa2: {  	vm3 =	vlt.s32 v54, $0x0;
	v55 =	vsel vm12, $0x0, v0;
	v7 =	vadd.s32 v35, v56;
	[tilespmem:$0x380] =	vst v1  }
0xa3: {  	vm13 =	vlt.s32 v53, $0x0;
	v57 =	vsel vm3, $0x0, v0;
	v1 =	vadd.s32 v34, v55;
	[tilespmem:$0x310] =	vst v7  }
0xa4: {  	vm14 =	vlt.s32 v58, $0x0;
	v60 =	vsel vm13, $0x0, v0;
	v3 =	vadd.s32 v38, v57;
	[tilespmem:$0x3A0] =	vst v1  }
0xa5: {  	vm15 =	vlt.s32 v59, $0x0;
	v61 =	vsel vm14, $0x0, v0;
	v4 =	vadd.s32 v41, v60;
	[tilespmem:$0x370] =	vst v3  }
0xa6: {  	v63 =	vsel vm15, $0x0, v0;
	v62 =	vadd.s32 v46, v61;
	[tilespmem:$0x360] =	vst v4  }
0xa7: {  	v0 =	vadd.s32 v50, v63;
	[tilespmem:$0x350] =	vst v62  }
0xa8: {  	[tilespmem:$0x3F0] =	vst v0  }
0xa9: {  	[tilespmem:s13], [sflag:$0x1] =	stream.indirect.gather [hbm4b:s6+s14], $0x80, s15, s14, $0xb8;
	[tilespmem:$0x10400] =	vst v63  }
0xaa: {  	_ = 	snop  }
0xab: {  	[tilespmem:s12], [sflag:$0x1] =	stream.indirect.gather [hbm4b:s6+s14], $0x80, s16, s14, $0xb8;
	[tilespmem:$0x10400] =	vst v63  }
0xac: {  	_ = 	snop  }
0xad: {  	[tilespmem:s10], [sflag:$0x1] =	stream.indirect.gather [hbm4b:s6+s14], $0x80, s17, s14, $0xb8;
	[tilespmem:$0x10400] =	vst v63  }
0xae: {  	_ = 	snop  }
0xaf: {  	[tilespmem:s9], [sflag:$0x1] =	stream.indirect.gather [hbm4b:s6+s14], $0x80, s18, s14, $0xb8;
	[tilespmem:$0x10400] =	vst v63  }
0xb0: {  	_ =	swait.ge [sflag:s11], $0x4000  }
0xb1: {  	[sflag:s11] =	ssyncset.done $0x0  }
0xb2: {  	[sflag:s11] =	ssyncadd.s32 $0xFFFFC000  }
0xb3: {  	[hbm4b:s8+s2] =	stream.linear.scatter [tilespmem:s13], [sflag:$0x2], $0x4000, $0x38;
	[tilespmem:$0x10400] =	vst v63  }
0xb4: {  	_ =	swait.ge [sflag:s3], $0x4000  }
0xb5: {  	[sflag:s3] =	ssyncset.done $0x0  }
0xb6: {  	[sflag:s3] =	ssyncadd.s32 $0xFFFFC000  }
0xb7: {  	_ =	swait.ge [sflag:s11], $0x4000  }
0xb8: {  	[sflag:s11] =	ssyncset.done $0x0  }
0xb9: {  	[sflag:s11] =	ssyncadd.s32 $0xFFFFC000  }
0xba: {  	[hbm4b:s7+s2] =	stream.linear.scatter [tilespmem:s12], [sflag:$0x2], $0x4000, $0x38;
	[tilespmem:$0x10400] =	vst v63  }
0xbb: {  	_ =	swait.ge [sflag:s3], $0x4000  }
0xbc: {  	[sflag:s3] =	ssyncset.done $0x0  }
0xbd: {  	[sflag:s3] =	ssyncadd.s32 $0xFFFFC000  }
0xbe: {  	_ =	swait.ge [sflag:s11], $0x4000  }
0xbf: {  	[sflag:s11] =	ssyncset.done $0x0  }
0xc0: {  	[sflag:s11] =	ssyncadd.s32 $0xFFFFC000  }
0xc1: {  	[hbm4b:s5+s2] =	stream.linear.scatter [tilespmem:s10], [sflag:$0x2], $0x4000, $0x38;
	[tilespmem:$0x10400] =	vst v63  }
0xc2: {  	_ =	swait.ge [sflag:s3], $0x4000  }
0xc3: {  	[sflag:s3] =	ssyncset.done $0x0  }
0xc4: {  	[sflag:s3] =	ssyncadd.s32 $0xFFFFC000  }
0xc5: {  	_ =	swait.ge [sflag:s11], $0x4000  }
0xc6: {  	[sflag:s11] =	ssyncset.done $0x0  }
0xc7: {  	[sflag:s11] =	ssyncadd.s32 $0xFFFFC000  }
0xc8: {  	[hbm4b:s4+s2] =	stream.linear.scatter [tilespmem:s9], [sflag:$0x2], $0x4000, $0x38;
	[tilespmem:$0x10400] =	vst v63  }
0xc9: {  	_ =	swait.ge [sflag:s3], $0x4000  }
0xca: {  	[sflag:s3] =	ssyncset.done $0x0  }
0xcb: {  	[sflag:s3] =	ssyncadd.s32 $0xFFFFC000  }
0xcc: {  	_ =	sfence.sel $0x180000  }
0xcd: {  	[bflag:$0x0] =	sbarrier.arrive $0xFFFF  }
0xce: {  	p0 =	sne.s32 s1, $0x0;
	_ =	strace $0x9000004A  }
0xcf: {  	s0 =	sadd.s32 @!p0 $0x100000, s0;
	[bflag:$0x2] =	sbarrier.arrive $0xFFFF  }
0xd0: {  	[sflag:s0] =	ssyncadd.tile.s32 @!p0 $0x1;
	_ =	shalt  }
.Lfunc_end2:
_tile_overlayer_lowered:
.L_overlay_start_2:
0xd1: {  	(tag) =	ssettag $0x2  }
0xd2: {  	s0 =	rddreg [dreg:$0x0];
	s2 =	stileid.u32  }
0xd3: {  	s1 =	rddreg [dreg:$0x1];
	p0 =	sne.s32 s2, $0x0  }
0xd4: {  	s3 =	rddreg [dreg:$0x2];
	[bflag:$0x3] =	sbarrier.arrive $0xFFFF;
	s2 =	simm.s32 @!p0 $0x1C02  }
0xd5: {  	[timem:s3], [sflag:s2] =	dma.local @!p0 [hbm:s0], s1  }
0xd6: {  	s0 =	simm.s32 @!p0 $0x2  }
0xd7: {  	_ =	swait.ge @!p0 [sflag:s0], s1  }
0xd8: {  	s1 =	ssub.s32 @!p0 $0x0, s1;
	[sflag:s0] =	ssyncset.done @!p0 $0x0  }
0xd9: {  	[sflag:s0] =	ssyncadd.s32 @!p0 s1  }
0xda: {  	[bflag:$0x3] =	sbarrier.arrive $0xFFFF  }
0xdb: {  	_ =	shalt  }

</sc_bundles>
